<compile_context>
chip_gen: v7x
topology: tpu7x:2x2x1
jax: 0.10.2.dev20260603
libtpu: 0.0.44.dev20260713+nightly
codegen_flags: <defaults>
</compile_context>

<pallas_src>
import functools

import jax
import jax.numpy as jnp
from jax import lax
from jax.experimental import pallas as pl
from jax.experimental.pallas import tpu as pltpu
from jax.experimental.pallas import tpu_sc as plsc

F = 2048
E = 16
T = 8192
L = 16
NC = 2
NS = 16
NW = NC * NS

T_SC = 256
SPLIT = T - T_SC
TPW = T_SC // NW
BLOCK_T = SPLIT // 8



def _tc_body(x_ref, w_ref, b_ref, o_ref):
    logits = lax.dot_general(
        x_ref[...], w_ref[...], (((1,), (1,)), ((), ())),
        preferred_element_type=jnp.float32,
    ) + b_ref[...]
    m = jnp.max(logits, axis=-1, keepdims=True)
    e = jnp.exp(logits - m)
    o_ref[...] = e / jnp.sum(e, axis=-1, keepdims=True)


def _tc_router(x, W, b2):
    return pl.pallas_call(
        _tc_body,
        grid=(SPLIT // BLOCK_T,),
        in_specs=[
            pl.BlockSpec((BLOCK_T, F), lambda i: (i, 0)),
            pl.BlockSpec((E, F), lambda i: (0, 0)),
            pl.BlockSpec((1, E), lambda i: (0, 0)),
        ],
        out_specs=pl.BlockSpec((BLOCK_T, E), lambda i: (i, 0)),
        out_shape=jax.ShapeDtypeStruct((SPLIT, E), jnp.float32),
    )(x, W, b2)



def _lane_perm(v, idx):
    return lax.gather(
        v, idx[:, None],
        dimension_numbers=lax.GatherDimensionNumbers(
            offset_dims=(), collapsed_slice_dims=(0,), start_index_map=(0,)),
        slice_sizes=(1,),
        mode=lax.GatherScatterMode.PROMISE_IN_BOUNDS,
    )


def _sc_body(x_hbm, wt_hbm, b_hbm, out_hbm, wt_v, b_v, xb, obuf, sem_x, sem_w):
    wid = lax.axis_index("s") * NC + lax.axis_index("c")
    base = wid * TPW
    xcp = pltpu.make_async_copy(x_hbm.at[pl.ds(base, TPW)], xb, sem_x)
    xcp.start()
    wcp = pltpu.make_async_copy(wt_hbm, wt_v, sem_w)
    wcp.start()
    pltpu.sync_copy(b_hbm, b_v)
    bvec = b_v[...]
    wcp.wait()
    xcp.wait()

    zero = jnp.zeros((L,), jnp.float32)
    lanes = lax.iota(jnp.int32, L)

    for t in range(TPW):
        def k_body(k, accs):
            acc_a, acc_b = accs
            xv = xb[t, pl.ds(k * L, L)]
            for j in range(L):
                w = wt_v[k * L + j, :]
                if j % 2 == 0:
                    acc_a = acc_a + xv[j] * w
                else:
                    acc_b = acc_b + xv[j] * w
            return (acc_a, acc_b)

        acc_a, acc_b = lax.fori_loop(0, F // L, k_body, (bvec, zero))
        acc = acc_a + acc_b
        m = acc
        for st in (1, 2, 4, 8):
            m = jnp.maximum(m, _lane_perm(m, lanes ^ st))
        e = jnp.exp(acc - m)
        s = e
        for st in (1, 2, 4, 8):
            s = s + _lane_perm(s, lanes ^ st)
        obuf[t, :] = e / s

    pltpu.sync_copy(obuf, out_hbm.at[pl.ds(base, TPW)])


def _sc_router(x_sc, wt, b):
    mesh = plsc.VectorSubcoreMesh(core_axis_name="c", subcore_axis_name="s")
    return functools.partial(
        pl.kernel,
        out_type=jax.ShapeDtypeStruct((T_SC, E), jnp.float32),
        mesh=mesh,
        scratch_types=[
            pltpu.VMEM((F, E), jnp.float32),
            pltpu.VMEM((L,), jnp.float32),
            pltpu.VMEM((TPW, F), jnp.float32),
            pltpu.VMEM((TPW, E), jnp.float32),
            pltpu.SemaphoreType.DMA,
            pltpu.SemaphoreType.DMA,
        ],
        compiler_params=pltpu.CompilerParams(
            use_tc_tiling_on_sc=False, needs_layout_passes=False),
    )(_sc_body)(x_sc, wt, b)


def kernel(x, W, b):
    tc_out = _tc_router(x, W, b.reshape(1, E))
    x_sc = lax.slice(x, (SPLIT, 0), (T, F))
    sc_out = _sc_router(x_sc, W.T, b)
    return jnp.concatenate([tc_out, sc_out], axis=0)

# --- scband reference (transcript-rebuilt; emitter-appended) ---
"""Pipeline reference for scband-ffnrouter-49469433315507 (READ-ONLY COPY).

The authoritative reference and input builder live on the scoring server;
editing this copy changes nothing except your own understanding.
"""

import jax, jax.numpy as jnp
import numpy as np

FEATURE_DIM = 2048
NUM_EXPERT = 16
TOKENS = 8192

def setup_inputs(seed: int = 0) -> dict:
    key = jax.random.key(seed)
    k1, k2, k3 = jax.random.split(key, 3)
    x = jax.random.normal(k1, (TOKENS, FEATURE_DIM), dtype=jnp.float32)
    # nn.Linear(feature_dim, num_expert): weight [num_expert, feature_dim], bias [num_expert]
    bound = 1.0 / np.sqrt(FEATURE_DIM)
    W = jax.random.uniform(k2, (NUM_EXPERT, FEATURE_DIM), dtype=jnp.float32, minval=-bound, maxval=bound)
    b = jax.random.uniform(k3, (NUM_EXPERT,), dtype=jnp.float32, minval=-bound, maxval=bound)
    return {"x": x, "W": W, "b": b}

def reference(x, W, b):
    # logits = dropout(Linear(x)); dropout is identity in eval mode
    logits = x @ W.T + b
    return jax.nn.softmax(logits, axis=-1)

if __name__ == "__main__":
    import jax
    _d = setup_inputs()
    print(jax.jit(kernel)(*tuple(_d.values())))

</pallas_src>

<mosaic_0001>
#map = affine_map<(d0, d1) -> (0, 0)>
#map1 = affine_map<(d0, d1) -> (0)>
module attributes {stable_mosaic.version = 14 : i64} {
  func.func @_sc_body(%arg0: i32, %arg1: i32, %arg2: memref<256x2048xf32, #tpu.memory_space<hbm>>, %arg3: memref<2048x16xf32, #tpu.memory_space<hbm>>, %arg4: memref<16xf32, #tpu.memory_space<hbm>>, %arg5: memref<256x16xf32, #tpu.memory_space<hbm>>, %arg6: memref<2048x16xf32, #tpu.memory_space<vmem>>, %arg7: memref<16xf32, #tpu.memory_space<vmem>>, %arg8: memref<8x2048xf32, #tpu.memory_space<vmem>>, %arg9: memref<8x16xf32, #tpu.memory_space<vmem>>, %arg10: memref<!tpu.dma_semaphore, #tpu.memory_space<semaphore_mem>>, %arg11: memref<!tpu.dma_semaphore, #tpu.memory_space<semaphore_mem>>) attributes {dimension_semantics = [#tpu.dimension_semantics<core_parallel>, #tpu.dimension_semantics<subcore_parallel>], iteration_bounds = array<i64: 2, 16>, scalar_prefetch = 0 : i64, scratch_operands = 6 : i64, tpu.core_type = #tpu.core_type<sc_vector_subcore>, window_params = [{transform_indices = #map}, {transform_indices = #map}, {transform_indices = #map1}, {transform_indices = #map}]} {
    %mul3A = arith.constant 2 : i32
    %mul3A_0 = arith.muli %arg1, %mul3A : i32
    %add3A = arith.addi %mul3A_0, %arg0 : i32
    %mul3A_1 = arith.constant 8 : i32
    %mul3A_2 = arith.muli %add3A, %mul3A_1 : i32
    %dma_start3A = arith.constant 0 : i32
    %dma_start3A_3 = tpu.memref_slice %arg2[%mul3A_2, %dma_start3A] : memref<256x2048xf32, #tpu.memory_space<hbm>> -> memref<8x2048xf32, #tpu.memory_space<hbm>>
    %dma_start3A_4 = arith.constant 0 : i32
    %dma_start3A_5 = tpu.memref_slice %arg2[%mul3A_2, %dma_start3A_4] : memref<256x2048xf32, #tpu.memory_space<hbm>> -> memref<8x2048xf32, #tpu.memory_space<hbm>>
    tpu.enqueue_dma source(%dma_start3A_5 : memref<8x2048xf32, #tpu.memory_space<hbm>>) target(%arg8 : memref<8x2048xf32, #tpu.memory_space<vmem>>) target_semaphore(%arg10 : memref<!tpu.dma_semaphore, #tpu.memory_space<semaphore_mem>>)
    tpu.enqueue_dma source(%arg3 : memref<2048x16xf32, #tpu.memory_space<hbm>>) target(%arg6 : memref<2048x16xf32, #tpu.memory_space<vmem>>) target_semaphore(%arg11 : memref<!tpu.dma_semaphore, #tpu.memory_space<semaphore_mem>>)
    "tpu.region"() ({
      %run_scoped3A = tpu.sem_alloc : memref<!tpu.dma_semaphore, #tpu.memory_space<semaphore_mem>>
      tpu.enqueue_dma source(%arg4 : memref<16xf32, #tpu.memory_space<hbm>>) target(%arg7 : memref<16xf32, #tpu.memory_space<vmem>>) target_semaphore(%run_scoped3A : memref<!tpu.dma_semaphore, #tpu.memory_space<semaphore_mem>>)
      tpu.wait_dma2 semaphore(%run_scoped3A : memref<!tpu.dma_semaphore, #tpu.memory_space<semaphore_mem>>) src(%arg4 : memref<16xf32, #tpu.memory_space<hbm>>) dst(%arg7 : memref<16xf32, #tpu.memory_space<vmem>>)
      tpu.yield
    }) : () -> ()
    %get3A = arith.constant 0 : index
    %get3A_6 = tpu.vector_load %arg7[%get3A] {strides = array<i32>} : memref<16xf32, #tpu.memory_space<vmem>>, vector<16xf32>,
    tpu.wait_dma2 semaphore(%arg11 : memref<!tpu.dma_semaphore, #tpu.memory_space<semaphore_mem>>) src(%arg3 : memref<2048x16xf32, #tpu.memory_space<hbm>>) dst(%arg6 : memref<2048x16xf32, #tpu.memory_space<vmem>>)
    %dma_wait3A = arith.constant 0 : i32
    %dma_wait3A_7 = tpu.memref_slice %arg2[%mul3A_2, %dma_wait3A] : memref<256x2048xf32, #tpu.memory_space<hbm>> -> memref<8x2048xf32, #tpu.memory_space<hbm>>
    %dma_wait3A_8 = arith.constant 0 : i32
    %dma_wait3A_9 = tpu.memref_slice %arg2[%mul3A_2, %dma_wait3A_8] : memref<256x2048xf32, #tpu.memory_space<hbm>> -> memref<8x2048xf32, #tpu.memory_space<hbm>>
    tpu.wait_dma2 semaphore(%arg10 : memref<!tpu.dma_semaphore, #tpu.memory_space<semaphore_mem>>) src(%dma_wait3A_9 : memref<8x2048xf32, #tpu.memory_space<hbm>>) dst(%arg8 : memref<8x2048xf32, #tpu.memory_space<vmem>>)
    %broadcast_in_dim3A = arith.constant 0.000000e+00 : f32
    %broadcast_in_dim3A_10 = vector.broadcast %broadcast_in_dim3A : f32 to vector<16xf32>
    %iota3A = tpu.iota {dimensions = array<i32: 0>} : vector<16xi32>
    %scan3A = arith.constant 0 : i32
    %scan3A_11 = arith.constant 128 : i32
    %scan3A_12 = arith.addi %scan3A, %scan3A_11 : i32
    %scan3A_13 = arith.constant 1 : i32
    %scan3A_14:2 = scf.for %scan3A_563 = %scan3A to %scan3A_12 step %scan3A_13 iter_args(%scan3A_564 = %get3A_6, %scan3A_565 = %broadcast_in_dim3A_10) -> (vector<16xf32>, vector<16xf32>)  : i32 {
      %mul3A_566 = arith.constant 16 : i32
      %mul3A_567 = arith.muli %scan3A_563, %mul3A_566 : i32
      %get3A_568 = arith.constant 0 : i32
      %get3A_569 = arith.index_cast %get3A_568 : i32 to index
      %get3A_570 = arith.index_cast %mul3A_567 : i32 to index
      %get3A_571 = tpu.vector_load %arg8[%get3A_569, %get3A_570] {strides = array<i32>} : memref<8x2048xf32, #tpu.memory_space<vmem>>, vector<16xf32>,
      %mul3A_572 = arith.constant 16 : i32
      %mul3A_573 = arith.muli %scan3A_563, %mul3A_572 : i32
      %add3A_574 = arith.constant 0 : i32
      %add3A_575 = arith.addi %mul3A_573, %add3A_574 : i32
      %get3A_576 = arith.index_cast %add3A_575 : i32 to index
      %get3A_577 = arith.constant 0 : index
      %get3A_578 = tpu.vector_load %arg6[%get3A_576, %get3A_577] {strides = array<i32>} : memref<2048x16xf32, #tpu.memory_space<vmem>>, vector<16xf32>,
      %slice3A = vector.extract_strided_slice %get3A_571 {offsets = [0], sizes = [1], strides = [1]} : vector<16xf32> to vector<1xf32>
      %squeeze3A = vector.extract %slice3A[0] : f32 from vector<1xf32>
      %mul3A_579 = vector.broadcast %squeeze3A : f32 to vector<16xf32>
      %mul3A_580 = arith.mulf %mul3A_579, %get3A_578 : vector<16xf32>
      %add3A_581 = arith.addf %scan3A_564, %mul3A_580 : vector<16xf32>
      %mul3A_582 = arith.constant 16 : i32
      %mul3A_583 = arith.muli %scan3A_563, %mul3A_582 : i32
      %add3A_584 = arith.constant 1 : i32
      %add3A_585 = arith.addi %mul3A_583, %add3A_584 : i32
      %get3A_586 = arith.index_cast %add3A_585 : i32 to index
      %get3A_587 = arith.constant 0 : index
      %get3A_588 = tpu.vector_load %arg6[%get3A_586, %get3A_587] {strides = array<i32>} : memref<2048x16xf32, #tpu.memory_space<vmem>>, vector<16xf32>,
      %slice3A_589 = vector.extract_strided_slice %get3A_571 {offsets = [1], sizes = [1], strides = [1]} : vector<16xf32> to vector<1xf32>
      %squeeze3A_590 = vector.extract %slice3A_589[0] : f32 from vector<1xf32>
      %mul3A_591 = vector.broadcast %squeeze3A_590 : f32 to vector<16xf32>
      %mul3A_592 = arith.mulf %mul3A_591, %get3A_588 : vector<16xf32>
      %add3A_593 = arith.addf %scan3A_565, %mul3A_592 : vector<16xf32>
      %mul3A_594 = arith.constant 16 : i32
      %mul3A_595 = arith.muli %scan3A_563, %mul3A_594 : i32
      %add3A_596 = arith.constant 2 : i32
      %add3A_597 = arith.addi %mul3A_595, %add3A_596 : i32
      %get3A_598 = arith.index_cast %add3A_597 : i32 to index
      %get3A_599 = arith.constant 0 : index
      %get3A_600 = tpu.vector_load %arg6[%get3A_598, %get3A_599] {strides = array<i32>} : memref<2048x16xf32, #tpu.memory_space<vmem>>, vector<16xf32>,
      %slice3A_601 = vector.extract_strided_slice %get3A_571 {offsets = [2], sizes = [1], strides = [1]} : vector<16xf32> to vector<1xf32>
      %squeeze3A_602 = vector.extract %slice3A_601[0] : f32 from vector<1xf32>
      %mul3A_603 = vector.broadcast %squeeze3A_602 : f32 to vector<16xf32>
      %mul3A_604 = arith.mulf %mul3A_603, %get3A_600 : vector<16xf32>
      %add3A_605 = arith.addf %add3A_581, %mul3A_604 : vector<16xf32>
      %mul3A_606 = arith.constant 16 : i32
      %mul3A_607 = arith.muli %scan3A_563, %mul3A_606 : i32
      %add3A_608 = arith.constant 3 : i32
      %add3A_609 = arith.addi %mul3A_607, %add3A_608 : i32
      %get3A_610 = arith.index_cast %add3A_609 : i32 to index
      %get3A_611 = arith.constant 0 : index
      %get3A_612 = tpu.vector_load %arg6[%get3A_610, %get3A_611] {strides = array<i32>} : memref<2048x16xf32, #tpu.memory_space<vmem>>, vector<16xf32>,
      %slice3A_613 = vector.extract_strided_slice %get3A_571 {offsets = [3], sizes = [1], strides = [1]} : vector<16xf32> to vector<1xf32>
      %squeeze3A_614 = vector.extract %slice3A_613[0] : f32 from vector<1xf32>
      %mul3A_615 = vector.broadcast %squeeze3A_614 : f32 to vector<16xf32>
      %mul3A_616 = arith.mulf %mul3A_615, %get3A_612 : vector<16xf32>
      %add3A_617 = arith.addf %add3A_593, %mul3A_616 : vector<16xf32>
      %mul3A_618 = arith.constant 16 : i32
      %mul3A_619 = arith.muli %scan3A_563, %mul3A_618 : i32
      %add3A_620 = arith.constant 4 : i32
      %add3A_621 = arith.addi %mul3A_619, %add3A_620 : i32
      %get3A_622 = arith.index_cast %add3A_621 : i32 to index
      %get3A_623 = arith.constant 0 : index
      %get3A_624 = tpu.vector_load %arg6[%get3A_622, %get3A_623] {strides = array<i32>} : memref<2048x16xf32, #tpu.memory_space<vmem>>, vector<16xf32>,
      %slice3A_625 = vector.extract_strided_slice %get3A_571 {offsets = [4], sizes = [1], strides = [1]} : vector<16xf32> to vector<1xf32>
      %squeeze3A_626 = vector.extract %slice3A_625[0] : f32 from vector<1xf32>
      %mul3A_627 = vector.broadcast %squeeze3A_626 : f32 to vector<16xf32>
      %mul3A_628 = arith.mulf %mul3A_627, %get3A_624 : vector<16xf32>
      %add3A_629 = arith.addf %add3A_605, %mul3A_628 : vector<16xf32>
      %mul3A_630 = arith.constant 16 : i32
      %mul3A_631 = arith.muli %scan3A_563, %mul3A_630 : i32
      %add3A_632 = arith.constant 5 : i32
      %add3A_633 = arith.addi %mul3A_631, %add3A_632 : i32
      %get3A_634 = arith.index_cast %add3A_633 : i32 to index
      %get3A_635 = arith.constant 0 : index
      %get3A_636 = tpu.vector_load %arg6[%get3A_634, %get3A_635] {strides = array<i32>} : memref<2048x16xf32, #tpu.memory_space<vmem>>, vector<16xf32>,
      %slice3A_637 = vector.extract_strided_slice %get3A_571 {offsets = [5], sizes = [1], strides = [1]} : vector<16xf32> to vector<1xf32>
      %squeeze3A_638 = vector.extract %slice3A_637[0] : f32 from vector<1xf32>
      %mul3A_639 = vector.broadcast %squeeze3A_638 : f32 to vector<16xf32>
      %mul3A_640 = arith.mulf %mul3A_639, %get3A_636 : vector<16xf32>
      %add3A_641 = arith.addf %add3A_617, %mul3A_640 : vector<16xf32>
      %mul3A_642 = arith.constant 16 : i32
      %mul3A_643 = arith.muli %scan3A_563, %mul3A_642 : i32
      %add3A_644 = arith.constant 6 : i32
      %add3A_645 = arith.addi %mul3A_643, %add3A_644 : i32
      %get3A_646 = arith.index_cast %add3A_645 : i32 to index
      %get3A_647 = arith.constant 0 : index
      %get3A_648 = tpu.vector_load %arg6[%get3A_646, %get3A_647] {strides = array<i32>} : memref<2048x16xf32, #tpu.memory_space<vmem>>, vector<16xf32>,
      %slice3A_649 = vector.extract_strided_slice %get3A_571 {offsets = [6], sizes = [1], strides = [1]} : vector<16xf32> to vector<1xf32>
      %squeeze3A_650 = vector.extract %slice3A_649[0] : f32 from vector<1xf32>
      %mul3A_651 = vector.broadcast %squeeze3A_650 : f32 to vector<16xf32>
      %mul3A_652 = arith.mulf %mul3A_651, %get3A_648 : vector<16xf32>
      %add3A_653 = arith.addf %add3A_629, %mul3A_652 : vector<16xf32>
      %mul3A_654 = arith.constant 16 : i32
      %mul3A_655 = arith.muli %scan3A_563, %mul3A_654 : i32
      %add3A_656 = arith.constant 7 : i32
      %add3A_657 = arith.addi %mul3A_655, %add3A_656 : i32
      %get3A_658 = arith.index_cast %add3A_657 : i32 to index
      %get3A_659 = arith.constant 0 : index
      %get3A_660 = tpu.vector_load %arg6[%get3A_658, %get3A_659] {strides = array<i32>} : memref<2048x16xf32, #tpu.memory_space<vmem>>, vector<16xf32>,
      %slice3A_661 = vector.extract_strided_slice %get3A_571 {offsets = [7], sizes = [1], strides = [1]} : vector<16xf32> to vector<1xf32>
      %squeeze3A_662 = vector.extract %slice3A_661[0] : f32 from vector<1xf32>
      %mul3A_663 = vector.broadcast %squeeze3A_662 : f32 to vector<16xf32>
      %mul3A_664 = arith.mulf %mul3A_663, %get3A_660 : vector<16xf32>
      %add3A_665 = arith.addf %add3A_641, %mul3A_664 : vector<16xf32>
      %mul3A_666 = arith.constant 16 : i32
      %mul3A_667 = arith.muli %scan3A_563, %mul3A_666 : i32
      %add3A_668 = arith.constant 8 : i32
      %add3A_669 = arith.addi %mul3A_667, %add3A_668 : i32
      %get3A_670 = arith.index_cast %add3A_669 : i32 to index
      %get3A_671 = arith.constant 0 : index
      %get3A_672 = tpu.vector_load %arg6[%get3A_670, %get3A_671] {strides = array<i32>} : memref<2048x16xf32, #tpu.memory_space<vmem>>, vector<16xf32>,
      %slice3A_673 = vector.extract_strided_slice %get3A_571 {offsets = [8], sizes = [1], strides = [1]} : vector<16xf32> to vector<1xf32>
      %squeeze3A_674 = vector.extract %slice3A_673[0] : f32 from vector<1xf32>
      %mul3A_675 = vector.broadcast %squeeze3A_674 : f32 to vector<16xf32>
      %mul3A_676 = arith.mulf %mul3A_675, %get3A_672 : vector<16xf32>
      %add3A_677 = arith.addf %add3A_653, %mul3A_676 : vector<16xf32>
      %mul3A_678 = arith.constant 16 : i32
      %mul3A_679 = arith.muli %scan3A_563, %mul3A_678 : i32
      %add3A_680 = arith.constant 9 : i32
      %add3A_681 = arith.addi %mul3A_679, %add3A_680 : i32
      %get3A_682 = arith.index_cast %add3A_681 : i32 to index
      %get3A_683 = arith.constant 0 : index
      %get3A_684 = tpu.vector_load %arg6[%get3A_682, %get3A_683] {strides = array<i32>} : memref<2048x16xf32, #tpu.memory_space<vmem>>, vector<16xf32>,
      %slice3A_685 = vector.extract_strided_slice %get3A_571 {offsets = [9], sizes = [1], strides = [1]} : vector<16xf32> to vector<1xf32>
      %squeeze3A_686 = vector.extract %slice3A_685[0] : f32 from vector<1xf32>
      %mul3A_687 = vector.broadcast %squeeze3A_686 : f32 to vector<16xf32>
      %mul3A_688 = arith.mulf %mul3A_687, %get3A_684 : vector<16xf32>
      %add3A_689 = arith.addf %add3A_665, %mul3A_688 : vector<16xf32>
      %mul3A_690 = arith.constant 16 : i32
      %mul3A_691 = arith.muli %scan3A_563, %mul3A_690 : i32
      %add3A_692 = arith.constant 10 : i32
      %add3A_693 = arith.addi %mul3A_691, %add3A_692 : i32
      %get3A_694 = arith.index_cast %add3A_693 : i32 to index
      %get3A_695 = arith.constant 0 : index
      %get3A_696 = tpu.vector_load %arg6[%get3A_694, %get3A_695] {strides = array<i32>} : memref<2048x16xf32, #tpu.memory_space<vmem>>, vector<16xf32>,
      %slice3A_697 = vector.extract_strided_slice %get3A_571 {offsets = [10], sizes = [1], strides = [1]} : vector<16xf32> to vector<1xf32>
      %squeeze3A_698 = vector.extract %slice3A_697[0] : f32 from vector<1xf32>
      %mul3A_699 = vector.broadcast %squeeze3A_698 : f32 to vector<16xf32>
      %mul3A_700 = arith.mulf %mul3A_699, %get3A_696 : vector<16xf32>
      %add3A_701 = arith.addf %add3A_677, %mul3A_700 : vector<16xf32>
      %mul3A_702 = arith.constant 16 : i32
      %mul3A_703 = arith.muli %scan3A_563, %mul3A_702 : i32
      %add3A_704 = arith.constant 11 : i32
      %add3A_705 = arith.addi %mul3A_703, %add3A_704 : i32
      %get3A_706 = arith.index_cast %add3A_705 : i32 to index
      %get3A_707 = arith.constant 0 : index
      %get3A_708 = tpu.vector_load %arg6[%get3A_706, %get3A_707] {strides = array<i32>} : memref<2048x16xf32, #tpu.memory_space<vmem>>, vector<16xf32>,
      %slice3A_709 = vector.extract_strided_slice %get3A_571 {offsets = [11], sizes = [1], strides = [1]} : vector<16xf32> to vector<1xf32>
      %squeeze3A_710 = vector.extract %slice3A_709[0] : f32 from vector<1xf32>
      %mul3A_711 = vector.broadcast %squeeze3A_710 : f32 to vector<16xf32>
      %mul3A_712 = arith.mulf %mul3A_711, %get3A_708 : vector<16xf32>
      %add3A_713 = arith.addf %add3A_689, %mul3A_712 : vector<16xf32>
      %mul3A_714 = arith.constant 16 : i32
      %mul3A_715 = arith.muli %scan3A_563, %mul3A_714 : i32
      %add3A_716 = arith.constant 12 : i32
      %add3A_717 = arith.addi %mul3A_715, %add3A_716 : i32
      %get3A_718 = arith.index_cast %add3A_717 : i32 to index
      %get3A_719 = arith.constant 0 : index
      %get3A_720 = tpu.vector_load %arg6[%get3A_718, %get3A_719] {strides = array<i32>} : memref<2048x16xf32, #tpu.memory_space<vmem>>, vector<16xf32>,
      %slice3A_721 = vector.extract_strided_slice %get3A_571 {offsets = [12], sizes = [1], strides = [1]} : vector<16xf32> to vector<1xf32>
      %squeeze3A_722 = vector.extract %slice3A_721[0] : f32 from vector<1xf32>
      %mul3A_723 = vector.broadcast %squeeze3A_722 : f32 to vector<16xf32>
      %mul3A_724 = arith.mulf %mul3A_723, %get3A_720 : vector<16xf32>
      %add3A_725 = arith.addf %add3A_701, %mul3A_724 : vector<16xf32>
      %mul3A_726 = arith.constant 16 : i32
      %mul3A_727 = arith.muli %scan3A_563, %mul3A_726 : i32
      %add3A_728 = arith.constant 13 : i32
      %add3A_729 = arith.addi %mul3A_727, %add3A_728 : i32
      %get3A_730 = arith.index_cast %add3A_729 : i32 to index
      %get3A_731 = arith.constant 0 : index
      %get3A_732 = tpu.vector_load %arg6[%get3A_730, %get3A_731] {strides = array<i32>} : memref<2048x16xf32, #tpu.memory_space<vmem>>, vector<16xf32>,
      %slice3A_733 = vector.extract_strided_slice %get3A_571 {offsets = [13], sizes = [1], strides = [1]} : vector<16xf32> to vector<1xf32>
      %squeeze3A_734 = vector.extract %slice3A_733[0] : f32 from vector<1xf32>
      %mul3A_735 = vector.broadcast %squeeze3A_734 : f32 to vector<16xf32>
      %mul3A_736 = arith.mulf %mul3A_735, %get3A_732 : vector<16xf32>
      %add3A_737 = arith.addf %add3A_713, %mul3A_736 : vector<16xf32>
      %mul3A_738 = arith.constant 16 : i32
      %mul3A_739 = arith.muli %scan3A_563, %mul3A_738 : i32
      %add3A_740 = arith.constant 14 : i32
      %add3A_741 = arith.addi %mul3A_739, %add3A_740 : i32
      %get3A_742 = arith.index_cast %add3A_741 : i32 to index
      %get3A_743 = arith.constant 0 : index
      %get3A_744 = tpu.vector_load %arg6[%get3A_742, %get3A_743] {strides = array<i32>} : memref<2048x16xf32, #tpu.memory_space<vmem>>, vector<16xf32>,
      %slice3A_745 = vector.extract_strided_slice %get3A_571 {offsets = [14], sizes = [1], strides = [1]} : vector<16xf32> to vector<1xf32>
      %squeeze3A_746 = vector.extract %slice3A_745[0] : f32 from vector<1xf32>
      %mul3A_747 = vector.broadcast %squeeze3A_746 : f32 to vector<16xf32>
      %mul3A_748 = arith.mulf %mul3A_747, %get3A_744 : vector<16xf32>
      %add3A_749 = arith.addf %add3A_725, %mul3A_748 : vector<16xf32>
      %mul3A_750 = arith.constant 16 : i32
      %mul3A_751 = arith.muli %scan3A_563, %mul3A_750 : i32
      %add3A_752 = arith.constant 15 : i32
      %add3A_753 = arith.addi %mul3A_751, %add3A_752 : i32
      %get3A_754 = arith.index_cast %add3A_753 : i32 to index
      %get3A_755 = arith.constant 0 : index
      %get3A_756 = tpu.vector_load %arg6[%get3A_754, %get3A_755] {strides = array<i32>} : memref<2048x16xf32, #tpu.memory_space<vmem>>, vector<16xf32>,
      %slice3A_757 = vector.extract_strided_slice %get3A_571 {offsets = [15], sizes = [1], strides = [1]} : vector<16xf32> to vector<1xf32>
      %squeeze3A_758 = vector.extract %slice3A_757[0] : f32 from vector<1xf32>
      %mul3A_759 = vector.broadcast %squeeze3A_758 : f32 to vector<16xf32>
      %mul3A_760 = arith.mulf %mul3A_759, %get3A_756 : vector<16xf32>
      %add3A_761 = arith.addf %add3A_737, %mul3A_760 : vector<16xf32>
      scf.yield %add3A_749, %add3A_761 : vector<16xf32>, vector<16xf32>
    }
    %scan3A_15 = arith.constant 128 : i32
    %add3A_16 = arith.addf %scan3A_14#0, %scan3A_14#1 : vector<16xf32>
    %xor3A = arith.constant 1 : i32
    %xor3A_17 = vector.broadcast %xor3A : i32 to vector<16xi32>
    %xor3A_18 = arith.xori %iota3A, %xor3A_17 : vector<16xi32>
    %broadcast_in_dim3A_19 = vector.shape_cast %xor3A_18 : vector<16xi32> to vector<16x1xi32>
    %gather3A = vector.shape_cast %broadcast_in_dim3A_19 : vector<16x1xi32> to vector<16xi32>
    %gather3A_20 = tpu.dynamic_gather %add3A_16[%gather3A] in [0] : vector<16xf32>, vector<16xi32> -> vector<16xf32>
    %max3A = arith.maximumf %add3A_16, %gather3A_20 : vector<16xf32>
    %xor3A_21 = arith.constant 2 : i32
    %xor3A_22 = vector.broadcast %xor3A_21 : i32 to vector<16xi32>
    %xor3A_23 = arith.xori %iota3A, %xor3A_22 : vector<16xi32>
    %broadcast_in_dim3A_24 = vector.shape_cast %xor3A_23 : vector<16xi32> to vector<16x1xi32>
    %gather3A_25 = vector.shape_cast %broadcast_in_dim3A_24 : vector<16x1xi32> to vector<16xi32>
    %gather3A_26 = tpu.dynamic_gather %max3A[%gather3A_25] in [0] : vector<16xf32>, vector<16xi32> -> vector<16xf32>
    %max3A_27 = arith.maximumf %max3A, %gather3A_26 : vector<16xf32>
    %xor3A_28 = arith.constant 4 : i32
    %xor3A_29 = vector.broadcast %xor3A_28 : i32 to vector<16xi32>
    %xor3A_30 = arith.xori %iota3A, %xor3A_29 : vector<16xi32>
    %broadcast_in_dim3A_31 = vector.shape_cast %xor3A_30 : vector<16xi32> to vector<16x1xi32>
    %gather3A_32 = vector.shape_cast %broadcast_in_dim3A_31 : vector<16x1xi32> to vector<16xi32>
    %gather3A_33 = tpu.dynamic_gather %max3A_27[%gather3A_32] in [0] : vector<16xf32>, vector<16xi32> -> vector<16xf32>
    %max3A_34 = arith.maximumf %max3A_27, %gather3A_33 : vector<16xf32>
    %xor3A_35 = arith.constant 8 : i32
    %xor3A_36 = vector.broadcast %xor3A_35 : i32 to vector<16xi32>
    %xor3A_37 = arith.xori %iota3A, %xor3A_36 : vector<16xi32>
    %broadcast_in_dim3A_38 = vector.shape_cast %xor3A_37 : vector<16xi32> to vector<16x1xi32>
    %gather3A_39 = vector.shape_cast %broadcast_in_dim3A_38 : vector<16x1xi32> to vector<16xi32>
    %gather3A_40 = tpu.dynamic_gather %max3A_34[%gather3A_39] in [0] : vector<16xf32>, vector<16xi32> -> vector<16xf32>
    %max3A_41 = arith.maximumf %max3A_34, %gather3A_40 : vector<16xf32>
    %sub3A = arith.subf %add3A_16, %max3A_41 : vector<16xf32>
    %exp3A = math.exp %sub3A : vector<16xf32>
    %xor3A_42 = arith.constant 1 : i32
    %xor3A_43 = vector.broadcast %xor3A_42 : i32 to vector<16xi32>
    %xor3A_44 = arith.xori %iota3A, %xor3A_43 : vector<16xi32>
    %broadcast_in_dim3A_45 = vector.shape_cast %xor3A_44 : vector<16xi32> to vector<16x1xi32>
    %gather3A_46 = vector.shape_cast %broadcast_in_dim3A_45 : vector<16x1xi32> to vector<16xi32>
    %gather3A_47 = tpu.dynamic_gather %exp3A[%gather3A_46] in [0] : vector<16xf32>, vector<16xi32> -> vector<16xf32>
    %add3A_48 = arith.addf %exp3A, %gather3A_47 : vector<16xf32>
    %xor3A_49 = arith.constant 2 : i32
    %xor3A_50 = vector.broadcast %xor3A_49 : i32 to vector<16xi32>
    %xor3A_51 = arith.xori %iota3A, %xor3A_50 : vector<16xi32>
    %broadcast_in_dim3A_52 = vector.shape_cast %xor3A_51 : vector<16xi32> to vector<16x1xi32>
    %gather3A_53 = vector.shape_cast %broadcast_in_dim3A_52 : vector<16x1xi32> to vector<16xi32>
    %gather3A_54 = tpu.dynamic_gather %add3A_48[%gather3A_53] in [0] : vector<16xf32>, vector<16xi32> -> vector<16xf32>
    %add3A_55 = arith.addf %add3A_48, %gather3A_54 : vector<16xf32>
    %xor3A_56 = arith.constant 4 : i32
    %xor3A_57 = vector.broadcast %xor3A_56 : i32 to vector<16xi32>
    %xor3A_58 = arith.xori %iota3A, %xor3A_57 : vector<16xi32>
    %broadcast_in_dim3A_59 = vector.shape_cast %xor3A_58 : vector<16xi32> to vector<16x1xi32>
    %gather3A_60 = vector.shape_cast %broadcast_in_dim3A_59 : vector<16x1xi32> to vector<16xi32>
    %gather3A_61 = tpu.dynamic_gather %add3A_55[%gather3A_60] in [0] : vector<16xf32>, vector<16xi32> -> vector<16xf32>
    %add3A_62 = arith.addf %add3A_55, %gather3A_61 : vector<16xf32>
    %xor3A_63 = arith.constant 8 : i32
    %xor3A_64 = vector.broadcast %xor3A_63 : i32 to vector<16xi32>
    %xor3A_65 = arith.xori %iota3A, %xor3A_64 : vector<16xi32>
    %broadcast_in_dim3A_66 = vector.shape_cast %xor3A_65 : vector<16xi32> to vector<16x1xi32>
    %gather3A_67 = vector.shape_cast %broadcast_in_dim3A_66 : vector<16x1xi32> to vector<16xi32>
    %gather3A_68 = tpu.dynamic_gather %add3A_62[%gather3A_67] in [0] : vector<16xf32>, vector<16xi32> -> vector<16xf32>
    %add3A_69 = arith.addf %add3A_62, %gather3A_68 : vector<16xf32>
    %div3A = arith.divf %exp3A, %add3A_69 : vector<16xf32>
    %swap3A = arith.constant 0 : i32
    %swap3A_70 = arith.index_cast %swap3A : i32 to index
    %swap3A_71 = arith.constant 0 : index
    %swap3A_72 = tpu.vector_load %arg9[%swap3A_70, %swap3A_71] {strides = array<i32>} : memref<8x16xf32, #tpu.memory_space<vmem>>, vector<16xf32>,
    tpu.vector_store %arg9[%swap3A_70, %swap3A_71], %div3A {strides = array<i32>} : memref<8x16xf32, #tpu.memory_space<vmem>>, vector<16xf32>,
    %scan3A_73 = arith.constant 0 : i32
    %scan3A_74 = arith.constant 128 : i32
    %scan3A_75 = arith.addi %scan3A_73, %scan3A_74 : i32
    %scan3A_76 = arith.constant 1 : i32
    %scan3A_77:2 = scf.for %scan3A_563 = %scan3A_73 to %scan3A_75 step %scan3A_76 iter_args(%scan3A_564 = %get3A_6, %scan3A_565 = %broadcast_in_dim3A_10) -> (vector<16xf32>, vector<16xf32>)  : i32 {
      %mul3A_566 = arith.constant 16 : i32
      %mul3A_567 = arith.muli %scan3A_563, %mul3A_566 : i32
      %get3A_568 = arith.constant 1 : i32
      %get3A_569 = arith.index_cast %get3A_568 : i32 to index
      %get3A_570 = arith.index_cast %mul3A_567 : i32 to index
      %get3A_571 = tpu.vector_load %arg8[%get3A_569, %get3A_570] {strides = array<i32>} : memref<8x2048xf32, #tpu.memory_space<vmem>>, vector<16xf32>,
      %mul3A_572 = arith.constant 16 : i32
      %mul3A_573 = arith.muli %scan3A_563, %mul3A_572 : i32
      %add3A_574 = arith.constant 0 : i32
      %add3A_575 = arith.addi %mul3A_573, %add3A_574 : i32
      %get3A_576 = arith.index_cast %add3A_575 : i32 to index
      %get3A_577 = arith.constant 0 : index
      %get3A_578 = tpu.vector_load %arg6[%get3A_576, %get3A_577] {strides = array<i32>} : memref<2048x16xf32, #tpu.memory_space<vmem>>, vector<16xf32>,
      %slice3A = vector.extract_strided_slice %get3A_571 {offsets = [0], sizes = [1], strides = [1]} : vector<16xf32> to vector<1xf32>
      %squeeze3A = vector.extract %slice3A[0] : f32 from vector<1xf32>
      %mul3A_579 = vector.broadcast %squeeze3A : f32 to vector<16xf32>
      %mul3A_580 = arith.mulf %mul3A_579, %get3A_578 : vector<16xf32>
      %add3A_581 = arith.addf %scan3A_564, %mul3A_580 : vector<16xf32>
      %mul3A_582 = arith.constant 16 : i32
      %mul3A_583 = arith.muli %scan3A_563, %mul3A_582 : i32
      %add3A_584 = arith.constant 1 : i32
      %add3A_585 = arith.addi %mul3A_583, %add3A_584 : i32
      %get3A_586 = arith.index_cast %add3A_585 : i32 to index
      %get3A_587 = arith.constant 0 : index
      %get3A_588 = tpu.vector_load %arg6[%get3A_586, %get3A_587] {strides = array<i32>} : memref<2048x16xf32, #tpu.memory_space<vmem>>, vector<16xf32>,
      %slice3A_589 = vector.extract_strided_slice %get3A_571 {offsets = [1], sizes = [1], strides = [1]} : vector<16xf32> to vector<1xf32>
      %squeeze3A_590 = vector.extract %slice3A_589[0] : f32 from vector<1xf32>
      %mul3A_591 = vector.broadcast %squeeze3A_590 : f32 to vector<16xf32>
      %mul3A_592 = arith.mulf %mul3A_591, %get3A_588 : vector<16xf32>
      %add3A_593 = arith.addf %scan3A_565, %mul3A_592 : vector<16xf32>
      %mul3A_594 = arith.constant 16 : i32
      %mul3A_595 = arith.muli %scan3A_563, %mul3A_594 : i32
      %add3A_596 = arith.constant 2 : i32
      %add3A_597 = arith.addi %mul3A_595, %add3A_596 : i32
      %get3A_598 = arith.index_cast %add3A_597 : i32 to index
      %get3A_599 = arith.constant 0 : index
      %get3A_600 = tpu.vector_load %arg6[%get3A_598, %get3A_599] {strides = array<i32>} : memref<2048x16xf32, #tpu.memory_space<vmem>>, vector<16xf32>,
      %slice3A_601 = vector.extract_strided_slice %get3A_571 {offsets = [2], sizes = [1], strides = [1]} : vector<16xf32> to vector<1xf32>
      %squeeze3A_602 = vector.extract %slice3A_601[0] : f32 from vector<1xf32>
      %mul3A_603 = vector.broadcast %squeeze3A_602 : f32 to vector<16xf32>
      %mul3A_604 = arith.mulf %mul3A_603, %get3A_600 : vector<16xf32>
      %add3A_605 = arith.addf %add3A_581, %mul3A_604 : vector<16xf32>
      %mul3A_606 = arith.constant 16 : i32
      %mul3A_607 = arith.muli %scan3A_563, %mul3A_606 : i32
      %add3A_608 = arith.constant 3 : i32
      %add3A_609 = arith.addi %mul3A_607, %add3A_608 : i32
      %get3A_610 = arith.index_cast %add3A_609 : i32 to index
      %get3A_611 = arith.constant 0 : index
      %get3A_612 = tpu.vector_load %arg6[%get3A_610, %get3A_611] {strides = array<i32>} : memref<2048x16xf32, #tpu.memory_space<vmem>>, vector<16xf32>,
      %slice3A_613 = vector.extract_strided_slice %get3A_571 {offsets = [3], sizes = [1], strides = [1]} : vector<16xf32> to vector<1xf32>
      %squeeze3A_614 = vector.extract %slice3A_613[0] : f32 from vector<1xf32>
      %mul3A_615 = vector.broadcast %squeeze3A_614 : f32 to vector<16xf32>
      %mul3A_616 = arith.mulf %mul3A_615, %get3A_612 : vector<16xf32>
      %add3A_617 = arith.addf %add3A_593, %mul3A_616 : vector<16xf32>
      %mul3A_618 = arith.constant 16 : i32
      %mul3A_619 = arith.muli %scan3A_563, %mul3A_618 : i32
      %add3A_620 = arith.constant 4 : i32
      %add3A_621 = arith.addi %mul3A_619, %add3A_620 : i32
      %get3A_622 = arith.index_cast %add3A_621 : i32 to index
      %get3A_623 = arith.constant 0 : index
      %get3A_624 = tpu.vector_load %arg6[%get3A_622, %get3A_623] {strides = array<i32>} : memref<2048x16xf32, #tpu.memory_space<vmem>>, vector<16xf32>,
      %slice3A_625 = vector.extract_strided_slice %get3A_571 {offsets = [4], sizes = [1], strides = [1]} : vector<16xf32> to vector<1xf32>
      %squeeze3A_626 = vector.extract %slice3A_625[0] : f32 from vector<1xf32>
      %mul3A_627 = vector.broadcast %squeeze3A_626 : f32 to vector<16xf32>
      %mul3A_628 = arith.mulf %mul3A_627, %get3A_624 : vector<16xf32>
      %add3A_629 = arith.addf %add3A_605, %mul3A_628 : vector<16xf32>
      %mul3A_630 = arith.constant 16 : i32
      %mul3A_631 = arith.muli %scan3A_563, %mul3A_630 : i32
      %add3A_632 = arith.constant 5 : i32
      %add3A_633 = arith.addi %mul3A_631, %add3A_632 : i32
      %get3A_634 = arith.index_cast %add3A_633 : i32 to index
      %get3A_635 = arith.constant 0 : index
      %get3A_636 = tpu.vector_load %arg6[%get3A_634, %get3A_635] {strides = array<i32>} : memref<2048x16xf32, #tpu.memory_space<vmem>>, vector<16xf32>,
      %slice3A_637 = vector.extract_strided_slice %get3A_571 {offsets = [5], sizes = [1], strides = [1]} : vector<16xf32> to vector<1xf32>
      %squeeze3A_638 = vector.extract %slice3A_637[0] : f32 from vector<1xf32>
      %mul3A_639 = vector.broadcast %squeeze3A_638 : f32 to vector<16xf32>
      %mul3A_640 = arith.mulf %mul3A_639, %get3A_636 : vector<16xf32>
      %add3A_641 = arith.addf %add3A_617, %mul3A_640 : vector<16xf32>
      %mul3A_642 = arith.constant 16 : i32
      %mul3A_643 = arith.muli %scan3A_563, %mul3A_642 : i32
      %add3A_644 = arith.constant 6 : i32
      %add3A_645 = arith.addi %mul3A_643, %add3A_644 : i32
      %get3A_646 = arith.index_cast %add3A_645 : i32 to index
      %get3A_647 = arith.constant 0 : index
      %get3A_648 = tpu.vector_load %arg6[%get3A_646, %get3A_647] {strides = array<i32>} : memref<2048x16xf32, #tpu.memory_space<vmem>>, vector<16xf32>,
      %slice3A_649 = vector.extract_strided_slice %get3A_571 {offsets = [6], sizes = [1], strides = [1]} : vector<16xf32> to vector<1xf32>
      %squeeze3A_650 = vector.extract %slice3A_649[0] : f32 from vector<1xf32>
      %mul3A_651 = vector.broadcast %squeeze3A_650 : f32 to vector<16xf32>
      %mul3A_652 = arith.mulf %mul3A_651, %get3A_648 : vector<16xf32>
      %add3A_653 = arith.addf %add3A_629, %mul3A_652 : vector<16xf32>
      %mul3A_654 = arith.constant 16 : i32
      %mul3A_655 = arith.muli %scan3A_563, %mul3A_654 : i32
      %add3A_656 = arith.constant 7 : i32
      %add3A_657 = arith.addi %mul3A_655, %add3A_656 : i32
      %get3A_658 = arith.index_cast %add3A_657 : i32 to index
      %get3A_659 = arith.constant 0 : index
      %get3A_660 = tpu.vector_load %arg6[%get3A_658, %get3A_659] {strides = array<i32>} : memref<2048x16xf32, #tpu.memory_space<vmem>>, vector<16xf32>,
      %slice3A_661 = vector.extract_strided_slice %get3A_571 {offsets = [7], sizes = [1], strides = [1]} : vector<16xf32> to vector<1xf32>
      %squeeze3A_662 = vector.extract %slice3A_661[0] : f32 from vector<1xf32>
      %mul3A_663 = vector.broadcast %squeeze3A_662 : f32 to vector<16xf32>
      %mul3A_664 = arith.mulf %mul3A_663, %get3A_660 : vector<16xf32>
      %add3A_665 = arith.addf %add3A_641, %mul3A_664 : vector<16xf32>
      %mul3A_666 = arith.constant 16 : i32
      %mul3A_667 = arith.muli %scan3A_563, %mul3A_666 : i32
      %add3A_668 = arith.constant 8 : i32
      %add3A_669 = arith.addi %mul3A_667, %add3A_668 : i32
      %get3A_670 = arith.index_cast %add3A_669 : i32 to index
      %get3A_671 = arith.constant 0 : index
      %get3A_672 = tpu.vector_load %arg6[%get3A_670, %get3A_671] {strides = array<i32>} : memref<2048x16xf32, #tpu.memory_space<vmem>>, vector<16xf32>,
      %slice3A_673 = vector.extract_strided_slice %get3A_571 {offsets = [8], sizes = [1], strides = [1]} : vector<16xf32> to vector<1xf32>
      %squeeze3A_674 = vector.extract %slice3A_673[0] : f32 from vector<1xf32>
      %mul3A_675 = vector.broadcast %squeeze3A_674 : f32 to vector<16xf32>
      %mul3A_676 = arith.mulf %mul3A_675, %get3A_672 : vector<16xf32>
      %add3A_677 = arith.addf %add3A_653, %mul3A_676 : vector<16xf32>
      %mul3A_678 = arith.constant 16 : i32
      %mul3A_679 = arith.muli %scan3A_563, %mul3A_678 : i32
      %add3A_680 = arith.constant 9 : i32
      %add3A_681 = arith.addi %mul3A_679, %add3A_680 : i32
      %get3A_682 = arith.index_cast %add3A_681 : i32 to index
      %get3A_683 = arith.constant 0 : index
      %get3A_684 = tpu.vector_load %arg6[%get3A_682, %get3A_683] {strides = array<i32>} : memref<2048x16xf32, #tpu.memory_space<vmem>>, vector<16xf32>,
      %slice3A_685 = vector.extract_strided_slice %get3A_571 {offsets = [9], sizes = [1], strides = [1]} : vector<16xf32> to vector<1xf32>
      %squeeze3A_686 = vector.extract %slice3A_685[0] : f32 from vector<1xf32>
      %mul3A_687 = vector.broadcast %squeeze3A_686 : f32 to vector<16xf32>
      %mul3A_688 = arith.mulf %mul3A_687, %get3A_684 : vector<16xf32>
      %add3A_689 = arith.addf %add3A_665, %mul3A_688 : vector<16xf32>
      %mul3A_690 = arith.constant 16 : i32
      %mul3A_691 = arith.muli %scan3A_563, %mul3A_690 : i32
      %add3A_692 = arith.constant 10 : i32
      %add3A_693 = arith.addi %mul3A_691, %add3A_692 : i32
      %get3A_694 = arith.index_cast %add3A_693 : i32 to index
      %get3A_695 = arith.constant 0 : index
      %get3A_696 = tpu.vector_load %arg6[%get3A_694, %get3A_695] {strides = array<i32>} : memref<2048x16xf32, #tpu.memory_space<vmem>>, vector<16xf32>,
      %slice3A_697 = vector.extract_strided_slice %get3A_571 {offsets = [10], sizes = [1], strides = [1]} : vector<16xf32> to vector<1xf32>
      %squeeze3A_698 = vector.extract %slice3A_697[0] : f32 from vector<1xf32>
      %mul3A_699 = vector.broadcast %squeeze3A_698 : f32 to vector<16xf32>
      %mul3A_700 = arith.mulf %mul3A_699, %get3A_696 : vector<16xf32>
      %add3A_701 = arith.addf %add3A_677, %mul3A_700 : vector<16xf32>
      %mul3A_702 = arith.constant 16 : i32
      %mul3A_703 = arith.muli %scan3A_563, %mul3A_702 : i32
      %add3A_704 = arith.constant 11 : i32
      %add3A_705 = arith.addi %mul3A_703, %add3A_704 : i32
      %get3A_706 = arith.index_cast %add3A_705 : i32 to index
      %get3A_707 = arith.constant 0 : index
      %get3A_708 = tpu.vector_load %arg6[%get3A_706, %get3A_707] {strides = array<i32>} : memref<2048x16xf32, #tpu.memory_space<vmem>>, vector<16xf32>,
      %slice3A_709 = vector.extract_strided_slice %get3A_571 {offsets = [11], sizes = [1], strides = [1]} : vector<16xf32> to vector<1xf32>
      %squeeze3A_710 = vector.extract %slice3A_709[0] : f32 from vector<1xf32>
      %mul3A_711 = vector.broadcast %squeeze3A_710 : f32 to vector<16xf32>
      %mul3A_712 = arith.mulf %mul3A_711, %get3A_708 : vector<16xf32>
      %add3A_713 = arith.addf %add3A_689, %mul3A_712 : vector<16xf32>
      %mul3A_714 = arith.constant 16 : i32
      %mul3A_715 = arith.muli %scan3A_563, %mul3A_714 : i32
      %add3A_716 = arith.constant 12 : i32
      %add3A_717 = arith.addi %mul3A_715, %add3A_716 : i32
      %get3A_718 = arith.index_cast %add3A_717 : i32 to index
      %get3A_719 = arith.constant 0 : index
      %get3A_720 = tpu.vector_load %arg6[%get3A_718, %get3A_719] {strides = array<i32>} : memref<2048x16xf32, #tpu.memory_space<vmem>>, vector<16xf32>,
      %slice3A_721 = vector.extract_strided_slice %get3A_571 {offsets = [12], sizes = [1], strides = [1]} : vector<16xf32> to vector<1xf32>
      %squeeze3A_722 = vector.extract %slice3A_721[0] : f32 from vector<1xf32>
      %mul3A_723 = vector.broadcast %squeeze3A_722 : f32 to vector<16xf32>
      %mul3A_724 = arith.mulf %mul3A_723, %get3A_720 : vector<16xf32>
      %add3A_725 = arith.addf %add3A_701, %mul3A_724 : vector<16xf32>
      %mul3A_726 = arith.constant 16 : i32
      %mul3A_727 = arith.muli %scan3A_563, %mul3A_726 : i32
      %add3A_728 = arith.constant 13 : i32
      %add3A_729 = arith.addi %mul3A_727, %add3A_728 : i32
      %get3A_730 = arith.index_cast %add3A_729 : i32 to index
      %get3A_731 = arith.constant 0 : index
      %get3A_732 = tpu.vector_load %arg6[%get3A_730, %get3A_731] {strides = array<i32>} : memref<2048x16xf32, #tpu.memory_space<vmem>>, vector<16xf32>,
      %slice3A_733 = vector.extract_strided_slice %get3A_571 {offsets = [13], sizes = [1], strides = [1]} : vector<16xf32> to vector<1xf32>
      %squeeze3A_734 = vector.extract %slice3A_733[0] : f32 from vector<1xf32>
      %mul3A_735 = vector.broadcast %squeeze3A_734 : f32 to vector<16xf32>
      %mul3A_736 = arith.mulf %mul3A_735, %get3A_732 : vector<16xf32>
      %add3A_737 = arith.addf %add3A_713, %mul3A_736 : vector<16xf32>
      %mul3A_738 = arith.constant 16 : i32
      %mul3A_739 = arith.muli %scan3A_563, %mul3A_738 : i32
      %add3A_740 = arith.constant 14 : i32
      %add3A_741 = arith.addi %mul3A_739, %add3A_740 : i32
      %get3A_742 = arith.index_cast %add3A_741 : i32 to index
      %get3A_743 = arith.constant 0 : index
      %get3A_744 = tpu.vector_load %arg6[%get3A_742, %get3A_743] {strides = array<i32>} : memref<2048x16xf32, #tpu.memory_space<vmem>>, vector<16xf32>,
      %slice3A_745 = vector.extract_strided_slice %get3A_571 {offsets = [14], sizes = [1], strides = [1]} : vector<16xf32> to vector<1xf32>
      %squeeze3A_746 = vector.extract %slice3A_745[0] : f32 from vector<1xf32>
      %mul3A_747 = vector.broadcast %squeeze3A_746 : f32 to vector<16xf32>
      %mul3A_748 = arith.mulf %mul3A_747, %get3A_744 : vector<16xf32>
      %add3A_749 = arith.addf %add3A_725, %mul3A_748 : vector<16xf32>
      %mul3A_750 = arith.constant 16 : i32
      %mul3A_751 = arith.muli %scan3A_563, %mul3A_750 : i32
      %add3A_752 = arith.constant 15 : i32
      %add3A_753 = arith.addi %mul3A_751, %add3A_752 : i32
      %get3A_754 = arith.index_cast %add3A_753 : i32 to index
      %get3A_755 = arith.constant 0 : index
      %get3A_756 = tpu.vector_load %arg6[%get3A_754, %get3A_755] {strides = array<i32>} : memref<2048x16xf32, #tpu.memory_space<vmem>>, vector<16xf32>,
      %slice3A_757 = vector.extract_strided_slice %get3A_571 {offsets = [15], sizes = [1], strides = [1]} : vector<16xf32> to vector<1xf32>
      %squeeze3A_758 = vector.extract %slice3A_757[0] : f32 from vector<1xf32>
      %mul3A_759 = vector.broadcast %squeeze3A_758 : f32 to vector<16xf32>
      %mul3A_760 = arith.mulf %mul3A_759, %get3A_756 : vector<16xf32>
      %add3A_761 = arith.addf %add3A_737, %mul3A_760 : vector<16xf32>
      scf.yield %add3A_749, %add3A_761 : vector<16xf32>, vector<16xf32>
    }
    %scan3A_78 = arith.constant 128 : i32
    %add3A_79 = arith.addf %scan3A_77#0, %scan3A_77#1 : vector<16xf32>
    %xor3A_80 = arith.constant 1 : i32
    %xor3A_81 = vector.broadcast %xor3A_80 : i32 to vector<16xi32>
    %xor3A_82 = arith.xori %iota3A, %xor3A_81 : vector<16xi32>
    %broadcast_in_dim3A_83 = vector.shape_cast %xor3A_82 : vector<16xi32> to vector<16x1xi32>
    %gather3A_84 = vector.shape_cast %broadcast_in_dim3A_83 : vector<16x1xi32> to vector<16xi32>
    %gather3A_85 = tpu.dynamic_gather %add3A_79[%gather3A_84] in [0] : vector<16xf32>, vector<16xi32> -> vector<16xf32>
    %max3A_86 = arith.maximumf %add3A_79, %gather3A_85 : vector<16xf32>
    %xor3A_87 = arith.constant 2 : i32
    %xor3A_88 = vector.broadcast %xor3A_87 : i32 to vector<16xi32>
    %xor3A_89 = arith.xori %iota3A, %xor3A_88 : vector<16xi32>
    %broadcast_in_dim3A_90 = vector.shape_cast %xor3A_89 : vector<16xi32> to vector<16x1xi32>
    %gather3A_91 = vector.shape_cast %broadcast_in_dim3A_90 : vector<16x1xi32> to vector<16xi32>
    %gather3A_92 = tpu.dynamic_gather %max3A_86[%gather3A_91] in [0] : vector<16xf32>, vector<16xi32> -> vector<16xf32>
    %max3A_93 = arith.maximumf %max3A_86, %gather3A_92 : vector<16xf32>
    %xor3A_94 = arith.constant 4 : i32
    %xor3A_95 = vector.broadcast %xor3A_94 : i32 to vector<16xi32>
    %xor3A_96 = arith.xori %iota3A, %xor3A_95 : vector<16xi32>
    %broadcast_in_dim3A_97 = vector.shape_cast %xor3A_96 : vector<16xi32> to vector<16x1xi32>
    %gather3A_98 = vector.shape_cast %broadcast_in_dim3A_97 : vector<16x1xi32> to vector<16xi32>
    %gather3A_99 = tpu.dynamic_gather %max3A_93[%gather3A_98] in [0] : vector<16xf32>, vector<16xi32> -> vector<16xf32>
    %max3A_100 = arith.maximumf %max3A_93, %gather3A_99 : vector<16xf32>
    %xor3A_101 = arith.constant 8 : i32
    %xor3A_102 = vector.broadcast %xor3A_101 : i32 to vector<16xi32>
    %xor3A_103 = arith.xori %iota3A, %xor3A_102 : vector<16xi32>
    %broadcast_in_dim3A_104 = vector.shape_cast %xor3A_103 : vector<16xi32> to vector<16x1xi32>
    %gather3A_105 = vector.shape_cast %broadcast_in_dim3A_104 : vector<16x1xi32> to vector<16xi32>
    %gather3A_106 = tpu.dynamic_gather %max3A_100[%gather3A_105] in [0] : vector<16xf32>, vector<16xi32> -> vector<16xf32>
    %max3A_107 = arith.maximumf %max3A_100, %gather3A_106 : vector<16xf32>
    %sub3A_108 = arith.subf %add3A_79, %max3A_107 : vector<16xf32>
    %exp3A_109 = math.exp %sub3A_108 : vector<16xf32>
    %xor3A_110 = arith.constant 1 : i32
    %xor3A_111 = vector.broadcast %xor3A_110 : i32 to vector<16xi32>
    %xor3A_112 = arith.xori %iota3A, %xor3A_111 : vector<16xi32>
    %broadcast_in_dim3A_113 = vector.shape_cast %xor3A_112 : vector<16xi32> to vector<16x1xi32>
    %gather3A_114 = vector.shape_cast %broadcast_in_dim3A_113 : vector<16x1xi32> to vector<16xi32>
    %gather3A_115 = tpu.dynamic_gather %exp3A_109[%gather3A_114] in [0] : vector<16xf32>, vector<16xi32> -> vector<16xf32>
    %add3A_116 = arith.addf %exp3A_109, %gather3A_115 : vector<16xf32>
    %xor3A_117 = arith.constant 2 : i32
    %xor3A_118 = vector.broadcast %xor3A_117 : i32 to vector<16xi32>
    %xor3A_119 = arith.xori %iota3A, %xor3A_118 : vector<16xi32>
    %broadcast_in_dim3A_120 = vector.shape_cast %xor3A_119 : vector<16xi32> to vector<16x1xi32>
    %gather3A_121 = vector.shape_cast %broadcast_in_dim3A_120 : vector<16x1xi32> to vector<16xi32>
    %gather3A_122 = tpu.dynamic_gather %add3A_116[%gather3A_121] in [0] : vector<16xf32>, vector<16xi32> -> vector<16xf32>
    %add3A_123 = arith.addf %add3A_116, %gather3A_122 : vector<16xf32>
    %xor3A_124 = arith.constant 4 : i32
    %xor3A_125 = vector.broadcast %xor3A_124 : i32 to vector<16xi32>
    %xor3A_126 = arith.xori %iota3A, %xor3A_125 : vector<16xi32>
    %broadcast_in_dim3A_127 = vector.shape_cast %xor3A_126 : vector<16xi32> to vector<16x1xi32>
    %gather3A_128 = vector.shape_cast %broadcast_in_dim3A_127 : vector<16x1xi32> to vector<16xi32>
    %gather3A_129 = tpu.dynamic_gather %add3A_123[%gather3A_128] in [0] : vector<16xf32>, vector<16xi32> -> vector<16xf32>
    %add3A_130 = arith.addf %add3A_123, %gather3A_129 : vector<16xf32>
    %xor3A_131 = arith.constant 8 : i32
    %xor3A_132 = vector.broadcast %xor3A_131 : i32 to vector<16xi32>
    %xor3A_133 = arith.xori %iota3A, %xor3A_132 : vector<16xi32>
    %broadcast_in_dim3A_134 = vector.shape_cast %xor3A_133 : vector<16xi32> to vector<16x1xi32>
    %gather3A_135 = vector.shape_cast %broadcast_in_dim3A_134 : vector<16x1xi32> to vector<16xi32>
    %gather3A_136 = tpu.dynamic_gather %add3A_130[%gather3A_135] in [0] : vector<16xf32>, vector<16xi32> -> vector<16xf32>
    %add3A_137 = arith.addf %add3A_130, %gather3A_136 : vector<16xf32>
    %div3A_138 = arith.divf %exp3A_109, %add3A_137 : vector<16xf32>
    %swap3A_139 = arith.constant 1 : i32
    %swap3A_140 = arith.index_cast %swap3A_139 : i32 to index
    %swap3A_141 = arith.constant 0 : index
    %swap3A_142 = tpu.vector_load %arg9[%swap3A_140, %swap3A_141] {strides = array<i32>} : memref<8x16xf32, #tpu.memory_space<vmem>>, vector<16xf32>,
    tpu.vector_store %arg9[%swap3A_140, %swap3A_141], %div3A_138 {strides = array<i32>} : memref<8x16xf32, #tpu.memory_space<vmem>>, vector<16xf32>,
    %scan3A_143 = arith.constant 0 : i32
    %scan3A_144 = arith.constant 128 : i32
    %scan3A_145 = arith.addi %scan3A_143, %scan3A_144 : i32
    %scan3A_146 = arith.constant 1 : i32
    %scan3A_147:2 = scf.for %scan3A_563 = %scan3A_143 to %scan3A_145 step %scan3A_146 iter_args(%scan3A_564 = %get3A_6, %scan3A_565 = %broadcast_in_dim3A_10) -> (vector<16xf32>, vector<16xf32>)  : i32 {
      %mul3A_566 = arith.constant 16 : i32
      %mul3A_567 = arith.muli %scan3A_563, %mul3A_566 : i32
      %get3A_568 = arith.constant 2 : i32
      %get3A_569 = arith.index_cast %get3A_568 : i32 to index
      %get3A_570 = arith.index_cast %mul3A_567 : i32 to index
      %get3A_571 = tpu.vector_load %arg8[%get3A_569, %get3A_570] {strides = array<i32>} : memref<8x2048xf32, #tpu.memory_space<vmem>>, vector<16xf32>,
      %mul3A_572 = arith.constant 16 : i32
      %mul3A_573 = arith.muli %scan3A_563, %mul3A_572 : i32
      %add3A_574 = arith.constant 0 : i32
      %add3A_575 = arith.addi %mul3A_573, %add3A_574 : i32
      %get3A_576 = arith.index_cast %add3A_575 : i32 to index
      %get3A_577 = arith.constant 0 : index
      %get3A_578 = tpu.vector_load %arg6[%get3A_576, %get3A_577] {strides = array<i32>} : memref<2048x16xf32, #tpu.memory_space<vmem>>, vector<16xf32>,
      %slice3A = vector.extract_strided_slice %get3A_571 {offsets = [0], sizes = [1], strides = [1]} : vector<16xf32> to vector<1xf32>
      %squeeze3A = vector.extract %slice3A[0] : f32 from vector<1xf32>
      %mul3A_579 = vector.broadcast %squeeze3A : f32 to vector<16xf32>
      %mul3A_580 = arith.mulf %mul3A_579, %get3A_578 : vector<16xf32>
      %add3A_581 = arith.addf %scan3A_564, %mul3A_580 : vector<16xf32>
      %mul3A_582 = arith.constant 16 : i32
      %mul3A_583 = arith.muli %scan3A_563, %mul3A_582 : i32
      %add3A_584 = arith.constant 1 : i32
      %add3A_585 = arith.addi %mul3A_583, %add3A_584 : i32
      %get3A_586 = arith.index_cast %add3A_585 : i32 to index
      %get3A_587 = arith.constant 0 : index
      %get3A_588 = tpu.vector_load %arg6[%get3A_586, %get3A_587] {strides = array<i32>} : memref<2048x16xf32, #tpu.memory_space<vmem>>, vector<16xf32>,
      %slice3A_589 = vector.extract_strided_slice %get3A_571 {offsets = [1], sizes = [1], strides = [1]} : vector<16xf32> to vector<1xf32>
      %squeeze3A_590 = vector.extract %slice3A_589[0] : f32 from vector<1xf32>
      %mul3A_591 = vector.broadcast %squeeze3A_590 : f32 to vector<16xf32>
      %mul3A_592 = arith.mulf %mul3A_591, %get3A_588 : vector<16xf32>
      %add3A_593 = arith.addf %scan3A_565, %mul3A_592 : vector<16xf32>
      %mul3A_594 = arith.constant 16 : i32
      %mul3A_595 = arith.muli %scan3A_563, %mul3A_594 : i32
      %add3A_596 = arith.constant 2 : i32
      %add3A_597 = arith.addi %mul3A_595, %add3A_596 : i32
      %get3A_598 = arith.index_cast %add3A_597 : i32 to index
      %get3A_599 = arith.constant 0 : index
      %get3A_600 = tpu.vector_load %arg6[%get3A_598, %get3A_599] {strides = array<i32>} : memref<2048x16xf32, #tpu.memory_space<vmem>>, vector<16xf32>,
      %slice3A_601 = vector.extract_strided_slice %get3A_571 {offsets = [2], sizes = [1], strides = [1]} : vector<16xf32> to vector<1xf32>
      %squeeze3A_602 = vector.extract %slice3A_601[0] : f32 from vector<1xf32>
      %mul3A_603 = vector.broadcast %squeeze3A_602 : f32 to vector<16xf32>
      %mul3A_604 = arith.mulf %mul3A_603, %get3A_600 : vector<16xf32>
      %add3A_605 = arith.addf %add3A_581, %mul3A_604 : vector<16xf32>
      %mul3A_606 = arith.constant 16 : i32
      %mul3A_607 = arith.muli %scan3A_563, %mul3A_606 : i32
      %add3A_608 = arith.constant 3 : i32
      %add3A_609 = arith.addi %mul3A_607, %add3A_608 : i32
      %get3A_610 = arith.index_cast %add3A_609 : i32 to index
      %get3A_611 = arith.constant 0 : index
      %get3A_612 = tpu.vector_load %arg6[%get3A_610, %get3A_611] {strides = array<i32>} : memref<2048x16xf32, #tpu.memory_space<vmem>>, vector<16xf32>,
      %slice3A_613 = vector.extract_strided_slice %get3A_571 {offsets = [3], sizes = [1], strides = [1]} : vector<16xf32> to vector<1xf32>
      %squeeze3A_614 = vector.extract %slice3A_613[0] : f32 from vector<1xf32>
      %mul3A_615 = vector.broadcast %squeeze3A_614 : f32 to vector<16xf32>
      %mul3A_616 = arith.mulf %mul3A_615, %get3A_612 : vector<16xf32>
      %add3A_617 = arith.addf %add3A_593, %mul3A_616 : vector<16xf32>
      %mul3A_618 = arith.constant 16 : i32
      %mul3A_619 = arith.muli %scan3A_563, %mul3A_618 : i32
      %add3A_620 = arith.constant 4 : i32
      %add3A_621 = arith.addi %mul3A_619, %add3A_620 : i32
      %get3A_622 = arith.index_cast %add3A_621 : i32 to index
      %get3A_623 = arith.constant 0 : index
      %get3A_624 = tpu.vector_load %arg6[%get3A_622, %get3A_623] {strides = array<i32>} : memref<2048x16xf32, #tpu.memory_space<vmem>>, vector<16xf32>,
      %slice3A_625 = vector.extract_strided_slice %get3A_571 {offsets = [4], sizes = [1], strides = [1]} : vector<16xf32> to vector<1xf32>
      %squeeze3A_626 = vector.extract %slice3A_625[0] : f32 from vector<1xf32>
      %mul3A_627 = vector.broadcast %squeeze3A_626 : f32 to vector<16xf32>
      %mul3A_628 = arith.mulf %mul3A_627, %get3A_624 : vector<16xf32>
      %add3A_629 = arith.addf %add3A_605, %mul3A_628 : vector<16xf32>
      %mul3A_630 = arith.constant 16 : i32
      %mul3A_631 = arith.muli %scan3A_563, %mul3A_630 : i32
      %add3A_632 = arith.constant 5 : i32
      %add3A_633 = arith.addi %mul3A_631, %add3A_632 : i32
      %get3A_634 = arith.index_cast %add3A_633 : i32 to index
      %get3A_635 = arith.constant 0 : index
      %get3A_636 = tpu.vector_load %arg6[%get3A_634, %get3A_635] {strides = array<i32>} : memref<2048x16xf32, #tpu.memory_space<vmem>>, vector<16xf32>,
      %slice3A_637 = vector.extract_strided_slice %get3A_571 {offsets = [5], sizes = [1], strides = [1]} : vector<16xf32> to vector<1xf32>
      %squeeze3A_638 = vector.extract %slice3A_637[0] : f32 from vector<1xf32>
      %mul3A_639 = vector.broadcast %squeeze3A_638 : f32 to vector<16xf32>
      %mul3A_640 = arith.mulf %mul3A_639, %get3A_636 : vector<16xf32>
      %add3A_641 = arith.addf %add3A_617, %mul3A_640 : vector<16xf32>
      %mul3A_642 = arith.constant 16 : i32
      %mul3A_643 = arith.muli %scan3A_563, %mul3A_642 : i32
      %add3A_644 = arith.constant 6 : i32
      %add3A_645 = arith.addi %mul3A_643, %add3A_644 : i32
      %get3A_646 = arith.index_cast %add3A_645 : i32 to index
      %get3A_647 = arith.constant 0 : index
      %get3A_648 = tpu.vector_load %arg6[%get3A_646, %get3A_647] {strides = array<i32>} : memref<2048x16xf32, #tpu.memory_space<vmem>>, vector<16xf32>,
      %slice3A_649 = vector.extract_strided_slice %get3A_571 {offsets = [6], sizes = [1], strides = [1]} : vector<16xf32> to vector<1xf32>
      %squeeze3A_650 = vector.extract %slice3A_649[0] : f32 from vector<1xf32>
      %mul3A_651 = vector.broadcast %squeeze3A_650 : f32 to vector<16xf32>
      %mul3A_652 = arith.mulf %mul3A_651, %get3A_648 : vector<16xf32>
      %add3A_653 = arith.addf %add3A_629, %mul3A_652 : vector<16xf32>
      %mul3A_654 = arith.constant 16 : i32
      %mul3A_655 = arith.muli %scan3A_563, %mul3A_654 : i32
      %add3A_656 = arith.constant 7 : i32
      %add3A_657 = arith.addi %mul3A_655, %add3A_656 : i32
      %get3A_658 = arith.index_cast %add3A_657 : i32 to index
      %get3A_659 = arith.constant 0 : index
      %get3A_660 = tpu.vector_load %arg6[%get3A_658, %get3A_659] {strides = array<i32>} : memref<2048x16xf32, #tpu.memory_space<vmem>>, vector<16xf32>,
      %slice3A_661 = vector.extract_strided_slice %get3A_571 {offsets = [7], sizes = [1], strides = [1]} : vector<16xf32> to vector<1xf32>
      %squeeze3A_662 = vector.extract %slice3A_661[0] : f32 from vector<1xf32>
      %mul3A_663 = vector.broadcast %squeeze3A_662 : f32 to vector<16xf32>
      %mul3A_664 = arith.mulf %mul3A_663, %get3A_660 : vector<16xf32>
      %add3A_665 = arith.addf %add3A_641, %mul3A_664 : vector<16xf32>
      %mul3A_666 = arith.constant 16 : i32
      %mul3A_667 = arith.muli %scan3A_563, %mul3A_666 : i32
      %add3A_668 = arith.constant 8 : i32
      %add3A_669 = arith.addi %mul3A_667, %add3A_668 : i32
      %get3A_670 = arith.index_cast %add3A_669 : i32 to index
      %get3A_671 = arith.constant 0 : index
      %get3A_672 = tpu.vector_load %arg6[%get3A_670, %get3A_671] {strides = array<i32>} : memref<2048x16xf32, #tpu.memory_space<vmem>>, vector<16xf32>,
      %slice3A_673 = vector.extract_strided_slice %get3A_571 {offsets = [8], sizes = [1], strides = [1]} : vector<16xf32> to vector<1xf32>
      %squeeze3A_674 = vector.extract %slice3A_673[0] : f32 from vector<1xf32>
      %mul3A_675 = vector.broadcast %squeeze3A_674 : f32 to vector<16xf32>
      %mul3A_676 = arith.mulf %mul3A_675, %get3A_672 : vector<16xf32>
      %add3A_677 = arith.addf %add3A_653, %mul3A_676 : vector<16xf32>
      %mul3A_678 = arith.constant 16 : i32
      %mul3A_679 = arith.muli %scan3A_563, %mul3A_678 : i32
      %add3A_680 = arith.constant 9 : i32
      %add3A_681 = arith.addi %mul3A_679, %add3A_680 : i32
      %get3A_682 = arith.index_cast %add3A_681 : i32 to index
      %get3A_683 = arith.constant 0 : index
      %get3A_684 = tpu.vector_load %arg6[%get3A_682, %get3A_683] {strides = array<i32>} : memref<2048x16xf32, #tpu.memory_space<vmem>>, vector<16xf32>,
      %slice3A_685 = vector.extract_strided_slice %get3A_571 {offsets = [9], sizes = [1], strides = [1]} : vector<16xf32> to vector<1xf32>
      %squeeze3A_686 = vector.extract %slice3A_685[0] : f32 from vector<1xf32>
      %mul3A_687 = vector.broadcast %squeeze3A_686 : f32 to vector<16xf32>
      %mul3A_688 = arith.mulf %mul3A_687, %get3A_684 : vector<16xf32>
      %add3A_689 = arith.addf %add3A_665, %mul3A_688 : vector<16xf32>
      %mul3A_690 = arith.constant 16 : i32
      %mul3A_691 = arith.muli %scan3A_563, %mul3A_690 : i32
      %add3A_692 = arith.constant 10 : i32
      %add3A_693 = arith.addi %mul3A_691, %add3A_692 : i32
      %get3A_694 = arith.index_cast %add3A_693 : i32 to index
      %get3A_695 = arith.constant 0 : index
      %get3A_696 = tpu.vector_load %arg6[%get3A_694, %get3A_695] {strides = array<i32>} : memref<2048x16xf32, #tpu.memory_space<vmem>>, vector<16xf32>,
      %slice3A_697 = vector.extract_strided_slice %get3A_571 {offsets = [10], sizes = [1], strides = [1]} : vector<16xf32> to vector<1xf32>
      %squeeze3A_698 = vector.extract %slice3A_697[0] : f32 from vector<1xf32>
      %mul3A_699 = vector.broadcast %squeeze3A_698 : f32 to vector<16xf32>
      %mul3A_700 = arith.mulf %mul3A_699, %get3A_696 : vector<16xf32>
      %add3A_701 = arith.addf %add3A_677, %mul3A_700 : vector<16xf32>
      %mul3A_702 = arith.constant 16 : i32
      %mul3A_703 = arith.muli %scan3A_563, %mul3A_702 : i32
      %add3A_704 = arith.constant 11 : i32
      %add3A_705 = arith.addi %mul3A_703, %add3A_704 : i32
      %get3A_706 = arith.index_cast %add3A_705 : i32 to index
      %get3A_707 = arith.constant 0 : index
      %get3A_708 = tpu.vector_load %arg6[%get3A_706, %get3A_707] {strides = array<i32>} : memref<2048x16xf32, #tpu.memory_space<vmem>>, vector<16xf32>,
      %slice3A_709 = vector.extract_strided_slice %get3A_571 {offsets = [11], sizes = [1], strides = [1]} : vector<16xf32> to vector<1xf32>
      %squeeze3A_710 = vector.extract %slice3A_709[0] : f32 from vector<1xf32>
      %mul3A_711 = vector.broadcast %squeeze3A_710 : f32 to vector<16xf32>
      %mul3A_712 = arith.mulf %mul3A_711, %get3A_708 : vector<16xf32>
      %add3A_713 = arith.addf %add3A_689, %mul3A_712 : vector<16xf32>
      %mul3A_714 = arith.constant 16 : i32
      %mul3A_715 = arith.muli %scan3A_563, %mul3A_714 : i32
      %add3A_716 = arith.constant 12 : i32
      %add3A_717 = arith.addi %mul3A_715, %add3A_716 : i32
      %get3A_718 = arith.index_cast %add3A_717 : i32 to index
      %get3A_719 = arith.constant 0 : index
      %get3A_720 = tpu.vector_load %arg6[%get3A_718, %get3A_719] {strides = array<i32>} : memref<2048x16xf32, #tpu.memory_space<vmem>>, vector<16xf32>,
      %slice3A_721 = vector.extract_strided_slice %get3A_571 {offsets = [12], sizes = [1], strides = [1]} : vector<16xf32> to vector<1xf32>
      %squeeze3A_722 = vector.extract %slice3A_721[0] : f32 from vector<1xf32>
      %mul3A_723 = vector.broadcast %squeeze3A_722 : f32 to vector<16xf32>
      %mul3A_724 = arith.mulf %mul3A_723, %get3A_720 : vector<16xf32>
      %add3A_725 = arith.addf %add3A_701, %mul3A_724 : vector<16xf32>
      %mul3A_726 = arith.constant 16 : i32
      %mul3A_727 = arith.muli %scan3A_563, %mul3A_726 : i32
      %add3A_728 = arith.constant 13 : i32
      %add3A_729 = arith.addi %mul3A_727, %add3A_728 : i32
      %get3A_730 = arith.index_cast %add3A_729 : i32 to index
      %get3A_731 = arith.constant 0 : index
      %get3A_732 = tpu.vector_load %arg6[%get3A_730, %get3A_731] {strides = array<i32>} : memref<2048x16xf32, #tpu.memory_space<vmem>>, vector<16xf32>,
      %slice3A_733 = vector.extract_strided_slice %get3A_571 {offsets = [13], sizes = [1], strides = [1]} : vector<16xf32> to vector<1xf32>
      %squeeze3A_734 = vector.extract %slice3A_733[0] : f32 from vector<1xf32>
      %mul3A_735 = vector.broadcast %squeeze3A_734 : f32 to vector<16xf32>
      %mul3A_736 = arith.mulf %mul3A_735, %get3A_732 : vector<16xf32>
      %add3A_737 = arith.addf %add3A_713, %mul3A_736 : vector<16xf32>
      %mul3A_738 = arith.constant 16 : i32
      %mul3A_739 = arith.muli %scan3A_563, %mul3A_738 : i32
      %add3A_740 = arith.constant 14 : i32
      %add3A_741 = arith.addi %mul3A_739, %add3A_740 : i32
      %get3A_742 = arith.index_cast %add3A_741 : i32 to index
      %get3A_743 = arith.constant 0 : index
      %get3A_744 = tpu.vector_load %arg6[%get3A_742, %get3A_743] {strides = array<i32>} : memref<2048x16xf32, #tpu.memory_space<vmem>>, vector<16xf32>,
      %slice3A_745 = vector.extract_strided_slice %get3A_571 {offsets = [14], sizes = [1], strides = [1]} : vector<16xf32> to vector<1xf32>
      %squeeze3A_746 = vector.extract %slice3A_745[0] : f32 from vector<1xf32>
      %mul3A_747 = vector.broadcast %squeeze3A_746 : f32 to vector<16xf32>
      %mul3A_748 = arith.mulf %mul3A_747, %get3A_744 : vector<16xf32>
      %add3A_749 = arith.addf %add3A_725, %mul3A_748 : vector<16xf32>
      %mul3A_750 = arith.constant 16 : i32
      %mul3A_751 = arith.muli %scan3A_563, %mul3A_750 : i32
      %add3A_752 = arith.constant 15 : i32
      %add3A_753 = arith.addi %mul3A_751, %add3A_752 : i32
      %get3A_754 = arith.index_cast %add3A_753 : i32 to index
      %get3A_755 = arith.constant 0 : index
      %get3A_756 = tpu.vector_load %arg6[%get3A_754, %get3A_755] {strides = array<i32>} : memref<2048x16xf32, #tpu.memory_space<vmem>>, vector<16xf32>,
      %slice3A_757 = vector.extract_strided_slice %get3A_571 {offsets = [15], sizes = [1], strides = [1]} : vector<16xf32> to vector<1xf32>
      %squeeze3A_758 = vector.extract %slice3A_757[0] : f32 from vector<1xf32>
      %mul3A_759 = vector.broadcast %squeeze3A_758 : f32 to vector<16xf32>
      %mul3A_760 = arith.mulf %mul3A_759, %get3A_756 : vector<16xf32>
      %add3A_761 = arith.addf %add3A_737, %mul3A_760 : vector<16xf32>
      scf.yield %add3A_749, %add3A_761 : vector<16xf32>, vector<16xf32>
    }
    %scan3A_148 = arith.constant 128 : i32
    %add3A_149 = arith.addf %scan3A_147#0, %scan3A_147#1 : vector<16xf32>
    %xor3A_150 = arith.constant 1 : i32
    %xor3A_151 = vector.broadcast %xor3A_150 : i32 to vector<16xi32>
    %xor3A_152 = arith.xori %iota3A, %xor3A_151 : vector<16xi32>
    %broadcast_in_dim3A_153 = vector.shape_cast %xor3A_152 : vector<16xi32> to vector<16x1xi32>
    %gather3A_154 = vector.shape_cast %broadcast_in_dim3A_153 : vector<16x1xi32> to vector<16xi32>
    %gather3A_155 = tpu.dynamic_gather %add3A_149[%gather3A_154] in [0] : vector<16xf32>, vector<16xi32> -> vector<16xf32>
    %max3A_156 = arith.maximumf %add3A_149, %gather3A_155 : vector<16xf32>
    %xor3A_157 = arith.constant 2 : i32
    %xor3A_158 = vector.broadcast %xor3A_157 : i32 to vector<16xi32>
    %xor3A_159 = arith.xori %iota3A, %xor3A_158 : vector<16xi32>
    %broadcast_in_dim3A_160 = vector.shape_cast %xor3A_159 : vector<16xi32> to vector<16x1xi32>
    %gather3A_161 = vector.shape_cast %broadcast_in_dim3A_160 : vector<16x1xi32> to vector<16xi32>
    %gather3A_162 = tpu.dynamic_gather %max3A_156[%gather3A_161] in [0] : vector<16xf32>, vector<16xi32> -> vector<16xf32>
    %max3A_163 = arith.maximumf %max3A_156, %gather3A_162 : vector<16xf32>
    %xor3A_164 = arith.constant 4 : i32
    %xor3A_165 = vector.broadcast %xor3A_164 : i32 to vector<16xi32>
    %xor3A_166 = arith.xori %iota3A, %xor3A_165 : vector<16xi32>
    %broadcast_in_dim3A_167 = vector.shape_cast %xor3A_166 : vector<16xi32> to vector<16x1xi32>
    %gather3A_168 = vector.shape_cast %broadcast_in_dim3A_167 : vector<16x1xi32> to vector<16xi32>
    %gather3A_169 = tpu.dynamic_gather %max3A_163[%gather3A_168] in [0] : vector<16xf32>, vector<16xi32> -> vector<16xf32>
    %max3A_170 = arith.maximumf %max3A_163, %gather3A_169 : vector<16xf32>
    %xor3A_171 = arith.constant 8 : i32
    %xor3A_172 = vector.broadcast %xor3A_171 : i32 to vector<16xi32>
    %xor3A_173 = arith.xori %iota3A, %xor3A_172 : vector<16xi32>
    %broadcast_in_dim3A_174 = vector.shape_cast %xor3A_173 : vector<16xi32> to vector<16x1xi32>
    %gather3A_175 = vector.shape_cast %broadcast_in_dim3A_174 : vector<16x1xi32> to vector<16xi32>
    %gather3A_176 = tpu.dynamic_gather %max3A_170[%gather3A_175] in [0] : vector<16xf32>, vector<16xi32> -> vector<16xf32>
    %max3A_177 = arith.maximumf %max3A_170, %gather3A_176 : vector<16xf32>
    %sub3A_178 = arith.subf %add3A_149, %max3A_177 : vector<16xf32>
    %exp3A_179 = math.exp %sub3A_178 : vector<16xf32>
    %xor3A_180 = arith.constant 1 : i32
    %xor3A_181 = vector.broadcast %xor3A_180 : i32 to vector<16xi32>
    %xor3A_182 = arith.xori %iota3A, %xor3A_181 : vector<16xi32>
    %broadcast_in_dim3A_183 = vector.shape_cast %xor3A_182 : vector<16xi32> to vector<16x1xi32>
    %gather3A_184 = vector.shape_cast %broadcast_in_dim3A_183 : vector<16x1xi32> to vector<16xi32>
    %gather3A_185 = tpu.dynamic_gather %exp3A_179[%gather3A_184] in [0] : vector<16xf32>, vector<16xi32> -> vector<16xf32>
    %add3A_186 = arith.addf %exp3A_179, %gather3A_185 : vector<16xf32>
    %xor3A_187 = arith.constant 2 : i32
    %xor3A_188 = vector.broadcast %xor3A_187 : i32 to vector<16xi32>
    %xor3A_189 = arith.xori %iota3A, %xor3A_188 : vector<16xi32>
    %broadcast_in_dim3A_190 = vector.shape_cast %xor3A_189 : vector<16xi32> to vector<16x1xi32>
    %gather3A_191 = vector.shape_cast %broadcast_in_dim3A_190 : vector<16x1xi32> to vector<16xi32>
    %gather3A_192 = tpu.dynamic_gather %add3A_186[%gather3A_191] in [0] : vector<16xf32>, vector<16xi32> -> vector<16xf32>
    %add3A_193 = arith.addf %add3A_186, %gather3A_192 : vector<16xf32>
    %xor3A_194 = arith.constant 4 : i32
    %xor3A_195 = vector.broadcast %xor3A_194 : i32 to vector<16xi32>
    %xor3A_196 = arith.xori %iota3A, %xor3A_195 : vector<16xi32>
    %broadcast_in_dim3A_197 = vector.shape_cast %xor3A_196 : vector<16xi32> to vector<16x1xi32>
    %gather3A_198 = vector.shape_cast %broadcast_in_dim3A_197 : vector<16x1xi32> to vector<16xi32>
    %gather3A_199 = tpu.dynamic_gather %add3A_193[%gather3A_198] in [0] : vector<16xf32>, vector<16xi32> -> vector<16xf32>
    %add3A_200 = arith.addf %add3A_193, %gather3A_199 : vector<16xf32>
    %xor3A_201 = arith.constant 8 : i32
    %xor3A_202 = vector.broadcast %xor3A_201 : i32 to vector<16xi32>
    %xor3A_203 = arith.xori %iota3A, %xor3A_202 : vector<16xi32>
    %broadcast_in_dim3A_204 = vector.shape_cast %xor3A_203 : vector<16xi32> to vector<16x1xi32>
    %gather3A_205 = vector.shape_cast %broadcast_in_dim3A_204 : vector<16x1xi32> to vector<16xi32>
    %gather3A_206 = tpu.dynamic_gather %add3A_200[%gather3A_205] in [0] : vector<16xf32>, vector<16xi32> -> vector<16xf32>
    %add3A_207 = arith.addf %add3A_200, %gather3A_206 : vector<16xf32>
    %div3A_208 = arith.divf %exp3A_179, %add3A_207 : vector<16xf32>
    %swap3A_209 = arith.constant 2 : i32
    %swap3A_210 = arith.index_cast %swap3A_209 : i32 to index
    %swap3A_211 = arith.constant 0 : index
    %swap3A_212 = tpu.vector_load %arg9[%swap3A_210, %swap3A_211] {strides = array<i32>} : memref<8x16xf32, #tpu.memory_space<vmem>>, vector<16xf32>,
    tpu.vector_store %arg9[%swap3A_210, %swap3A_211], %div3A_208 {strides = array<i32>} : memref<8x16xf32, #tpu.memory_space<vmem>>, vector<16xf32>,
    %scan3A_213 = arith.constant 0 : i32
    %scan3A_214 = arith.constant 128 : i32
    %scan3A_215 = arith.addi %scan3A_213, %scan3A_214 : i32
    %scan3A_216 = arith.constant 1 : i32
    %scan3A_217:2 = scf.for %scan3A_563 = %scan3A_213 to %scan3A_215 step %scan3A_216 iter_args(%scan3A_564 = %get3A_6, %scan3A_565 = %broadcast_in_dim3A_10) -> (vector<16xf32>, vector<16xf32>)  : i32 {
      %mul3A_566 = arith.constant 16 : i32
      %mul3A_567 = arith.muli %scan3A_563, %mul3A_566 : i32
      %get3A_568 = arith.constant 3 : i32
      %get3A_569 = arith.index_cast %get3A_568 : i32 to index
      %get3A_570 = arith.index_cast %mul3A_567 : i32 to index
      %get3A_571 = tpu.vector_load %arg8[%get3A_569, %get3A_570] {strides = array<i32>} : memref<8x2048xf32, #tpu.memory_space<vmem>>, vector<16xf32>,
      %mul3A_572 = arith.constant 16 : i32
      %mul3A_573 = arith.muli %scan3A_563, %mul3A_572 : i32
      %add3A_574 = arith.constant 0 : i32
      %add3A_575 = arith.addi %mul3A_573, %add3A_574 : i32
      %get3A_576 = arith.index_cast %add3A_575 : i32 to index
      %get3A_577 = arith.constant 0 : index
      %get3A_578 = tpu.vector_load %arg6[%get3A_576, %get3A_577] {strides = array<i32>} : memref<2048x16xf32, #tpu.memory_space<vmem>>, vector<16xf32>,
      %slice3A = vector.extract_strided_slice %get3A_571 {offsets = [0], sizes = [1], strides = [1]} : vector<16xf32> to vector<1xf32>
      %squeeze3A = vector.extract %slice3A[0] : f32 from vector<1xf32>
      %mul3A_579 = vector.broadcast %squeeze3A : f32 to vector<16xf32>
      %mul3A_580 = arith.mulf %mul3A_579, %get3A_578 : vector<16xf32>
      %add3A_581 = arith.addf %scan3A_564, %mul3A_580 : vector<16xf32>
      %mul3A_582 = arith.constant 16 : i32
      %mul3A_583 = arith.muli %scan3A_563, %mul3A_582 : i32
      %add3A_584 = arith.constant 1 : i32
      %add3A_585 = arith.addi %mul3A_583, %add3A_584 : i32
      %get3A_586 = arith.index_cast %add3A_585 : i32 to index
      %get3A_587 = arith.constant 0 : index
      %get3A_588 = tpu.vector_load %arg6[%get3A_586, %get3A_587] {strides = array<i32>} : memref<2048x16xf32, #tpu.memory_space<vmem>>, vector<16xf32>,
      %slice3A_589 = vector.extract_strided_slice %get3A_571 {offsets = [1], sizes = [1], strides = [1]} : vector<16xf32> to vector<1xf32>
      %squeeze3A_590 = vector.extract %slice3A_589[0] : f32 from vector<1xf32>
      %mul3A_591 = vector.broadcast %squeeze3A_590 : f32 to vector<16xf32>
      %mul3A_592 = arith.mulf %mul3A_591, %get3A_588 : vector<16xf32>
      %add3A_593 = arith.addf %scan3A_565, %mul3A_592 : vector<16xf32>
      %mul3A_594 = arith.constant 16 : i32
      %mul3A_595 = arith.muli %scan3A_563, %mul3A_594 : i32
      %add3A_596 = arith.constant 2 : i32
      %add3A_597 = arith.addi %mul3A_595, %add3A_596 : i32
      %get3A_598 = arith.index_cast %add3A_597 : i32 to index
      %get3A_599 = arith.constant 0 : index
      %get3A_600 = tpu.vector_load %arg6[%get3A_598, %get3A_599] {strides = array<i32>} : memref<2048x16xf32, #tpu.memory_space<vmem>>, vector<16xf32>,
      %slice3A_601 = vector.extract_strided_slice %get3A_571 {offsets = [2], sizes = [1], strides = [1]} : vector<16xf32> to vector<1xf32>
      %squeeze3A_602 = vector.extract %slice3A_601[0] : f32 from vector<1xf32>
      %mul3A_603 = vector.broadcast %squeeze3A_602 : f32 to vector<16xf32>
      %mul3A_604 = arith.mulf %mul3A_603, %get3A_600 : vector<16xf32>
      %add3A_605 = arith.addf %add3A_581, %mul3A_604 : vector<16xf32>
      %mul3A_606 = arith.constant 16 : i32
      %mul3A_607 = arith.muli %scan3A_563, %mul3A_606 : i32
      %add3A_608 = arith.constant 3 : i32
      %add3A_609 = arith.addi %mul3A_607, %add3A_608 : i32
      %get3A_610 = arith.index_cast %add3A_609 : i32 to index
      %get3A_611 = arith.constant 0 : index
      %get3A_612 = tpu.vector_load %arg6[%get3A_610, %get3A_611] {strides = array<i32>} : memref<2048x16xf32, #tpu.memory_space<vmem>>, vector<16xf32>,
      %slice3A_613 = vector.extract_strided_slice %get3A_571 {offsets = [3], sizes = [1], strides = [1]} : vector<16xf32> to vector<1xf32>
      %squeeze3A_614 = vector.extract %slice3A_613[0] : f32 from vector<1xf32>
      %mul3A_615 = vector.broadcast %squeeze3A_614 : f32 to vector<16xf32>
      %mul3A_616 = arith.mulf %mul3A_615, %get3A_612 : vector<16xf32>
      %add3A_617 = arith.addf %add3A_593, %mul3A_616 : vector<16xf32>
      %mul3A_618 = arith.constant 16 : i32
      %mul3A_619 = arith.muli %scan3A_563, %mul3A_618 : i32
      %add3A_620 = arith.constant 4 : i32
      %add3A_621 = arith.addi %mul3A_619, %add3A_620 : i32
      %get3A_622 = arith.index_cast %add3A_621 : i32 to index
      %get3A_623 = arith.constant 0 : index
      %get3A_624 = tpu.vector_load %arg6[%get3A_622, %get3A_623] {strides = array<i32>} : memref<2048x16xf32, #tpu.memory_space<vmem>>, vector<16xf32>,
      %slice3A_625 = vector.extract_strided_slice %get3A_571 {offsets = [4], sizes = [1], strides = [1]} : vector<16xf32> to vector<1xf32>
      %squeeze3A_626 = vector.extract %slice3A_625[0] : f32 from vector<1xf32>
      %mul3A_627 = vector.broadcast %squeeze3A_626 : f32 to vector<16xf32>
      %mul3A_628 = arith.mulf %mul3A_627, %get3A_624 : vector<16xf32>
      %add3A_629 = arith.addf %add3A_605, %mul3A_628 : vector<16xf32>
      %mul3A_630 = arith.constant 16 : i32
      %mul3A_631 = arith.muli %scan3A_563, %mul3A_630 : i32
      %add3A_632 = arith.constant 5 : i32
      %add3A_633 = arith.addi %mul3A_631, %add3A_632 : i32
      %get3A_634 = arith.index_cast %add3A_633 : i32 to index
      %get3A_635 = arith.constant 0 : index
      %get3A_636 = tpu.vector_load %arg6[%get3A_634, %get3A_635] {strides = array<i32>} : memref<2048x16xf32, #tpu.memory_space<vmem>>, vector<16xf32>,
      %slice3A_637 = vector.extract_strided_slice %get3A_571 {offsets = [5], sizes = [1], strides = [1]} : vector<16xf32> to vector<1xf32>
      %squeeze3A_638 = vector.extract %slice3A_637[0] : f32 from vector<1xf32>
      %mul3A_639 = vector.broadcast %squeeze3A_638 : f32 to vector<16xf32>
      %mul3A_640 = arith.mulf %mul3A_639, %get3A_636 : vector<16xf32>
      %add3A_641 = arith.addf %add3A_617, %mul3A_640 : vector<16xf32>
      %mul3A_642 = arith.constant 16 : i32
      %mul3A_643 = arith.muli %scan3A_563, %mul3A_642 : i32
      %add3A_644 = arith.constant 6 : i32
      %add3A_645 = arith.addi %mul3A_643, %add3A_644 : i32
      %get3A_646 = arith.index_cast %add3A_645 : i32 to index
      %get3A_647 = arith.constant 0 : index
      %get3A_648 = tpu.vector_load %arg6[%get3A_646, %get3A_647] {strides = array<i32>} : memref<2048x16xf32, #tpu.memory_space<vmem>>, vector<16xf32>,
      %slice3A_649 = vector.extract_strided_slice %get3A_571 {offsets = [6], sizes = [1], strides = [1]} : vector<16xf32> to vector<1xf32>
      %squeeze3A_650 = vector.extract %slice3A_649[0] : f32 from vector<1xf32>
      %mul3A_651 = vector.broadcast %squeeze3A_650 : f32 to vector<16xf32>
      %mul3A_652 = arith.mulf %mul3A_651, %get3A_648 : vector<16xf32>
      %add3A_653 = arith.addf %add3A_629, %mul3A_652 : vector<16xf32>
      %mul3A_654 = arith.constant 16 : i32
      %mul3A_655 = arith.muli %scan3A_563, %mul3A_654 : i32
      %add3A_656 = arith.constant 7 : i32
      %add3A_657 = arith.addi %mul3A_655, %add3A_656 : i32
      %get3A_658 = arith.index_cast %add3A_657 : i32 to index
      %get3A_659 = arith.constant 0 : index
      %get3A_660 = tpu.vector_load %arg6[%get3A_658, %get3A_659] {strides = array<i32>} : memref<2048x16xf32, #tpu.memory_space<vmem>>, vector<16xf32>,
      %slice3A_661 = vector.extract_strided_slice %get3A_571 {offsets = [7], sizes = [1], strides = [1]} : vector<16xf32> to vector<1xf32>
      %squeeze3A_662 = vector.extract %slice3A_661[0] : f32 from vector<1xf32>
      %mul3A_663 = vector.broadcast %squeeze3A_662 : f32 to vector<16xf32>
      %mul3A_664 = arith.mulf %mul3A_663, %get3A_660 : vector<16xf32>
      %add3A_665 = arith.addf %add3A_641, %mul3A_664 : vector<16xf32>
      %mul3A_666 = arith.constant 16 : i32
      %mul3A_667 = arith.muli %scan3A_563, %mul3A_666 : i32
      %add3A_668 = arith.constant 8 : i32
      %add3A_669 = arith.addi %mul3A_667, %add3A_668 : i32
      %get3A_670 = arith.index_cast %add3A_669 : i32 to index
      %get3A_671 = arith.constant 0 : index
      %get3A_672 = tpu.vector_load %arg6[%get3A_670, %get3A_671] {strides = array<i32>} : memref<2048x16xf32, #tpu.memory_space<vmem>>, vector<16xf32>,
      %slice3A_673 = vector.extract_strided_slice %get3A_571 {offsets = [8], sizes = [1], strides = [1]} : vector<16xf32> to vector<1xf32>
      %squeeze3A_674 = vector.extract %slice3A_673[0] : f32 from vector<1xf32>
      %mul3A_675 = vector.broadcast %squeeze3A_674 : f32 to vector<16xf32>
      %mul3A_676 = arith.mulf %mul3A_675, %get3A_672 : vector<16xf32>
      %add3A_677 = arith.addf %add3A_653, %mul3A_676 : vector<16xf32>
      %mul3A_678 = arith.constant 16 : i32
      %mul3A_679 = arith.muli %scan3A_563, %mul3A_678 : i32
      %add3A_680 = arith.constant 9 : i32
      %add3A_681 = arith.addi %mul3A_679, %add3A_680 : i32
      %get3A_682 = arith.index_cast %add3A_681 : i32 to index
      %get3A_683 = arith.constant 0 : index
      %get3A_684 = tpu.vector_load %arg6[%get3A_682, %get3A_683] {strides = array<i32>} : memref<2048x16xf32, #tpu.memory_space<vmem>>, vector<16xf32>,
      %slice3A_685 = vector.extract_strided_slice %get3A_571 {offsets = [9], sizes = [1], strides = [1]} : vector<16xf32> to vector<1xf32>
      %squeeze3A_686 = vector.extract %slice3A_685[0] : f32 from vector<1xf32>
      %mul3A_687 = vector.broadcast %squeeze3A_686 : f32 to vector<16xf32>
      %mul3A_688 = arith.mulf %mul3A_687, %get3A_684 : vector<16xf32>
      %add3A_689 = arith.addf %add3A_665, %mul3A_688 : vector<16xf32>
      %mul3A_690 = arith.constant 16 : i32
      %mul3A_691 = arith.muli %scan3A_563, %mul3A_690 : i32
      %add3A_692 = arith.constant 10 : i32
      %add3A_693 = arith.addi %mul3A_691, %add3A_692 : i32
      %get3A_694 = arith.index_cast %add3A_693 : i32 to index
      %get3A_695 = arith.constant 0 : index
      %get3A_696 = tpu.vector_load %arg6[%get3A_694, %get3A_695] {strides = array<i32>} : memref<2048x16xf32, #tpu.memory_space<vmem>>, vector<16xf32>,
      %slice3A_697 = vector.extract_strided_slice %get3A_571 {offsets = [10], sizes = [1], strides = [1]} : vector<16xf32> to vector<1xf32>
      %squeeze3A_698 = vector.extract %slice3A_697[0] : f32 from vector<1xf32>
      %mul3A_699 = vector.broadcast %squeeze3A_698 : f32 to vector<16xf32>
      %mul3A_700 = arith.mulf %mul3A_699, %get3A_696 : vector<16xf32>
      %add3A_701 = arith.addf %add3A_677, %mul3A_700 : vector<16xf32>
      %mul3A_702 = arith.constant 16 : i32
      %mul3A_703 = arith.muli %scan3A_563, %mul3A_702 : i32
      %add3A_704 = arith.constant 11 : i32
      %add3A_705 = arith.addi %mul3A_703, %add3A_704 : i32
      %get3A_706 = arith.index_cast %add3A_705 : i32 to index
      %get3A_707 = arith.constant 0 : index
      %get3A_708 = tpu.vector_load %arg6[%get3A_706, %get3A_707] {strides = array<i32>} : memref<2048x16xf32, #tpu.memory_space<vmem>>, vector<16xf32>,
      %slice3A_709 = vector.extract_strided_slice %get3A_571 {offsets = [11], sizes = [1], strides = [1]} : vector<16xf32> to vector<1xf32>
      %squeeze3A_710 = vector.extract %slice3A_709[0] : f32 from vector<1xf32>
      %mul3A_711 = vector.broadcast %squeeze3A_710 : f32 to vector<16xf32>
      %mul3A_712 = arith.mulf %mul3A_711, %get3A_708 : vector<16xf32>
      %add3A_713 = arith.addf %add3A_689, %mul3A_712 : vector<16xf32>
      %mul3A_714 = arith.constant 16 : i32
      %mul3A_715 = arith.muli %scan3A_563, %mul3A_714 : i32
      %add3A_716 = arith.constant 12 : i32
      %add3A_717 = arith.addi %mul3A_715, %add3A_716 : i32
      %get3A_718 = arith.index_cast %add3A_717 : i32 to index
      %get3A_719 = arith.constant 0 : index
      %get3A_720 = tpu.vector_load %arg6[%get3A_718, %get3A_719] {strides = array<i32>} : memref<2048x16xf32, #tpu.memory_space<vmem>>, vector<16xf32>,
      %slice3A_721 = vector.extract_strided_slice %get3A_571 {offsets = [12], sizes = [1], strides = [1]} : vector<16xf32> to vector<1xf32>
      %squeeze3A_722 = vector.extract %slice3A_721[0] : f32 from vector<1xf32>
      %mul3A_723 = vector.broadcast %squeeze3A_722 : f32 to vector<16xf32>
      %mul3A_724 = arith.mulf %mul3A_723, %get3A_720 : vector<16xf32>
      %add3A_725 = arith.addf %add3A_701, %mul3A_724 : vector<16xf32>
      %mul3A_726 = arith.constant 16 : i32
      %mul3A_727 = arith.muli %scan3A_563, %mul3A_726 : i32
      %add3A_728 = arith.constant 13 : i32
      %add3A_729 = arith.addi %mul3A_727, %add3A_728 : i32
      %get3A_730 = arith.index_cast %add3A_729 : i32 to index
      %get3A_731 = arith.constant 0 : index
      %get3A_732 = tpu.vector_load %arg6[%get3A_730, %get3A_731] {strides = array<i32>} : memref<2048x16xf32, #tpu.memory_space<vmem>>, vector<16xf32>,
      %slice3A_733 = vector.extract_strided_slice %get3A_571 {offsets = [13], sizes = [1], strides = [1]} : vector<16xf32> to vector<1xf32>
      %squeeze3A_734 = vector.extract %slice3A_733[0] : f32 from vector<1xf32>
      %mul3A_735 = vector.broadcast %squeeze3A_734 : f32 to vector<16xf32>
      %mul3A_736 = arith.mulf %mul3A_735, %get3A_732 : vector<16xf32>
      %add3A_737 = arith.addf %add3A_713, %mul3A_736 : vector<16xf32>
      %mul3A_738 = arith.constant 16 : i32
      %mul3A_739 = arith.muli %scan3A_563, %mul3A_738 : i32
      %add3A_740 = arith.constant 14 : i32
      %add3A_741 = arith.addi %mul3A_739, %add3A_740 : i32
      %get3A_742 = arith.index_cast %add3A_741 : i32 to index
      %get3A_743 = arith.constant 0 : index
      %get3A_744 = tpu.vector_load %arg6[%get3A_742, %get3A_743] {strides = array<i32>} : memref<2048x16xf32, #tpu.memory_space<vmem>>, vector<16xf32>,
      %slice3A_745 = vector.extract_strided_slice %get3A_571 {offsets = [14], sizes = [1], strides = [1]} : vector<16xf32> to vector<1xf32>
      %squeeze3A_746 = vector.extract %slice3A_745[0] : f32 from vector<1xf32>
      %mul3A_747 = vector.broadcast %squeeze3A_746 : f32 to vector<16xf32>
      %mul3A_748 = arith.mulf %mul3A_747, %get3A_744 : vector<16xf32>
      %add3A_749 = arith.addf %add3A_725, %mul3A_748 : vector<16xf32>
      %mul3A_750 = arith.constant 16 : i32
      %mul3A_751 = arith.muli %scan3A_563, %mul3A_750 : i32
      %add3A_752 = arith.constant 15 : i32
      %add3A_753 = arith.addi %mul3A_751, %add3A_752 : i32
      %get3A_754 = arith.index_cast %add3A_753 : i32 to index
      %get3A_755 = arith.constant 0 : index
      %get3A_756 = tpu.vector_load %arg6[%get3A_754, %get3A_755] {strides = array<i32>} : memref<2048x16xf32, #tpu.memory_space<vmem>>, vector<16xf32>,
      %slice3A_757 = vector.extract_strided_slice %get3A_571 {offsets = [15], sizes = [1], strides = [1]} : vector<16xf32> to vector<1xf32>
      %squeeze3A_758 = vector.extract %slice3A_757[0] : f32 from vector<1xf32>
      %mul3A_759 = vector.broadcast %squeeze3A_758 : f32 to vector<16xf32>
      %mul3A_760 = arith.mulf %mul3A_759, %get3A_756 : vector<16xf32>
      %add3A_761 = arith.addf %add3A_737, %mul3A_760 : vector<16xf32>
      scf.yield %add3A_749, %add3A_761 : vector<16xf32>, vector<16xf32>
    }
    %scan3A_218 = arith.constant 128 : i32
    %add3A_219 = arith.addf %scan3A_217#0, %scan3A_217#1 : vector<16xf32>
    %xor3A_220 = arith.constant 1 : i32
    %xor3A_221 = vector.broadcast %xor3A_220 : i32 to vector<16xi32>
    %xor3A_222 = arith.xori %iota3A, %xor3A_221 : vector<16xi32>
    %broadcast_in_dim3A_223 = vector.shape_cast %xor3A_222 : vector<16xi32> to vector<16x1xi32>
    %gather3A_224 = vector.shape_cast %broadcast_in_dim3A_223 : vector<16x1xi32> to vector<16xi32>
    %gather3A_225 = tpu.dynamic_gather %add3A_219[%gather3A_224] in [0] : vector<16xf32>, vector<16xi32> -> vector<16xf32>
    %max3A_226 = arith.maximumf %add3A_219, %gather3A_225 : vector<16xf32>
    %xor3A_227 = arith.constant 2 : i32
    %xor3A_228 = vector.broadcast %xor3A_227 : i32 to vector<16xi32>
    %xor3A_229 = arith.xori %iota3A, %xor3A_228 : vector<16xi32>
    %broadcast_in_dim3A_230 = vector.shape_cast %xor3A_229 : vector<16xi32> to vector<16x1xi32>
    %gather3A_231 = vector.shape_cast %broadcast_in_dim3A_230 : vector<16x1xi32> to vector<16xi32>
    %gather3A_232 = tpu.dynamic_gather %max3A_226[%gather3A_231] in [0] : vector<16xf32>, vector<16xi32> -> vector<16xf32>
    %max3A_233 = arith.maximumf %max3A_226, %gather3A_232 : vector<16xf32>
    %xor3A_234 = arith.constant 4 : i32
    %xor3A_235 = vector.broadcast %xor3A_234 : i32 to vector<16xi32>
    %xor3A_236 = arith.xori %iota3A, %xor3A_235 : vector<16xi32>
    %broadcast_in_dim3A_237 = vector.shape_cast %xor3A_236 : vector<16xi32> to vector<16x1xi32>
    %gather3A_238 = vector.shape_cast %broadcast_in_dim3A_237 : vector<16x1xi32> to vector<16xi32>
    %gather3A_239 = tpu.dynamic_gather %max3A_233[%gather3A_238] in [0] : vector<16xf32>, vector<16xi32> -> vector<16xf32>
    %max3A_240 = arith.maximumf %max3A_233, %gather3A_239 : vector<16xf32>
    %xor3A_241 = arith.constant 8 : i32
    %xor3A_242 = vector.broadcast %xor3A_241 : i32 to vector<16xi32>
    %xor3A_243 = arith.xori %iota3A, %xor3A_242 : vector<16xi32>
    %broadcast_in_dim3A_244 = vector.shape_cast %xor3A_243 : vector<16xi32> to vector<16x1xi32>
    %gather3A_245 = vector.shape_cast %broadcast_in_dim3A_244 : vector<16x1xi32> to vector<16xi32>
    %gather3A_246 = tpu.dynamic_gather %max3A_240[%gather3A_245] in [0] : vector<16xf32>, vector<16xi32> -> vector<16xf32>
    %max3A_247 = arith.maximumf %max3A_240, %gather3A_246 : vector<16xf32>
    %sub3A_248 = arith.subf %add3A_219, %max3A_247 : vector<16xf32>
    %exp3A_249 = math.exp %sub3A_248 : vector<16xf32>
    %xor3A_250 = arith.constant 1 : i32
    %xor3A_251 = vector.broadcast %xor3A_250 : i32 to vector<16xi32>
    %xor3A_252 = arith.xori %iota3A, %xor3A_251 : vector<16xi32>
    %broadcast_in_dim3A_253 = vector.shape_cast %xor3A_252 : vector<16xi32> to vector<16x1xi32>
    %gather3A_254 = vector.shape_cast %broadcast_in_dim3A_253 : vector<16x1xi32> to vector<16xi32>
    %gather3A_255 = tpu.dynamic_gather %exp3A_249[%gather3A_254] in [0] : vector<16xf32>, vector<16xi32> -> vector<16xf32>
    %add3A_256 = arith.addf %exp3A_249, %gather3A_255 : vector<16xf32>
    %xor3A_257 = arith.constant 2 : i32
    %xor3A_258 = vector.broadcast %xor3A_257 : i32 to vector<16xi32>
    %xor3A_259 = arith.xori %iota3A, %xor3A_258 : vector<16xi32>
    %broadcast_in_dim3A_260 = vector.shape_cast %xor3A_259 : vector<16xi32> to vector<16x1xi32>
    %gather3A_261 = vector.shape_cast %broadcast_in_dim3A_260 : vector<16x1xi32> to vector<16xi32>
    %gather3A_262 = tpu.dynamic_gather %add3A_256[%gather3A_261] in [0] : vector<16xf32>, vector<16xi32> -> vector<16xf32>
    %add3A_263 = arith.addf %add3A_256, %gather3A_262 : vector<16xf32>
    %xor3A_264 = arith.constant 4 : i32
    %xor3A_265 = vector.broadcast %xor3A_264 : i32 to vector<16xi32>
    %xor3A_266 = arith.xori %iota3A, %xor3A_265 : vector<16xi32>
    %broadcast_in_dim3A_267 = vector.shape_cast %xor3A_266 : vector<16xi32> to vector<16x1xi32>
    %gather3A_268 = vector.shape_cast %broadcast_in_dim3A_267 : vector<16x1xi32> to vector<16xi32>
    %gather3A_269 = tpu.dynamic_gather %add3A_263[%gather3A_268] in [0] : vector<16xf32>, vector<16xi32> -> vector<16xf32>
    %add3A_270 = arith.addf %add3A_263, %gather3A_269 : vector<16xf32>
    %xor3A_271 = arith.constant 8 : i32
    %xor3A_272 = vector.broadcast %xor3A_271 : i32 to vector<16xi32>
    %xor3A_273 = arith.xori %iota3A, %xor3A_272 : vector<16xi32>
    %broadcast_in_dim3A_274 = vector.shape_cast %xor3A_273 : vector<16xi32> to vector<16x1xi32>
    %gather3A_275 = vector.shape_cast %broadcast_in_dim3A_274 : vector<16x1xi32> to vector<16xi32>
    %gather3A_276 = tpu.dynamic_gather %add3A_270[%gather3A_275] in [0] : vector<16xf32>, vector<16xi32> -> vector<16xf32>
    %add3A_277 = arith.addf %add3A_270, %gather3A_276 : vector<16xf32>
    %div3A_278 = arith.divf %exp3A_249, %add3A_277 : vector<16xf32>
    %swap3A_279 = arith.constant 3 : i32
    %swap3A_280 = arith.index_cast %swap3A_279 : i32 to index
    %swap3A_281 = arith.constant 0 : index
    %swap3A_282 = tpu.vector_load %arg9[%swap3A_280, %swap3A_281] {strides = array<i32>} : memref<8x16xf32, #tpu.memory_space<vmem>>, vector<16xf32>,
    tpu.vector_store %arg9[%swap3A_280, %swap3A_281], %div3A_278 {strides = array<i32>} : memref<8x16xf32, #tpu.memory_space<vmem>>, vector<16xf32>,
    %scan3A_283 = arith.constant 0 : i32
    %scan3A_284 = arith.constant 128 : i32
    %scan3A_285 = arith.addi %scan3A_283, %scan3A_284 : i32
    %scan3A_286 = arith.constant 1 : i32
    %scan3A_287:2 = scf.for %scan3A_563 = %scan3A_283 to %scan3A_285 step %scan3A_286 iter_args(%scan3A_564 = %get3A_6, %scan3A_565 = %broadcast_in_dim3A_10) -> (vector<16xf32>, vector<16xf32>)  : i32 {
      %mul3A_566 = arith.constant 16 : i32
      %mul3A_567 = arith.muli %scan3A_563, %mul3A_566 : i32
      %get3A_568 = arith.constant 4 : i32
      %get3A_569 = arith.index_cast %get3A_568 : i32 to index
      %get3A_570 = arith.index_cast %mul3A_567 : i32 to index
      %get3A_571 = tpu.vector_load %arg8[%get3A_569, %get3A_570] {strides = array<i32>} : memref<8x2048xf32, #tpu.memory_space<vmem>>, vector<16xf32>,
      %mul3A_572 = arith.constant 16 : i32
      %mul3A_573 = arith.muli %scan3A_563, %mul3A_572 : i32
      %add3A_574 = arith.constant 0 : i32
      %add3A_575 = arith.addi %mul3A_573, %add3A_574 : i32
      %get3A_576 = arith.index_cast %add3A_575 : i32 to index
      %get3A_577 = arith.constant 0 : index
      %get3A_578 = tpu.vector_load %arg6[%get3A_576, %get3A_577] {strides = array<i32>} : memref<2048x16xf32, #tpu.memory_space<vmem>>, vector<16xf32>,
      %slice3A = vector.extract_strided_slice %get3A_571 {offsets = [0], sizes = [1], strides = [1]} : vector<16xf32> to vector<1xf32>
      %squeeze3A = vector.extract %slice3A[0] : f32 from vector<1xf32>
      %mul3A_579 = vector.broadcast %squeeze3A : f32 to vector<16xf32>
      %mul3A_580 = arith.mulf %mul3A_579, %get3A_578 : vector<16xf32>
      %add3A_581 = arith.addf %scan3A_564, %mul3A_580 : vector<16xf32>
      %mul3A_582 = arith.constant 16 : i32
      %mul3A_583 = arith.muli %scan3A_563, %mul3A_582 : i32
      %add3A_584 = arith.constant 1 : i32
      %add3A_585 = arith.addi %mul3A_583, %add3A_584 : i32
      %get3A_586 = arith.index_cast %add3A_585 : i32 to index
      %get3A_587 = arith.constant 0 : index
      %get3A_588 = tpu.vector_load %arg6[%get3A_586, %get3A_587] {strides = array<i32>} : memref<2048x16xf32, #tpu.memory_space<vmem>>, vector<16xf32>,
      %slice3A_589 = vector.extract_strided_slice %get3A_571 {offsets = [1], sizes = [1], strides = [1]} : vector<16xf32> to vector<1xf32>
      %squeeze3A_590 = vector.extract %slice3A_589[0] : f32 from vector<1xf32>
      %mul3A_591 = vector.broadcast %squeeze3A_590 : f32 to vector<16xf32>
      %mul3A_592 = arith.mulf %mul3A_591, %get3A_588 : vector<16xf32>
      %add3A_593 = arith.addf %scan3A_565, %mul3A_592 : vector<16xf32>
      %mul3A_594 = arith.constant 16 : i32
      %mul3A_595 = arith.muli %scan3A_563, %mul3A_594 : i32
      %add3A_596 = arith.constant 2 : i32
      %add3A_597 = arith.addi %mul3A_595, %add3A_596 : i32
      %get3A_598 = arith.index_cast %add3A_597 : i32 to index
      %get3A_599 = arith.constant 0 : index
      %get3A_600 = tpu.vector_load %arg6[%get3A_598, %get3A_599] {strides = array<i32>} : memref<2048x16xf32, #tpu.memory_space<vmem>>, vector<16xf32>,
      %slice3A_601 = vector.extract_strided_slice %get3A_571 {offsets = [2], sizes = [1], strides = [1]} : vector<16xf32> to vector<1xf32>
      %squeeze3A_602 = vector.extract %slice3A_601[0] : f32 from vector<1xf32>
      %mul3A_603 = vector.broadcast %squeeze3A_602 : f32 to vector<16xf32>
      %mul3A_604 = arith.mulf %mul3A_603, %get3A_600 : vector<16xf32>
      %add3A_605 = arith.addf %add3A_581, %mul3A_604 : vector<16xf32>
      %mul3A_606 = arith.constant 16 : i32
      %mul3A_607 = arith.muli %scan3A_563, %mul3A_606 : i32
      %add3A_608 = arith.constant 3 : i32
      %add3A_609 = arith.addi %mul3A_607, %add3A_608 : i32
      %get3A_610 = arith.index_cast %add3A_609 : i32 to index
      %get3A_611 = arith.constant 0 : index
      %get3A_612 = tpu.vector_load %arg6[%get3A_610, %get3A_611] {strides = array<i32>} : memref<2048x16xf32, #tpu.memory_space<vmem>>, vector<16xf32>,
      %slice3A_613 = vector.extract_strided_slice %get3A_571 {offsets = [3], sizes = [1], strides = [1]} : vector<16xf32> to vector<1xf32>
      %squeeze3A_614 = vector.extract %slice3A_613[0] : f32 from vector<1xf32>
      %mul3A_615 = vector.broadcast %squeeze3A_614 : f32 to vector<16xf32>
      %mul3A_616 = arith.mulf %mul3A_615, %get3A_612 : vector<16xf32>
      %add3A_617 = arith.addf %add3A_593, %mul3A_616 : vector<16xf32>
      %mul3A_618 = arith.constant 16 : i32
      %mul3A_619 = arith.muli %scan3A_563, %mul3A_618 : i32
      %add3A_620 = arith.constant 4 : i32
      %add3A_621 = arith.addi %mul3A_619, %add3A_620 : i32
      %get3A_622 = arith.index_cast %add3A_621 : i32 to index
      %get3A_623 = arith.constant 0 : index
      %get3A_624 = tpu.vector_load %arg6[%get3A_622, %get3A_623] {strides = array<i32>} : memref<2048x16xf32, #tpu.memory_space<vmem>>, vector<16xf32>,
      %slice3A_625 = vector.extract_strided_slice %get3A_571 {offsets = [4], sizes = [1], strides = [1]} : vector<16xf32> to vector<1xf32>
      %squeeze3A_626 = vector.extract %slice3A_625[0] : f32 from vector<1xf32>
      %mul3A_627 = vector.broadcast %squeeze3A_626 : f32 to vector<16xf32>
      %mul3A_628 = arith.mulf %mul3A_627, %get3A_624 : vector<16xf32>
      %add3A_629 = arith.addf %add3A_605, %mul3A_628 : vector<16xf32>
      %mul3A_630 = arith.constant 16 : i32
      %mul3A_631 = arith.muli %scan3A_563, %mul3A_630 : i32
      %add3A_632 = arith.constant 5 : i32
      %add3A_633 = arith.addi %mul3A_631, %add3A_632 : i32
      %get3A_634 = arith.index_cast %add3A_633 : i32 to index
      %get3A_635 = arith.constant 0 : index
      %get3A_636 = tpu.vector_load %arg6[%get3A_634, %get3A_635] {strides = array<i32>} : memref<2048x16xf32, #tpu.memory_space<vmem>>, vector<16xf32>,
      %slice3A_637 = vector.extract_strided_slice %get3A_571 {offsets = [5], sizes = [1], strides = [1]} : vector<16xf32> to vector<1xf32>
      %squeeze3A_638 = vector.extract %slice3A_637[0] : f32 from vector<1xf32>
      %mul3A_639 = vector.broadcast %squeeze3A_638 : f32 to vector<16xf32>
      %mul3A_640 = arith.mulf %mul3A_639, %get3A_636 : vector<16xf32>
      %add3A_641 = arith.addf %add3A_617, %mul3A_640 : vector<16xf32>
      %mul3A_642 = arith.constant 16 : i32
      %mul3A_643 = arith.muli %scan3A_563, %mul3A_642 : i32
      %add3A_644 = arith.constant 6 : i32
      %add3A_645 = arith.addi %mul3A_643, %add3A_644 : i32
      %get3A_646 = arith.index_cast %add3A_645 : i32 to index
      %get3A_647 = arith.constant 0 : index
      %get3A_648 = tpu.vector_load %arg6[%get3A_646, %get3A_647] {strides = array<i32>} : memref<2048x16xf32, #tpu.memory_space<vmem>>, vector<16xf32>,
      %slice3A_649 = vector.extract_strided_slice %get3A_571 {offsets = [6], sizes = [1], strides = [1]} : vector<16xf32> to vector<1xf32>
      %squeeze3A_650 = vector.extract %slice3A_649[0] : f32 from vector<1xf32>
      %mul3A_651 = vector.broadcast %squeeze3A_650 : f32 to vector<16xf32>
      %mul3A_652 = arith.mulf %mul3A_651, %get3A_648 : vector<16xf32>
      %add3A_653 = arith.addf %add3A_629, %mul3A_652 : vector<16xf32>
      %mul3A_654 = arith.constant 16 : i32
      %mul3A_655 = arith.muli %scan3A_563, %mul3A_654 : i32
      %add3A_656 = arith.constant 7 : i32
      %add3A_657 = arith.addi %mul3A_655, %add3A_656 : i32
      %get3A_658 = arith.index_cast %add3A_657 : i32 to index
      %get3A_659 = arith.constant 0 : index
      %get3A_660 = tpu.vector_load %arg6[%get3A_658, %get3A_659] {strides = array<i32>} : memref<2048x16xf32, #tpu.memory_space<vmem>>, vector<16xf32>,
      %slice3A_661 = vector.extract_strided_slice %get3A_571 {offsets = [7], sizes = [1], strides = [1]} : vector<16xf32> to vector<1xf32>
      %squeeze3A_662 = vector.extract %slice3A_661[0] : f32 from vector<1xf32>
      %mul3A_663 = vector.broadcast %squeeze3A_662 : f32 to vector<16xf32>
      %mul3A_664 = arith.mulf %mul3A_663, %get3A_660 : vector<16xf32>
      %add3A_665 = arith.addf %add3A_641, %mul3A_664 : vector<16xf32>
      %mul3A_666 = arith.constant 16 : i32
      %mul3A_667 = arith.muli %scan3A_563, %mul3A_666 : i32
      %add3A_668 = arith.constant 8 : i32
      %add3A_669 = arith.addi %mul3A_667, %add3A_668 : i32
      %get3A_670 = arith.index_cast %add3A_669 : i32 to index
      %get3A_671 = arith.constant 0 : index
      %get3A_672 = tpu.vector_load %arg6[%get3A_670, %get3A_671] {strides = array<i32>} : memref<2048x16xf32, #tpu.memory_space<vmem>>, vector<16xf32>,
      %slice3A_673 = vector.extract_strided_slice %get3A_571 {offsets = [8], sizes = [1], strides = [1]} : vector<16xf32> to vector<1xf32>
      %squeeze3A_674 = vector.extract %slice3A_673[0] : f32 from vector<1xf32>
      %mul3A_675 = vector.broadcast %squeeze3A_674 : f32 to vector<16xf32>
      %mul3A_676 = arith.mulf %mul3A_675, %get3A_672 : vector<16xf32>
      %add3A_677 = arith.addf %add3A_653, %mul3A_676 : vector<16xf32>
      %mul3A_678 = arith.constant 16 : i32
      %mul3A_679 = arith.muli %scan3A_563, %mul3A_678 : i32
      %add3A_680 = arith.constant 9 : i32
      %add3A_681 = arith.addi %mul3A_679, %add3A_680 : i32
      %get3A_682 = arith.index_cast %add3A_681 : i32 to index
      %get3A_683 = arith.constant 0 : index
      %get3A_684 = tpu.vector_load %arg6[%get3A_682, %get3A_683] {strides = array<i32>} : memref<2048x16xf32, #tpu.memory_space<vmem>>, vector<16xf32>,
      %slice3A_685 = vector.extract_strided_slice %get3A_571 {offsets = [9], sizes = [1], strides = [1]} : vector<16xf32> to vector<1xf32>
      %squeeze3A_686 = vector.extract %slice3A_685[0] : f32 from vector<1xf32>
      %mul3A_687 = vector.broadcast %squeeze3A_686 : f32 to vector<16xf32>
      %mul3A_688 = arith.mulf %mul3A_687, %get3A_684 : vector<16xf32>
      %add3A_689 = arith.addf %add3A_665, %mul3A_688 : vector<16xf32>
      %mul3A_690 = arith.constant 16 : i32
      %mul3A_691 = arith.muli %scan3A_563, %mul3A_690 : i32
      %add3A_692 = arith.constant 10 : i32
      %add3A_693 = arith.addi %mul3A_691, %add3A_692 : i32
      %get3A_694 = arith.index_cast %add3A_693 : i32 to index
      %get3A_695 = arith.constant 0 : index
      %get3A_696 = tpu.vector_load %arg6[%get3A_694, %get3A_695] {strides = array<i32>} : memref<2048x16xf32, #tpu.memory_space<vmem>>, vector<16xf32>,
      %slice3A_697 = vector.extract_strided_slice %get3A_571 {offsets = [10], sizes = [1], strides = [1]} : vector<16xf32> to vector<1xf32>
      %squeeze3A_698 = vector.extract %slice3A_697[0] : f32 from vector<1xf32>
      %mul3A_699 = vector.broadcast %squeeze3A_698 : f32 to vector<16xf32>
      %mul3A_700 = arith.mulf %mul3A_699, %get3A_696 : vector<16xf32>
      %add3A_701 = arith.addf %add3A_677, %mul3A_700 : vector<16xf32>
      %mul3A_702 = arith.constant 16 : i32
      %mul3A_703 = arith.muli %scan3A_563, %mul3A_702 : i32
      %add3A_704 = arith.constant 11 : i32
      %add3A_705 = arith.addi %mul3A_703, %add3A_704 : i32
      %get3A_706 = arith.index_cast %add3A_705 : i32 to index
      %get3A_707 = arith.constant 0 : index
      %get3A_708 = tpu.vector_load %arg6[%get3A_706, %get3A_707] {strides = array<i32>} : memref<2048x16xf32, #tpu.memory_space<vmem>>, vector<16xf32>,
      %slice3A_709 = vector.extract_strided_slice %get3A_571 {offsets = [11], sizes = [1], strides = [1]} : vector<16xf32> to vector<1xf32>
      %squeeze3A_710 = vector.extract %slice3A_709[0] : f32 from vector<1xf32>
      %mul3A_711 = vector.broadcast %squeeze3A_710 : f32 to vector<16xf32>
      %mul3A_712 = arith.mulf %mul3A_711, %get3A_708 : vector<16xf32>
      %add3A_713 = arith.addf %add3A_689, %mul3A_712 : vector<16xf32>
      %mul3A_714 = arith.constant 16 : i32
      %mul3A_715 = arith.muli %scan3A_563, %mul3A_714 : i32
      %add3A_716 = arith.constant 12 : i32
      %add3A_717 = arith.addi %mul3A_715, %add3A_716 : i32
      %get3A_718 = arith.index_cast %add3A_717 : i32 to index
      %get3A_719 = arith.constant 0 : index
      %get3A_720 = tpu.vector_load %arg6[%get3A_718, %get3A_719] {strides = array<i32>} : memref<2048x16xf32, #tpu.memory_space<vmem>>, vector<16xf32>,
      %slice3A_721 = vector.extract_strided_slice %get3A_571 {offsets = [12], sizes = [1], strides = [1]} : vector<16xf32> to vector<1xf32>
      %squeeze3A_722 = vector.extract %slice3A_721[0] : f32 from vector<1xf32>
      %mul3A_723 = vector.broadcast %squeeze3A_722 : f32 to vector<16xf32>
      %mul3A_724 = arith.mulf %mul3A_723, %get3A_720 : vector<16xf32>
      %add3A_725 = arith.addf %add3A_701, %mul3A_724 : vector<16xf32>
      %mul3A_726 = arith.constant 16 : i32
      %mul3A_727 = arith.muli %scan3A_563, %mul3A_726 : i32
      %add3A_728 = arith.constant 13 : i32
      %add3A_729 = arith.addi %mul3A_727, %add3A_728 : i32
      %get3A_730 = arith.index_cast %add3A_729 : i32 to index
      %get3A_731 = arith.constant 0 : index
      %get3A_732 = tpu.vector_load %arg6[%get3A_730, %get3A_731] {strides = array<i32>} : memref<2048x16xf32, #tpu.memory_space<vmem>>, vector<16xf32>,
      %slice3A_733 = vector.extract_strided_slice %get3A_571 {offsets = [13], sizes = [1], strides = [1]} : vector<16xf32> to vector<1xf32>
      %squeeze3A_734 = vector.extract %slice3A_733[0] : f32 from vector<1xf32>
      %mul3A_735 = vector.broadcast %squeeze3A_734 : f32 to vector<16xf32>
      %mul3A_736 = arith.mulf %mul3A_735, %get3A_732 : vector<16xf32>
      %add3A_737 = arith.addf %add3A_713, %mul3A_736 : vector<16xf32>
      %mul3A_738 = arith.constant 16 : i32
      %mul3A_739 = arith.muli %scan3A_563, %mul3A_738 : i32
      %add3A_740 = arith.constant 14 : i32
      %add3A_741 = arith.addi %mul3A_739, %add3A_740 : i32
      %get3A_742 = arith.index_cast %add3A_741 : i32 to index
      %get3A_743 = arith.constant 0 : index
      %get3A_744 = tpu.vector_load %arg6[%get3A_742, %get3A_743] {strides = array<i32>} : memref<2048x16xf32, #tpu.memory_space<vmem>>, vector<16xf32>,
      %slice3A_745 = vector.extract_strided_slice %get3A_571 {offsets = [14], sizes = [1], strides = [1]} : vector<16xf32> to vector<1xf32>
      %squeeze3A_746 = vector.extract %slice3A_745[0] : f32 from vector<1xf32>
      %mul3A_747 = vector.broadcast %squeeze3A_746 : f32 to vector<16xf32>
      %mul3A_748 = arith.mulf %mul3A_747, %get3A_744 : vector<16xf32>
      %add3A_749 = arith.addf %add3A_725, %mul3A_748 : vector<16xf32>
      %mul3A_750 = arith.constant 16 : i32
      %mul3A_751 = arith.muli %scan3A_563, %mul3A_750 : i32
      %add3A_752 = arith.constant 15 : i32
      %add3A_753 = arith.addi %mul3A_751, %add3A_752 : i32
      %get3A_754 = arith.index_cast %add3A_753 : i32 to index
      %get3A_755 = arith.constant 0 : index
      %get3A_756 = tpu.vector_load %arg6[%get3A_754, %get3A_755] {strides = array<i32>} : memref<2048x16xf32, #tpu.memory_space<vmem>>, vector<16xf32>,
      %slice3A_757 = vector.extract_strided_slice %get3A_571 {offsets = [15], sizes = [1], strides = [1]} : vector<16xf32> to vector<1xf32>
      %squeeze3A_758 = vector.extract %slice3A_757[0] : f32 from vector<1xf32>
      %mul3A_759 = vector.broadcast %squeeze3A_758 : f32 to vector<16xf32>
      %mul3A_760 = arith.mulf %mul3A_759, %get3A_756 : vector<16xf32>
      %add3A_761 = arith.addf %add3A_737, %mul3A_760 : vector<16xf32>
      scf.yield %add3A_749, %add3A_761 : vector<16xf32>, vector<16xf32>
    }
    %scan3A_288 = arith.constant 128 : i32
    %add3A_289 = arith.addf %scan3A_287#0, %scan3A_287#1 : vector<16xf32>
    %xor3A_290 = arith.constant 1 : i32
    %xor3A_291 = vector.broadcast %xor3A_290 : i32 to vector<16xi32>
    %xor3A_292 = arith.xori %iota3A, %xor3A_291 : vector<16xi32>
    %broadcast_in_dim3A_293 = vector.shape_cast %xor3A_292 : vector<16xi32> to vector<16x1xi32>
    %gather3A_294 = vector.shape_cast %broadcast_in_dim3A_293 : vector<16x1xi32> to vector<16xi32>
    %gather3A_295 = tpu.dynamic_gather %add3A_289[%gather3A_294] in [0] : vector<16xf32>, vector<16xi32> -> vector<16xf32>
    %max3A_296 = arith.maximumf %add3A_289, %gather3A_295 : vector<16xf32>
    %xor3A_297 = arith.constant 2 : i32
    %xor3A_298 = vector.broadcast %xor3A_297 : i32 to vector<16xi32>
    %xor3A_299 = arith.xori %iota3A, %xor3A_298 : vector<16xi32>
    %broadcast_in_dim3A_300 = vector.shape_cast %xor3A_299 : vector<16xi32> to vector<16x1xi32>
    %gather3A_301 = vector.shape_cast %broadcast_in_dim3A_300 : vector<16x1xi32> to vector<16xi32>
    %gather3A_302 = tpu.dynamic_gather %max3A_296[%gather3A_301] in [0] : vector<16xf32>, vector<16xi32> -> vector<16xf32>
    %max3A_303 = arith.maximumf %max3A_296, %gather3A_302 : vector<16xf32>
    %xor3A_304 = arith.constant 4 : i32
    %xor3A_305 = vector.broadcast %xor3A_304 : i32 to vector<16xi32>
    %xor3A_306 = arith.xori %iota3A, %xor3A_305 : vector<16xi32>
    %broadcast_in_dim3A_307 = vector.shape_cast %xor3A_306 : vector<16xi32> to vector<16x1xi32>
    %gather3A_308 = vector.shape_cast %broadcast_in_dim3A_307 : vector<16x1xi32> to vector<16xi32>
    %gather3A_309 = tpu.dynamic_gather %max3A_303[%gather3A_308] in [0] : vector<16xf32>, vector<16xi32> -> vector<16xf32>
    %max3A_310 = arith.maximumf %max3A_303, %gather3A_309 : vector<16xf32>
    %xor3A_311 = arith.constant 8 : i32
    %xor3A_312 = vector.broadcast %xor3A_311 : i32 to vector<16xi32>
    %xor3A_313 = arith.xori %iota3A, %xor3A_312 : vector<16xi32>
    %broadcast_in_dim3A_314 = vector.shape_cast %xor3A_313 : vector<16xi32> to vector<16x1xi32>
    %gather3A_315 = vector.shape_cast %broadcast_in_dim3A_314 : vector<16x1xi32> to vector<16xi32>
    %gather3A_316 = tpu.dynamic_gather %max3A_310[%gather3A_315] in [0] : vector<16xf32>, vector<16xi32> -> vector<16xf32>
    %max3A_317 = arith.maximumf %max3A_310, %gather3A_316 : vector<16xf32>
    %sub3A_318 = arith.subf %add3A_289, %max3A_317 : vector<16xf32>
    %exp3A_319 = math.exp %sub3A_318 : vector<16xf32>
    %xor3A_320 = arith.constant 1 : i32
    %xor3A_321 = vector.broadcast %xor3A_320 : i32 to vector<16xi32>
    %xor3A_322 = arith.xori %iota3A, %xor3A_321 : vector<16xi32>
    %broadcast_in_dim3A_323 = vector.shape_cast %xor3A_322 : vector<16xi32> to vector<16x1xi32>
    %gather3A_324 = vector.shape_cast %broadcast_in_dim3A_323 : vector<16x1xi32> to vector<16xi32>
    %gather3A_325 = tpu.dynamic_gather %exp3A_319[%gather3A_324] in [0] : vector<16xf32>, vector<16xi32> -> vector<16xf32>
    %add3A_326 = arith.addf %exp3A_319, %gather3A_325 : vector<16xf32>
    %xor3A_327 = arith.constant 2 : i32
    %xor3A_328 = vector.broadcast %xor3A_327 : i32 to vector<16xi32>
    %xor3A_329 = arith.xori %iota3A, %xor3A_328 : vector<16xi32>
    %broadcast_in_dim3A_330 = vector.shape_cast %xor3A_329 : vector<16xi32> to vector<16x1xi32>
    %gather3A_331 = vector.shape_cast %broadcast_in_dim3A_330 : vector<16x1xi32> to vector<16xi32>
    %gather3A_332 = tpu.dynamic_gather %add3A_326[%gather3A_331] in [0] : vector<16xf32>, vector<16xi32> -> vector<16xf32>
    %add3A_333 = arith.addf %add3A_326, %gather3A_332 : vector<16xf32>
    %xor3A_334 = arith.constant 4 : i32
    %xor3A_335 = vector.broadcast %xor3A_334 : i32 to vector<16xi32>
    %xor3A_336 = arith.xori %iota3A, %xor3A_335 : vector<16xi32>
    %broadcast_in_dim3A_337 = vector.shape_cast %xor3A_336 : vector<16xi32> to vector<16x1xi32>
    %gather3A_338 = vector.shape_cast %broadcast_in_dim3A_337 : vector<16x1xi32> to vector<16xi32>
    %gather3A_339 = tpu.dynamic_gather %add3A_333[%gather3A_338] in [0] : vector<16xf32>, vector<16xi32> -> vector<16xf32>
    %add3A_340 = arith.addf %add3A_333, %gather3A_339 : vector<16xf32>
    %xor3A_341 = arith.constant 8 : i32
    %xor3A_342 = vector.broadcast %xor3A_341 : i32 to vector<16xi32>
    %xor3A_343 = arith.xori %iota3A, %xor3A_342 : vector<16xi32>
    %broadcast_in_dim3A_344 = vector.shape_cast %xor3A_343 : vector<16xi32> to vector<16x1xi32>
    %gather3A_345 = vector.shape_cast %broadcast_in_dim3A_344 : vector<16x1xi32> to vector<16xi32>
    %gather3A_346 = tpu.dynamic_gather %add3A_340[%gather3A_345] in [0] : vector<16xf32>, vector<16xi32> -> vector<16xf32>
    %add3A_347 = arith.addf %add3A_340, %gather3A_346 : vector<16xf32>
    %div3A_348 = arith.divf %exp3A_319, %add3A_347 : vector<16xf32>
    %swap3A_349 = arith.constant 4 : i32
    %swap3A_350 = arith.index_cast %swap3A_349 : i32 to index
    %swap3A_351 = arith.constant 0 : index
    %swap3A_352 = tpu.vector_load %arg9[%swap3A_350, %swap3A_351] {strides = array<i32>} : memref<8x16xf32, #tpu.memory_space<vmem>>, vector<16xf32>,
    tpu.vector_store %arg9[%swap3A_350, %swap3A_351], %div3A_348 {strides = array<i32>} : memref<8x16xf32, #tpu.memory_space<vmem>>, vector<16xf32>,
    %scan3A_353 = arith.constant 0 : i32
    %scan3A_354 = arith.constant 128 : i32
    %scan3A_355 = arith.addi %scan3A_353, %scan3A_354 : i32
    %scan3A_356 = arith.constant 1 : i32
    %scan3A_357:2 = scf.for %scan3A_563 = %scan3A_353 to %scan3A_355 step %scan3A_356 iter_args(%scan3A_564 = %get3A_6, %scan3A_565 = %broadcast_in_dim3A_10) -> (vector<16xf32>, vector<16xf32>)  : i32 {
      %mul3A_566 = arith.constant 16 : i32
      %mul3A_567 = arith.muli %scan3A_563, %mul3A_566 : i32
      %get3A_568 = arith.constant 5 : i32
      %get3A_569 = arith.index_cast %get3A_568 : i32 to index
      %get3A_570 = arith.index_cast %mul3A_567 : i32 to index
      %get3A_571 = tpu.vector_load %arg8[%get3A_569, %get3A_570] {strides = array<i32>} : memref<8x2048xf32, #tpu.memory_space<vmem>>, vector<16xf32>,
      %mul3A_572 = arith.constant 16 : i32
      %mul3A_573 = arith.muli %scan3A_563, %mul3A_572 : i32
      %add3A_574 = arith.constant 0 : i32
      %add3A_575 = arith.addi %mul3A_573, %add3A_574 : i32
      %get3A_576 = arith.index_cast %add3A_575 : i32 to index
      %get3A_577 = arith.constant 0 : index
      %get3A_578 = tpu.vector_load %arg6[%get3A_576, %get3A_577] {strides = array<i32>} : memref<2048x16xf32, #tpu.memory_space<vmem>>, vector<16xf32>,
      %slice3A = vector.extract_strided_slice %get3A_571 {offsets = [0], sizes = [1], strides = [1]} : vector<16xf32> to vector<1xf32>
      %squeeze3A = vector.extract %slice3A[0] : f32 from vector<1xf32>
      %mul3A_579 = vector.broadcast %squeeze3A : f32 to vector<16xf32>
      %mul3A_580 = arith.mulf %mul3A_579, %get3A_578 : vector<16xf32>
      %add3A_581 = arith.addf %scan3A_564, %mul3A_580 : vector<16xf32>
      %mul3A_582 = arith.constant 16 : i32
      %mul3A_583 = arith.muli %scan3A_563, %mul3A_582 : i32
      %add3A_584 = arith.constant 1 : i32
      %add3A_585 = arith.addi %mul3A_583, %add3A_584 : i32
      %get3A_586 = arith.index_cast %add3A_585 : i32 to index
      %get3A_587 = arith.constant 0 : index
      %get3A_588 = tpu.vector_load %arg6[%get3A_586, %get3A_587] {strides = array<i32>} : memref<2048x16xf32, #tpu.memory_space<vmem>>, vector<16xf32>,
      %slice3A_589 = vector.extract_strided_slice %get3A_571 {offsets = [1], sizes = [1], strides = [1]} : vector<16xf32> to vector<1xf32>
      %squeeze3A_590 = vector.extract %slice3A_589[0] : f32 from vector<1xf32>
      %mul3A_591 = vector.broadcast %squeeze3A_590 : f32 to vector<16xf32>
      %mul3A_592 = arith.mulf %mul3A_591, %get3A_588 : vector<16xf32>
      %add3A_593 = arith.addf %scan3A_565, %mul3A_592 : vector<16xf32>
      %mul3A_594 = arith.constant 16 : i32
      %mul3A_595 = arith.muli %scan3A_563, %mul3A_594 : i32
      %add3A_596 = arith.constant 2 : i32
      %add3A_597 = arith.addi %mul3A_595, %add3A_596 : i32
      %get3A_598 = arith.index_cast %add3A_597 : i32 to index
      %get3A_599 = arith.constant 0 : index
      %get3A_600 = tpu.vector_load %arg6[%get3A_598, %get3A_599] {strides = array<i32>} : memref<2048x16xf32, #tpu.memory_space<vmem>>, vector<16xf32>,
      %slice3A_601 = vector.extract_strided_slice %get3A_571 {offsets = [2], sizes = [1], strides = [1]} : vector<16xf32> to vector<1xf32>
      %squeeze3A_602 = vector.extract %slice3A_601[0] : f32 from vector<1xf32>
      %mul3A_603 = vector.broadcast %squeeze3A_602 : f32 to vector<16xf32>
      %mul3A_604 = arith.mulf %mul3A_603, %get3A_600 : vector<16xf32>
      %add3A_605 = arith.addf %add3A_581, %mul3A_604 : vector<16xf32>
      %mul3A_606 = arith.constant 16 : i32
      %mul3A_607 = arith.muli %scan3A_563, %mul3A_606 : i32
      %add3A_608 = arith.constant 3 : i32
      %add3A_609 = arith.addi %mul3A_607, %add3A_608 : i32
      %get3A_610 = arith.index_cast %add3A_609 : i32 to index
      %get3A_611 = arith.constant 0 : index
      %get3A_612 = tpu.vector_load %arg6[%get3A_610, %get3A_611] {strides = array<i32>} : memref<2048x16xf32, #tpu.memory_space<vmem>>, vector<16xf32>,
      %slice3A_613 = vector.extract_strided_slice %get3A_571 {offsets = [3], sizes = [1], strides = [1]} : vector<16xf32> to vector<1xf32>
      %squeeze3A_614 = vector.extract %slice3A_613[0] : f32 from vector<1xf32>
      %mul3A_615 = vector.broadcast %squeeze3A_614 : f32 to vector<16xf32>
      %mul3A_616 = arith.mulf %mul3A_615, %get3A_612 : vector<16xf32>
      %add3A_617 = arith.addf %add3A_593, %mul3A_616 : vector<16xf32>
      %mul3A_618 = arith.constant 16 : i32
      %mul3A_619 = arith.muli %scan3A_563, %mul3A_618 : i32
      %add3A_620 = arith.constant 4 : i32
      %add3A_621 = arith.addi %mul3A_619, %add3A_620 : i32
      %get3A_622 = arith.index_cast %add3A_621 : i32 to index
      %get3A_623 = arith.constant 0 : index
      %get3A_624 = tpu.vector_load %arg6[%get3A_622, %get3A_623] {strides = array<i32>} : memref<2048x16xf32, #tpu.memory_space<vmem>>, vector<16xf32>,
      %slice3A_625 = vector.extract_strided_slice %get3A_571 {offsets = [4], sizes = [1], strides = [1]} : vector<16xf32> to vector<1xf32>
      %squeeze3A_626 = vector.extract %slice3A_625[0] : f32 from vector<1xf32>
      %mul3A_627 = vector.broadcast %squeeze3A_626 : f32 to vector<16xf32>
      %mul3A_628 = arith.mulf %mul3A_627, %get3A_624 : vector<16xf32>
      %add3A_629 = arith.addf %add3A_605, %mul3A_628 : vector<16xf32>
      %mul3A_630 = arith.constant 16 : i32
      %mul3A_631 = arith.muli %scan3A_563, %mul3A_630 : i32
      %add3A_632 = arith.constant 5 : i32
      %add3A_633 = arith.addi %mul3A_631, %add3A_632 : i32
      %get3A_634 = arith.index_cast %add3A_633 : i32 to index
      %get3A_635 = arith.constant 0 : index
      %get3A_636 = tpu.vector_load %arg6[%get3A_634, %get3A_635] {strides = array<i32>} : memref<2048x16xf32, #tpu.memory_space<vmem>>, vector<16xf32>,
      %slice3A_637 = vector.extract_strided_slice %get3A_571 {offsets = [5], sizes = [1], strides = [1]} : vector<16xf32> to vector<1xf32>
      %squeeze3A_638 = vector.extract %slice3A_637[0] : f32 from vector<1xf32>
      %mul3A_639 = vector.broadcast %squeeze3A_638 : f32 to vector<16xf32>
      %mul3A_640 = arith.mulf %mul3A_639, %get3A_636 : vector<16xf32>
      %add3A_641 = arith.addf %add3A_617, %mul3A_640 : vector<16xf32>
      %mul3A_642 = arith.constant 16 : i32
      %mul3A_643 = arith.muli %scan3A_563, %mul3A_642 : i32
      %add3A_644 = arith.constant 6 : i32
      %add3A_645 = arith.addi %mul3A_643, %add3A_644 : i32
      %get3A_646 = arith.index_cast %add3A_645 : i32 to index
      %get3A_647 = arith.constant 0 : index
      %get3A_648 = tpu.vector_load %arg6[%get3A_646, %get3A_647] {strides = array<i32>} : memref<2048x16xf32, #tpu.memory_space<vmem>>, vector<16xf32>,
      %slice3A_649 = vector.extract_strided_slice %get3A_571 {offsets = [6], sizes = [1], strides = [1]} : vector<16xf32> to vector<1xf32>
      %squeeze3A_650 = vector.extract %slice3A_649[0] : f32 from vector<1xf32>
      %mul3A_651 = vector.broadcast %squeeze3A_650 : f32 to vector<16xf32>
      %mul3A_652 = arith.mulf %mul3A_651, %get3A_648 : vector<16xf32>
      %add3A_653 = arith.addf %add3A_629, %mul3A_652 : vector<16xf32>
      %mul3A_654 = arith.constant 16 : i32
      %mul3A_655 = arith.muli %scan3A_563, %mul3A_654 : i32
      %add3A_656 = arith.constant 7 : i32
      %add3A_657 = arith.addi %mul3A_655, %add3A_656 : i32
      %get3A_658 = arith.index_cast %add3A_657 : i32 to index
      %get3A_659 = arith.constant 0 : index
      %get3A_660 = tpu.vector_load %arg6[%get3A_658, %get3A_659] {strides = array<i32>} : memref<2048x16xf32, #tpu.memory_space<vmem>>, vector<16xf32>,
      %slice3A_661 = vector.extract_strided_slice %get3A_571 {offsets = [7], sizes = [1], strides = [1]} : vector<16xf32> to vector<1xf32>
      %squeeze3A_662 = vector.extract %slice3A_661[0] : f32 from vector<1xf32>
      %mul3A_663 = vector.broadcast %squeeze3A_662 : f32 to vector<16xf32>
      %mul3A_664 = arith.mulf %mul3A_663, %get3A_660 : vector<16xf32>
      %add3A_665 = arith.addf %add3A_641, %mul3A_664 : vector<16xf32>
      %mul3A_666 = arith.constant 16 : i32
      %mul3A_667 = arith.muli %scan3A_563, %mul3A_666 : i32
      %add3A_668 = arith.constant 8 : i32
      %add3A_669 = arith.addi %mul3A_667, %add3A_668 : i32
      %get3A_670 = arith.index_cast %add3A_669 : i32 to index
      %get3A_671 = arith.constant 0 : index
      %get3A_672 = tpu.vector_load %arg6[%get3A_670, %get3A_671] {strides = array<i32>} : memref<2048x16xf32, #tpu.memory_space<vmem>>, vector<16xf32>,
      %slice3A_673 = vector.extract_strided_slice %get3A_571 {offsets = [8], sizes = [1], strides = [1]} : vector<16xf32> to vector<1xf32>
      %squeeze3A_674 = vector.extract %slice3A_673[0] : f32 from vector<1xf32>
      %mul3A_675 = vector.broadcast %squeeze3A_674 : f32 to vector<16xf32>
      %mul3A_676 = arith.mulf %mul3A_675, %get3A_672 : vector<16xf32>
      %add3A_677 = arith.addf %add3A_653, %mul3A_676 : vector<16xf32>
      %mul3A_678 = arith.constant 16 : i32
      %mul3A_679 = arith.muli %scan3A_563, %mul3A_678 : i32
      %add3A_680 = arith.constant 9 : i32
      %add3A_681 = arith.addi %mul3A_679, %add3A_680 : i32
      %get3A_682 = arith.index_cast %add3A_681 : i32 to index
      %get3A_683 = arith.constant 0 : index
      %get3A_684 = tpu.vector_load %arg6[%get3A_682, %get3A_683] {strides = array<i32>} : memref<2048x16xf32, #tpu.memory_space<vmem>>, vector<16xf32>,
      %slice3A_685 = vector.extract_strided_slice %get3A_571 {offsets = [9], sizes = [1], strides = [1]} : vector<16xf32> to vector<1xf32>
      %squeeze3A_686 = vector.extract %slice3A_685[0] : f32 from vector<1xf32>
      %mul3A_687 = vector.broadcast %squeeze3A_686 : f32 to vector<16xf32>
      %mul3A_688 = arith.mulf %mul3A_687, %get3A_684 : vector<16xf32>
      %add3A_689 = arith.addf %add3A_665, %mul3A_688 : vector<16xf32>
      %mul3A_690 = arith.constant 16 : i32
      %mul3A_691 = arith.muli %scan3A_563, %mul3A_690 : i32
      %add3A_692 = arith.constant 10 : i32
      %add3A_693 = arith.addi %mul3A_691, %add3A_692 : i32
      %get3A_694 = arith.index_cast %add3A_693 : i32 to index
      %get3A_695 = arith.constant 0 : index
      %get3A_696 = tpu.vector_load %arg6[%get3A_694, %get3A_695] {strides = array<i32>} : memref<2048x16xf32, #tpu.memory_space<vmem>>, vector<16xf32>,
      %slice3A_697 = vector.extract_strided_slice %get3A_571 {offsets = [10], sizes = [1], strides = [1]} : vector<16xf32> to vector<1xf32>
      %squeeze3A_698 = vector.extract %slice3A_697[0] : f32 from vector<1xf32>
      %mul3A_699 = vector.broadcast %squeeze3A_698 : f32 to vector<16xf32>
      %mul3A_700 = arith.mulf %mul3A_699, %get3A_696 : vector<16xf32>
      %add3A_701 = arith.addf %add3A_677, %mul3A_700 : vector<16xf32>
      %mul3A_702 = arith.constant 16 : i32
      %mul3A_703 = arith.muli %scan3A_563, %mul3A_702 : i32
      %add3A_704 = arith.constant 11 : i32
      %add3A_705 = arith.addi %mul3A_703, %add3A_704 : i32
      %get3A_706 = arith.index_cast %add3A_705 : i32 to index
      %get3A_707 = arith.constant 0 : index
      %get3A_708 = tpu.vector_load %arg6[%get3A_706, %get3A_707] {strides = array<i32>} : memref<2048x16xf32, #tpu.memory_space<vmem>>, vector<16xf32>,
      %slice3A_709 = vector.extract_strided_slice %get3A_571 {offsets = [11], sizes = [1], strides = [1]} : vector<16xf32> to vector<1xf32>
      %squeeze3A_710 = vector.extract %slice3A_709[0] : f32 from vector<1xf32>
      %mul3A_711 = vector.broadcast %squeeze3A_710 : f32 to vector<16xf32>
      %mul3A_712 = arith.mulf %mul3A_711, %get3A_708 : vector<16xf32>
      %add3A_713 = arith.addf %add3A_689, %mul3A_712 : vector<16xf32>
      %mul3A_714 = arith.constant 16 : i32
      %mul3A_715 = arith.muli %scan3A_563, %mul3A_714 : i32
      %add3A_716 = arith.constant 12 : i32
      %add3A_717 = arith.addi %mul3A_715, %add3A_716 : i32
      %get3A_718 = arith.index_cast %add3A_717 : i32 to index
      %get3A_719 = arith.constant 0 : index
      %get3A_720 = tpu.vector_load %arg6[%get3A_718, %get3A_719] {strides = array<i32>} : memref<2048x16xf32, #tpu.memory_space<vmem>>, vector<16xf32>,
      %slice3A_721 = vector.extract_strided_slice %get3A_571 {offsets = [12], sizes = [1], strides = [1]} : vector<16xf32> to vector<1xf32>
      %squeeze3A_722 = vector.extract %slice3A_721[0] : f32 from vector<1xf32>
      %mul3A_723 = vector.broadcast %squeeze3A_722 : f32 to vector<16xf32>
      %mul3A_724 = arith.mulf %mul3A_723, %get3A_720 : vector<16xf32>
      %add3A_725 = arith.addf %add3A_701, %mul3A_724 : vector<16xf32>
      %mul3A_726 = arith.constant 16 : i32
      %mul3A_727 = arith.muli %scan3A_563, %mul3A_726 : i32
      %add3A_728 = arith.constant 13 : i32
      %add3A_729 = arith.addi %mul3A_727, %add3A_728 : i32
      %get3A_730 = arith.index_cast %add3A_729 : i32 to index
      %get3A_731 = arith.constant 0 : index
      %get3A_732 = tpu.vector_load %arg6[%get3A_730, %get3A_731] {strides = array<i32>} : memref<2048x16xf32, #tpu.memory_space<vmem>>, vector<16xf32>,
      %slice3A_733 = vector.extract_strided_slice %get3A_571 {offsets = [13], sizes = [1], strides = [1]} : vector<16xf32> to vector<1xf32>
      %squeeze3A_734 = vector.extract %slice3A_733[0] : f32 from vector<1xf32>
      %mul3A_735 = vector.broadcast %squeeze3A_734 : f32 to vector<16xf32>
      %mul3A_736 = arith.mulf %mul3A_735, %get3A_732 : vector<16xf32>
      %add3A_737 = arith.addf %add3A_713, %mul3A_736 : vector<16xf32>
      %mul3A_738 = arith.constant 16 : i32
      %mul3A_739 = arith.muli %scan3A_563, %mul3A_738 : i32
      %add3A_740 = arith.constant 14 : i32
      %add3A_741 = arith.addi %mul3A_739, %add3A_740 : i32
      %get3A_742 = arith.index_cast %add3A_741 : i32 to index
      %get3A_743 = arith.constant 0 : index
      %get3A_744 = tpu.vector_load %arg6[%get3A_742, %get3A_743] {strides = array<i32>} : memref<2048x16xf32, #tpu.memory_space<vmem>>, vector<16xf32>,
      %slice3A_745 = vector.extract_strided_slice %get3A_571 {offsets = [14], sizes = [1], strides = [1]} : vector<16xf32> to vector<1xf32>
      %squeeze3A_746 = vector.extract %slice3A_745[0] : f32 from vector<1xf32>
      %mul3A_747 = vector.broadcast %squeeze3A_746 : f32 to vector<16xf32>
      %mul3A_748 = arith.mulf %mul3A_747, %get3A_744 : vector<16xf32>
      %add3A_749 = arith.addf %add3A_725, %mul3A_748 : vector<16xf32>
      %mul3A_750 = arith.constant 16 : i32
      %mul3A_751 = arith.muli %scan3A_563, %mul3A_750 : i32
      %add3A_752 = arith.constant 15 : i32
      %add3A_753 = arith.addi %mul3A_751, %add3A_752 : i32
      %get3A_754 = arith.index_cast %add3A_753 : i32 to index
      %get3A_755 = arith.constant 0 : index
      %get3A_756 = tpu.vector_load %arg6[%get3A_754, %get3A_755] {strides = array<i32>} : memref<2048x16xf32, #tpu.memory_space<vmem>>, vector<16xf32>,
      %slice3A_757 = vector.extract_strided_slice %get3A_571 {offsets = [15], sizes = [1], strides = [1]} : vector<16xf32> to vector<1xf32>
      %squeeze3A_758 = vector.extract %slice3A_757[0] : f32 from vector<1xf32>
      %mul3A_759 = vector.broadcast %squeeze3A_758 : f32 to vector<16xf32>
      %mul3A_760 = arith.mulf %mul3A_759, %get3A_756 : vector<16xf32>
      %add3A_761 = arith.addf %add3A_737, %mul3A_760 : vector<16xf32>
      scf.yield %add3A_749, %add3A_761 : vector<16xf32>, vector<16xf32>
    }
    %scan3A_358 = arith.constant 128 : i32
    %add3A_359 = arith.addf %scan3A_357#0, %scan3A_357#1 : vector<16xf32>
    %xor3A_360 = arith.constant 1 : i32
    %xor3A_361 = vector.broadcast %xor3A_360 : i32 to vector<16xi32>
    %xor3A_362 = arith.xori %iota3A, %xor3A_361 : vector<16xi32>
    %broadcast_in_dim3A_363 = vector.shape_cast %xor3A_362 : vector<16xi32> to vector<16x1xi32>
    %gather3A_364 = vector.shape_cast %broadcast_in_dim3A_363 : vector<16x1xi32> to vector<16xi32>
    %gather3A_365 = tpu.dynamic_gather %add3A_359[%gather3A_364] in [0] : vector<16xf32>, vector<16xi32> -> vector<16xf32>
    %max3A_366 = arith.maximumf %add3A_359, %gather3A_365 : vector<16xf32>
    %xor3A_367 = arith.constant 2 : i32
    %xor3A_368 = vector.broadcast %xor3A_367 : i32 to vector<16xi32>
    %xor3A_369 = arith.xori %iota3A, %xor3A_368 : vector<16xi32>
    %broadcast_in_dim3A_370 = vector.shape_cast %xor3A_369 : vector<16xi32> to vector<16x1xi32>
    %gather3A_371 = vector.shape_cast %broadcast_in_dim3A_370 : vector<16x1xi32> to vector<16xi32>
    %gather3A_372 = tpu.dynamic_gather %max3A_366[%gather3A_371] in [0] : vector<16xf32>, vector<16xi32> -> vector<16xf32>
    %max3A_373 = arith.maximumf %max3A_366, %gather3A_372 : vector<16xf32>
    %xor3A_374 = arith.constant 4 : i32
    %xor3A_375 = vector.broadcast %xor3A_374 : i32 to vector<16xi32>
    %xor3A_376 = arith.xori %iota3A, %xor3A_375 : vector<16xi32>
    %broadcast_in_dim3A_377 = vector.shape_cast %xor3A_376 : vector<16xi32> to vector<16x1xi32>
    %gather3A_378 = vector.shape_cast %broadcast_in_dim3A_377 : vector<16x1xi32> to vector<16xi32>
    %gather3A_379 = tpu.dynamic_gather %max3A_373[%gather3A_378] in [0] : vector<16xf32>, vector<16xi32> -> vector<16xf32>
    %max3A_380 = arith.maximumf %max3A_373, %gather3A_379 : vector<16xf32>
    %xor3A_381 = arith.constant 8 : i32
    %xor3A_382 = vector.broadcast %xor3A_381 : i32 to vector<16xi32>
    %xor3A_383 = arith.xori %iota3A, %xor3A_382 : vector<16xi32>
    %broadcast_in_dim3A_384 = vector.shape_cast %xor3A_383 : vector<16xi32> to vector<16x1xi32>
    %gather3A_385 = vector.shape_cast %broadcast_in_dim3A_384 : vector<16x1xi32> to vector<16xi32>
    %gather3A_386 = tpu.dynamic_gather %max3A_380[%gather3A_385] in [0] : vector<16xf32>, vector<16xi32> -> vector<16xf32>
    %max3A_387 = arith.maximumf %max3A_380, %gather3A_386 : vector<16xf32>
    %sub3A_388 = arith.subf %add3A_359, %max3A_387 : vector<16xf32>
    %exp3A_389 = math.exp %sub3A_388 : vector<16xf32>
    %xor3A_390 = arith.constant 1 : i32
    %xor3A_391 = vector.broadcast %xor3A_390 : i32 to vector<16xi32>
    %xor3A_392 = arith.xori %iota3A, %xor3A_391 : vector<16xi32>
    %broadcast_in_dim3A_393 = vector.shape_cast %xor3A_392 : vector<16xi32> to vector<16x1xi32>
    %gather3A_394 = vector.shape_cast %broadcast_in_dim3A_393 : vector<16x1xi32> to vector<16xi32>
    %gather3A_395 = tpu.dynamic_gather %exp3A_389[%gather3A_394] in [0] : vector<16xf32>, vector<16xi32> -> vector<16xf32>
    %add3A_396 = arith.addf %exp3A_389, %gather3A_395 : vector<16xf32>
    %xor3A_397 = arith.constant 2 : i32
    %xor3A_398 = vector.broadcast %xor3A_397 : i32 to vector<16xi32>
    %xor3A_399 = arith.xori %iota3A, %xor3A_398 : vector<16xi32>
    %broadcast_in_dim3A_400 = vector.shape_cast %xor3A_399 : vector<16xi32> to vector<16x1xi32>
    %gather3A_401 = vector.shape_cast %broadcast_in_dim3A_400 : vector<16x1xi32> to vector<16xi32>
    %gather3A_402 = tpu.dynamic_gather %add3A_396[%gather3A_401] in [0] : vector<16xf32>, vector<16xi32> -> vector<16xf32>
    %add3A_403 = arith.addf %add3A_396, %gather3A_402 : vector<16xf32>
    %xor3A_404 = arith.constant 4 : i32
    %xor3A_405 = vector.broadcast %xor3A_404 : i32 to vector<16xi32>
    %xor3A_406 = arith.xori %iota3A, %xor3A_405 : vector<16xi32>
    %broadcast_in_dim3A_407 = vector.shape_cast %xor3A_406 : vector<16xi32> to vector<16x1xi32>
    %gather3A_408 = vector.shape_cast %broadcast_in_dim3A_407 : vector<16x1xi32> to vector<16xi32>
    %gather3A_409 = tpu.dynamic_gather %add3A_403[%gather3A_408] in [0] : vector<16xf32>, vector<16xi32> -> vector<16xf32>
    %add3A_410 = arith.addf %add3A_403, %gather3A_409 : vector<16xf32>
    %xor3A_411 = arith.constant 8 : i32
    %xor3A_412 = vector.broadcast %xor3A_411 : i32 to vector<16xi32>
    %xor3A_413 = arith.xori %iota3A, %xor3A_412 : vector<16xi32>
    %broadcast_in_dim3A_414 = vector.shape_cast %xor3A_413 : vector<16xi32> to vector<16x1xi32>
    %gather3A_415 = vector.shape_cast %broadcast_in_dim3A_414 : vector<16x1xi32> to vector<16xi32>
    %gather3A_416 = tpu.dynamic_gather %add3A_410[%gather3A_415] in [0] : vector<16xf32>, vector<16xi32> -> vector<16xf32>
    %add3A_417 = arith.addf %add3A_410, %gather3A_416 : vector<16xf32>
    %div3A_418 = arith.divf %exp3A_389, %add3A_417 : vector<16xf32>
    %swap3A_419 = arith.constant 5 : i32
    %swap3A_420 = arith.index_cast %swap3A_419 : i32 to index
    %swap3A_421 = arith.constant 0 : index
    %swap3A_422 = tpu.vector_load %arg9[%swap3A_420, %swap3A_421] {strides = array<i32>} : memref<8x16xf32, #tpu.memory_space<vmem>>, vector<16xf32>,
    tpu.vector_store %arg9[%swap3A_420, %swap3A_421], %div3A_418 {strides = array<i32>} : memref<8x16xf32, #tpu.memory_space<vmem>>, vector<16xf32>,
    %scan3A_423 = arith.constant 0 : i32
    %scan3A_424 = arith.constant 128 : i32
    %scan3A_425 = arith.addi %scan3A_423, %scan3A_424 : i32
    %scan3A_426 = arith.constant 1 : i32
    %scan3A_427:2 = scf.for %scan3A_563 = %scan3A_423 to %scan3A_425 step %scan3A_426 iter_args(%scan3A_564 = %get3A_6, %scan3A_565 = %broadcast_in_dim3A_10) -> (vector<16xf32>, vector<16xf32>)  : i32 {
      %mul3A_566 = arith.constant 16 : i32
      %mul3A_567 = arith.muli %scan3A_563, %mul3A_566 : i32
      %get3A_568 = arith.constant 6 : i32
      %get3A_569 = arith.index_cast %get3A_568 : i32 to index
      %get3A_570 = arith.index_cast %mul3A_567 : i32 to index
      %get3A_571 = tpu.vector_load %arg8[%get3A_569, %get3A_570] {strides = array<i32>} : memref<8x2048xf32, #tpu.memory_space<vmem>>, vector<16xf32>,
      %mul3A_572 = arith.constant 16 : i32
      %mul3A_573 = arith.muli %scan3A_563, %mul3A_572 : i32
      %add3A_574 = arith.constant 0 : i32
      %add3A_575 = arith.addi %mul3A_573, %add3A_574 : i32
      %get3A_576 = arith.index_cast %add3A_575 : i32 to index
      %get3A_577 = arith.constant 0 : index
      %get3A_578 = tpu.vector_load %arg6[%get3A_576, %get3A_577] {strides = array<i32>} : memref<2048x16xf32, #tpu.memory_space<vmem>>, vector<16xf32>,
      %slice3A = vector.extract_strided_slice %get3A_571 {offsets = [0], sizes = [1], strides = [1]} : vector<16xf32> to vector<1xf32>
      %squeeze3A = vector.extract %slice3A[0] : f32 from vector<1xf32>
      %mul3A_579 = vector.broadcast %squeeze3A : f32 to vector<16xf32>
      %mul3A_580 = arith.mulf %mul3A_579, %get3A_578 : vector<16xf32>
      %add3A_581 = arith.addf %scan3A_564, %mul3A_580 : vector<16xf32>
      %mul3A_582 = arith.constant 16 : i32
      %mul3A_583 = arith.muli %scan3A_563, %mul3A_582 : i32
      %add3A_584 = arith.constant 1 : i32
      %add3A_585 = arith.addi %mul3A_583, %add3A_584 : i32
      %get3A_586 = arith.index_cast %add3A_585 : i32 to index
      %get3A_587 = arith.constant 0 : index
      %get3A_588 = tpu.vector_load %arg6[%get3A_586, %get3A_587] {strides = array<i32>} : memref<2048x16xf32, #tpu.memory_space<vmem>>, vector<16xf32>,
      %slice3A_589 = vector.extract_strided_slice %get3A_571 {offsets = [1], sizes = [1], strides = [1]} : vector<16xf32> to vector<1xf32>
      %squeeze3A_590 = vector.extract %slice3A_589[0] : f32 from vector<1xf32>
      %mul3A_591 = vector.broadcast %squeeze3A_590 : f32 to vector<16xf32>
      %mul3A_592 = arith.mulf %mul3A_591, %get3A_588 : vector<16xf32>
      %add3A_593 = arith.addf %scan3A_565, %mul3A_592 : vector<16xf32>
      %mul3A_594 = arith.constant 16 : i32
      %mul3A_595 = arith.muli %scan3A_563, %mul3A_594 : i32
      %add3A_596 = arith.constant 2 : i32
      %add3A_597 = arith.addi %mul3A_595, %add3A_596 : i32
      %get3A_598 = arith.index_cast %add3A_597 : i32 to index
      %get3A_599 = arith.constant 0 : index
      %get3A_600 = tpu.vector_load %arg6[%get3A_598, %get3A_599] {strides = array<i32>} : memref<2048x16xf32, #tpu.memory_space<vmem>>, vector<16xf32>,
      %slice3A_601 = vector.extract_strided_slice %get3A_571 {offsets = [2], sizes = [1], strides = [1]} : vector<16xf32> to vector<1xf32>
      %squeeze3A_602 = vector.extract %slice3A_601[0] : f32 from vector<1xf32>
      %mul3A_603 = vector.broadcast %squeeze3A_602 : f32 to vector<16xf32>
      %mul3A_604 = arith.mulf %mul3A_603, %get3A_600 : vector<16xf32>
      %add3A_605 = arith.addf %add3A_581, %mul3A_604 : vector<16xf32>
      %mul3A_606 = arith.constant 16 : i32
      %mul3A_607 = arith.muli %scan3A_563, %mul3A_606 : i32
      %add3A_608 = arith.constant 3 : i32
      %add3A_609 = arith.addi %mul3A_607, %add3A_608 : i32
      %get3A_610 = arith.index_cast %add3A_609 : i32 to index
      %get3A_611 = arith.constant 0 : index
      %get3A_612 = tpu.vector_load %arg6[%get3A_610, %get3A_611] {strides = array<i32>} : memref<2048x16xf32, #tpu.memory_space<vmem>>, vector<16xf32>,
      %slice3A_613 = vector.extract_strided_slice %get3A_571 {offsets = [3], sizes = [1], strides = [1]} : vector<16xf32> to vector<1xf32>
      %squeeze3A_614 = vector.extract %slice3A_613[0] : f32 from vector<1xf32>
      %mul3A_615 = vector.broadcast %squeeze3A_614 : f32 to vector<16xf32>
      %mul3A_616 = arith.mulf %mul3A_615, %get3A_612 : vector<16xf32>
      %add3A_617 = arith.addf %add3A_593, %mul3A_616 : vector<16xf32>
      %mul3A_618 = arith.constant 16 : i32
      %mul3A_619 = arith.muli %scan3A_563, %mul3A_618 : i32
      %add3A_620 = arith.constant 4 : i32
      %add3A_621 = arith.addi %mul3A_619, %add3A_620 : i32
      %get3A_622 = arith.index_cast %add3A_621 : i32 to index
      %get3A_623 = arith.constant 0 : index
      %get3A_624 = tpu.vector_load %arg6[%get3A_622, %get3A_623] {strides = array<i32>} : memref<2048x16xf32, #tpu.memory_space<vmem>>, vector<16xf32>,
      %slice3A_625 = vector.extract_strided_slice %get3A_571 {offsets = [4], sizes = [1], strides = [1]} : vector<16xf32> to vector<1xf32>
      %squeeze3A_626 = vector.extract %slice3A_625[0] : f32 from vector<1xf32>
      %mul3A_627 = vector.broadcast %squeeze3A_626 : f32 to vector<16xf32>
      %mul3A_628 = arith.mulf %mul3A_627, %get3A_624 : vector<16xf32>
      %add3A_629 = arith.addf %add3A_605, %mul3A_628 : vector<16xf32>
      %mul3A_630 = arith.constant 16 : i32
      %mul3A_631 = arith.muli %scan3A_563, %mul3A_630 : i32
      %add3A_632 = arith.constant 5 : i32
      %add3A_633 = arith.addi %mul3A_631, %add3A_632 : i32
      %get3A_634 = arith.index_cast %add3A_633 : i32 to index
      %get3A_635 = arith.constant 0 : index
      %get3A_636 = tpu.vector_load %arg6[%get3A_634, %get3A_635] {strides = array<i32>} : memref<2048x16xf32, #tpu.memory_space<vmem>>, vector<16xf32>,
      %slice3A_637 = vector.extract_strided_slice %get3A_571 {offsets = [5], sizes = [1], strides = [1]} : vector<16xf32> to vector<1xf32>
      %squeeze3A_638 = vector.extract %slice3A_637[0] : f32 from vector<1xf32>
      %mul3A_639 = vector.broadcast %squeeze3A_638 : f32 to vector<16xf32>
      %mul3A_640 = arith.mulf %mul3A_639, %get3A_636 : vector<16xf32>
      %add3A_641 = arith.addf %add3A_617, %mul3A_640 : vector<16xf32>
      %mul3A_642 = arith.constant 16 : i32
      %mul3A_643 = arith.muli %scan3A_563, %mul3A_642 : i32
      %add3A_644 = arith.constant 6 : i32
      %add3A_645 = arith.addi %mul3A_643, %add3A_644 : i32
      %get3A_646 = arith.index_cast %add3A_645 : i32 to index
      %get3A_647 = arith.constant 0 : index
      %get3A_648 = tpu.vector_load %arg6[%get3A_646, %get3A_647] {strides = array<i32>} : memref<2048x16xf32, #tpu.memory_space<vmem>>, vector<16xf32>,
      %slice3A_649 = vector.extract_strided_slice %get3A_571 {offsets = [6], sizes = [1], strides = [1]} : vector<16xf32> to vector<1xf32>
      %squeeze3A_650 = vector.extract %slice3A_649[0] : f32 from vector<1xf32>
      %mul3A_651 = vector.broadcast %squeeze3A_650 : f32 to vector<16xf32>
      %mul3A_652 = arith.mulf %mul3A_651, %get3A_648 : vector<16xf32>
      %add3A_653 = arith.addf %add3A_629, %mul3A_652 : vector<16xf32>
      %mul3A_654 = arith.constant 16 : i32
      %mul3A_655 = arith.muli %scan3A_563, %mul3A_654 : i32
      %add3A_656 = arith.constant 7 : i32
      %add3A_657 = arith.addi %mul3A_655, %add3A_656 : i32
      %get3A_658 = arith.index_cast %add3A_657 : i32 to index
      %get3A_659 = arith.constant 0 : index
      %get3A_660 = tpu.vector_load %arg6[%get3A_658, %get3A_659] {strides = array<i32>} : memref<2048x16xf32, #tpu.memory_space<vmem>>, vector<16xf32>,
      %slice3A_661 = vector.extract_strided_slice %get3A_571 {offsets = [7], sizes = [1], strides = [1]} : vector<16xf32> to vector<1xf32>
      %squeeze3A_662 = vector.extract %slice3A_661[0] : f32 from vector<1xf32>
      %mul3A_663 = vector.broadcast %squeeze3A_662 : f32 to vector<16xf32>
      %mul3A_664 = arith.mulf %mul3A_663, %get3A_660 : vector<16xf32>
      %add3A_665 = arith.addf %add3A_641, %mul3A_664 : vector<16xf32>
      %mul3A_666 = arith.constant 16 : i32
      %mul3A_667 = arith.muli %scan3A_563, %mul3A_666 : i32
      %add3A_668 = arith.constant 8 : i32
      %add3A_669 = arith.addi %mul3A_667, %add3A_668 : i32
      %get3A_670 = arith.index_cast %add3A_669 : i32 to index
      %get3A_671 = arith.constant 0 : index
      %get3A_672 = tpu.vector_load %arg6[%get3A_670, %get3A_671] {strides = array<i32>} : memref<2048x16xf32, #tpu.memory_space<vmem>>, vector<16xf32>,
      %slice3A_673 = vector.extract_strided_slice %get3A_571 {offsets = [8], sizes = [1], strides = [1]} : vector<16xf32> to vector<1xf32>
      %squeeze3A_674 = vector.extract %slice3A_673[0] : f32 from vector<1xf32>
      %mul3A_675 = vector.broadcast %squeeze3A_674 : f32 to vector<16xf32>
      %mul3A_676 = arith.mulf %mul3A_675, %get3A_672 : vector<16xf32>
      %add3A_677 = arith.addf %add3A_653, %mul3A_676 : vector<16xf32>
      %mul3A_678 = arith.constant 16 : i32
      %mul3A_679 = arith.muli %scan3A_563, %mul3A_678 : i32
      %add3A_680 = arith.constant 9 : i32
      %add3A_681 = arith.addi %mul3A_679, %add3A_680 : i32
      %get3A_682 = arith.index_cast %add3A_681 : i32 to index
      %get3A_683 = arith.constant 0 : index
      %get3A_684 = tpu.vector_load %arg6[%get3A_682, %get3A_683] {strides = array<i32>} : memref<2048x16xf32, #tpu.memory_space<vmem>>, vector<16xf32>,
      %slice3A_685 = vector.extract_strided_slice %get3A_571 {offsets = [9], sizes = [1], strides = [1]} : vector<16xf32> to vector<1xf32>
      %squeeze3A_686 = vector.extract %slice3A_685[0] : f32 from vector<1xf32>
      %mul3A_687 = vector.broadcast %squeeze3A_686 : f32 to vector<16xf32>
      %mul3A_688 = arith.mulf %mul3A_687, %get3A_684 : vector<16xf32>
      %add3A_689 = arith.addf %add3A_665, %mul3A_688 : vector<16xf32>
      %mul3A_690 = arith.constant 16 : i32
      %mul3A_691 = arith.muli %scan3A_563, %mul3A_690 : i32
      %add3A_692 = arith.constant 10 : i32
      %add3A_693 = arith.addi %mul3A_691, %add3A_692 : i32
      %get3A_694 = arith.index_cast %add3A_693 : i32 to index
      %get3A_695 = arith.constant 0 : index
      %get3A_696 = tpu.vector_load %arg6[%get3A_694, %get3A_695] {strides = array<i32>} : memref<2048x16xf32, #tpu.memory_space<vmem>>, vector<16xf32>,
      %slice3A_697 = vector.extract_strided_slice %get3A_571 {offsets = [10], sizes = [1], strides = [1]} : vector<16xf32> to vector<1xf32>
      %squeeze3A_698 = vector.extract %slice3A_697[0] : f32 from vector<1xf32>
      %mul3A_699 = vector.broadcast %squeeze3A_698 : f32 to vector<16xf32>
      %mul3A_700 = arith.mulf %mul3A_699, %get3A_696 : vector<16xf32>
      %add3A_701 = arith.addf %add3A_677, %mul3A_700 : vector<16xf32>
      %mul3A_702 = arith.constant 16 : i32
      %mul3A_703 = arith.muli %scan3A_563, %mul3A_702 : i32
      %add3A_704 = arith.constant 11 : i32
      %add3A_705 = arith.addi %mul3A_703, %add3A_704 : i32
      %get3A_706 = arith.index_cast %add3A_705 : i32 to index
      %get3A_707 = arith.constant 0 : index
      %get3A_708 = tpu.vector_load %arg6[%get3A_706, %get3A_707] {strides = array<i32>} : memref<2048x16xf32, #tpu.memory_space<vmem>>, vector<16xf32>,
      %slice3A_709 = vector.extract_strided_slice %get3A_571 {offsets = [11], sizes = [1], strides = [1]} : vector<16xf32> to vector<1xf32>
      %squeeze3A_710 = vector.extract %slice3A_709[0] : f32 from vector<1xf32>
      %mul3A_711 = vector.broadcast %squeeze3A_710 : f32 to vector<16xf32>
      %mul3A_712 = arith.mulf %mul3A_711, %get3A_708 : vector<16xf32>
      %add3A_713 = arith.addf %add3A_689, %mul3A_712 : vector<16xf32>
      %mul3A_714 = arith.constant 16 : i32
      %mul3A_715 = arith.muli %scan3A_563, %mul3A_714 : i32
      %add3A_716 = arith.constant 12 : i32
      %add3A_717 = arith.addi %mul3A_715, %add3A_716 : i32
      %get3A_718 = arith.index_cast %add3A_717 : i32 to index
      %get3A_719 = arith.constant 0 : index
      %get3A_720 = tpu.vector_load %arg6[%get3A_718, %get3A_719] {strides = array<i32>} : memref<2048x16xf32, #tpu.memory_space<vmem>>, vector<16xf32>,
      %slice3A_721 = vector.extract_strided_slice %get3A_571 {offsets = [12], sizes = [1], strides = [1]} : vector<16xf32> to vector<1xf32>
      %squeeze3A_722 = vector.extract %slice3A_721[0] : f32 from vector<1xf32>
      %mul3A_723 = vector.broadcast %squeeze3A_722 : f32 to vector<16xf32>
      %mul3A_724 = arith.mulf %mul3A_723, %get3A_720 : vector<16xf32>
      %add3A_725 = arith.addf %add3A_701, %mul3A_724 : vector<16xf32>
      %mul3A_726 = arith.constant 16 : i32
      %mul3A_727 = arith.muli %scan3A_563, %mul3A_726 : i32
      %add3A_728 = arith.constant 13 : i32
      %add3A_729 = arith.addi %mul3A_727, %add3A_728 : i32
      %get3A_730 = arith.index_cast %add3A_729 : i32 to index
      %get3A_731 = arith.constant 0 : index
      %get3A_732 = tpu.vector_load %arg6[%get3A_730, %get3A_731] {strides = array<i32>} : memref<2048x16xf32, #tpu.memory_space<vmem>>, vector<16xf32>,
      %slice3A_733 = vector.extract_strided_slice %get3A_571 {offsets = [13], sizes = [1], strides = [1]} : vector<16xf32> to vector<1xf32>
      %squeeze3A_734 = vector.extract %slice3A_733[0] : f32 from vector<1xf32>
      %mul3A_735 = vector.broadcast %squeeze3A_734 : f32 to vector<16xf32>
      %mul3A_736 = arith.mulf %mul3A_735, %get3A_732 : vector<16xf32>
      %add3A_737 = arith.addf %add3A_713, %mul3A_736 : vector<16xf32>
      %mul3A_738 = arith.constant 16 : i32
      %mul3A_739 = arith.muli %scan3A_563, %mul3A_738 : i32
      %add3A_740 = arith.constant 14 : i32
      %add3A_741 = arith.addi %mul3A_739, %add3A_740 : i32
      %get3A_742 = arith.index_cast %add3A_741 : i32 to index
      %get3A_743 = arith.constant 0 : index
      %get3A_744 = tpu.vector_load %arg6[%get3A_742, %get3A_743] {strides = array<i32>} : memref<2048x16xf32, #tpu.memory_space<vmem>>, vector<16xf32>,
      %slice3A_745 = vector.extract_strided_slice %get3A_571 {offsets = [14], sizes = [1], strides = [1]} : vector<16xf32> to vector<1xf32>
      %squeeze3A_746 = vector.extract %slice3A_745[0] : f32 from vector<1xf32>
      %mul3A_747 = vector.broadcast %squeeze3A_746 : f32 to vector<16xf32>
      %mul3A_748 = arith.mulf %mul3A_747, %get3A_744 : vector<16xf32>
      %add3A_749 = arith.addf %add3A_725, %mul3A_748 : vector<16xf32>
      %mul3A_750 = arith.constant 16 : i32
      %mul3A_751 = arith.muli %scan3A_563, %mul3A_750 : i32
      %add3A_752 = arith.constant 15 : i32
      %add3A_753 = arith.addi %mul3A_751, %add3A_752 : i32
      %get3A_754 = arith.index_cast %add3A_753 : i32 to index
      %get3A_755 = arith.constant 0 : index
      %get3A_756 = tpu.vector_load %arg6[%get3A_754, %get3A_755] {strides = array<i32>} : memref<2048x16xf32, #tpu.memory_space<vmem>>, vector<16xf32>,
      %slice3A_757 = vector.extract_strided_slice %get3A_571 {offsets = [15], sizes = [1], strides = [1]} : vector<16xf32> to vector<1xf32>
      %squeeze3A_758 = vector.extract %slice3A_757[0] : f32 from vector<1xf32>
      %mul3A_759 = vector.broadcast %squeeze3A_758 : f32 to vector<16xf32>
      %mul3A_760 = arith.mulf %mul3A_759, %get3A_756 : vector<16xf32>
      %add3A_761 = arith.addf %add3A_737, %mul3A_760 : vector<16xf32>
      scf.yield %add3A_749, %add3A_761 : vector<16xf32>, vector<16xf32>
    }
    %scan3A_428 = arith.constant 128 : i32
    %add3A_429 = arith.addf %scan3A_427#0, %scan3A_427#1 : vector<16xf32>
    %xor3A_430 = arith.constant 1 : i32
    %xor3A_431 = vector.broadcast %xor3A_430 : i32 to vector<16xi32>
    %xor3A_432 = arith.xori %iota3A, %xor3A_431 : vector<16xi32>
    %broadcast_in_dim3A_433 = vector.shape_cast %xor3A_432 : vector<16xi32> to vector<16x1xi32>
    %gather3A_434 = vector.shape_cast %broadcast_in_dim3A_433 : vector<16x1xi32> to vector<16xi32>
    %gather3A_435 = tpu.dynamic_gather %add3A_429[%gather3A_434] in [0] : vector<16xf32>, vector<16xi32> -> vector<16xf32>
    %max3A_436 = arith.maximumf %add3A_429, %gather3A_435 : vector<16xf32>
    %xor3A_437 = arith.constant 2 : i32
    %xor3A_438 = vector.broadcast %xor3A_437 : i32 to vector<16xi32>
    %xor3A_439 = arith.xori %iota3A, %xor3A_438 : vector<16xi32>
    %broadcast_in_dim3A_440 = vector.shape_cast %xor3A_439 : vector<16xi32> to vector<16x1xi32>
    %gather3A_441 = vector.shape_cast %broadcast_in_dim3A_440 : vector<16x1xi32> to vector<16xi32>
    %gather3A_442 = tpu.dynamic_gather %max3A_436[%gather3A_441] in [0] : vector<16xf32>, vector<16xi32> -> vector<16xf32>
    %max3A_443 = arith.maximumf %max3A_436, %gather3A_442 : vector<16xf32>
    %xor3A_444 = arith.constant 4 : i32
    %xor3A_445 = vector.broadcast %xor3A_444 : i32 to vector<16xi32>
    %xor3A_446 = arith.xori %iota3A, %xor3A_445 : vector<16xi32>
    %broadcast_in_dim3A_447 = vector.shape_cast %xor3A_446 : vector<16xi32> to vector<16x1xi32>
    %gather3A_448 = vector.shape_cast %broadcast_in_dim3A_447 : vector<16x1xi32> to vector<16xi32>
    %gather3A_449 = tpu.dynamic_gather %max3A_443[%gather3A_448] in [0] : vector<16xf32>, vector<16xi32> -> vector<16xf32>
    %max3A_450 = arith.maximumf %max3A_443, %gather3A_449 : vector<16xf32>
    %xor3A_451 = arith.constant 8 : i32
    %xor3A_452 = vector.broadcast %xor3A_451 : i32 to vector<16xi32>
    %xor3A_453 = arith.xori %iota3A, %xor3A_452 : vector<16xi32>
    %broadcast_in_dim3A_454 = vector.shape_cast %xor3A_453 : vector<16xi32> to vector<16x1xi32>
    %gather3A_455 = vector.shape_cast %broadcast_in_dim3A_454 : vector<16x1xi32> to vector<16xi32>
    %gather3A_456 = tpu.dynamic_gather %max3A_450[%gather3A_455] in [0] : vector<16xf32>, vector<16xi32> -> vector<16xf32>
    %max3A_457 = arith.maximumf %max3A_450, %gather3A_456 : vector<16xf32>
    %sub3A_458 = arith.subf %add3A_429, %max3A_457 : vector<16xf32>
    %exp3A_459 = math.exp %sub3A_458 : vector<16xf32>
    %xor3A_460 = arith.constant 1 : i32
    %xor3A_461 = vector.broadcast %xor3A_460 : i32 to vector<16xi32>
    %xor3A_462 = arith.xori %iota3A, %xor3A_461 : vector<16xi32>
    %broadcast_in_dim3A_463 = vector.shape_cast %xor3A_462 : vector<16xi32> to vector<16x1xi32>
    %gather3A_464 = vector.shape_cast %broadcast_in_dim3A_463 : vector<16x1xi32> to vector<16xi32>
    %gather3A_465 = tpu.dynamic_gather %exp3A_459[%gather3A_464] in [0] : vector<16xf32>, vector<16xi32> -> vector<16xf32>
    %add3A_466 = arith.addf %exp3A_459, %gather3A_465 : vector<16xf32>
    %xor3A_467 = arith.constant 2 : i32
    %xor3A_468 = vector.broadcast %xor3A_467 : i32 to vector<16xi32>
    %xor3A_469 = arith.xori %iota3A, %xor3A_468 : vector<16xi32>
    %broadcast_in_dim3A_470 = vector.shape_cast %xor3A_469 : vector<16xi32> to vector<16x1xi32>
    %gather3A_471 = vector.shape_cast %broadcast_in_dim3A_470 : vector<16x1xi32> to vector<16xi32>
    %gather3A_472 = tpu.dynamic_gather %add3A_466[%gather3A_471] in [0] : vector<16xf32>, vector<16xi32> -> vector<16xf32>
    %add3A_473 = arith.addf %add3A_466, %gather3A_472 : vector<16xf32>
    %xor3A_474 = arith.constant 4 : i32
    %xor3A_475 = vector.broadcast %xor3A_474 : i32 to vector<16xi32>
    %xor3A_476 = arith.xori %iota3A, %xor3A_475 : vector<16xi32>
    %broadcast_in_dim3A_477 = vector.shape_cast %xor3A_476 : vector<16xi32> to vector<16x1xi32>
    %gather3A_478 = vector.shape_cast %broadcast_in_dim3A_477 : vector<16x1xi32> to vector<16xi32>
    %gather3A_479 = tpu.dynamic_gather %add3A_473[%gather3A_478] in [0] : vector<16xf32>, vector<16xi32> -> vector<16xf32>
    %add3A_480 = arith.addf %add3A_473, %gather3A_479 : vector<16xf32>
    %xor3A_481 = arith.constant 8 : i32
    %xor3A_482 = vector.broadcast %xor3A_481 : i32 to vector<16xi32>
    %xor3A_483 = arith.xori %iota3A, %xor3A_482 : vector<16xi32>
    %broadcast_in_dim3A_484 = vector.shape_cast %xor3A_483 : vector<16xi32> to vector<16x1xi32>
    %gather3A_485 = vector.shape_cast %broadcast_in_dim3A_484 : vector<16x1xi32> to vector<16xi32>
    %gather3A_486 = tpu.dynamic_gather %add3A_480[%gather3A_485] in [0] : vector<16xf32>, vector<16xi32> -> vector<16xf32>
    %add3A_487 = arith.addf %add3A_480, %gather3A_486 : vector<16xf32>
    %div3A_488 = arith.divf %exp3A_459, %add3A_487 : vector<16xf32>
    %swap3A_489 = arith.constant 6 : i32
    %swap3A_490 = arith.index_cast %swap3A_489 : i32 to index
    %swap3A_491 = arith.constant 0 : index
    %swap3A_492 = tpu.vector_load %arg9[%swap3A_490, %swap3A_491] {strides = array<i32>} : memref<8x16xf32, #tpu.memory_space<vmem>>, vector<16xf32>,
    tpu.vector_store %arg9[%swap3A_490, %swap3A_491], %div3A_488 {strides = array<i32>} : memref<8x16xf32, #tpu.memory_space<vmem>>, vector<16xf32>,
    %scan3A_493 = arith.constant 0 : i32
    %scan3A_494 = arith.constant 128 : i32
    %scan3A_495 = arith.addi %scan3A_493, %scan3A_494 : i32
    %scan3A_496 = arith.constant 1 : i32
    %scan3A_497:2 = scf.for %scan3A_563 = %scan3A_493 to %scan3A_495 step %scan3A_496 iter_args(%scan3A_564 = %get3A_6, %scan3A_565 = %broadcast_in_dim3A_10) -> (vector<16xf32>, vector<16xf32>)  : i32 {
      %mul3A_566 = arith.constant 16 : i32
      %mul3A_567 = arith.muli %scan3A_563, %mul3A_566 : i32
      %get3A_568 = arith.constant 7 : i32
      %get3A_569 = arith.index_cast %get3A_568 : i32 to index
      %get3A_570 = arith.index_cast %mul3A_567 : i32 to index
      %get3A_571 = tpu.vector_load %arg8[%get3A_569, %get3A_570] {strides = array<i32>} : memref<8x2048xf32, #tpu.memory_space<vmem>>, vector<16xf32>,
      %mul3A_572 = arith.constant 16 : i32
      %mul3A_573 = arith.muli %scan3A_563, %mul3A_572 : i32
      %add3A_574 = arith.constant 0 : i32
      %add3A_575 = arith.addi %mul3A_573, %add3A_574 : i32
      %get3A_576 = arith.index_cast %add3A_575 : i32 to index
      %get3A_577 = arith.constant 0 : index
      %get3A_578 = tpu.vector_load %arg6[%get3A_576, %get3A_577] {strides = array<i32>} : memref<2048x16xf32, #tpu.memory_space<vmem>>, vector<16xf32>,
      %slice3A = vector.extract_strided_slice %get3A_571 {offsets = [0], sizes = [1], strides = [1]} : vector<16xf32> to vector<1xf32>
      %squeeze3A = vector.extract %slice3A[0] : f32 from vector<1xf32>
      %mul3A_579 = vector.broadcast %squeeze3A : f32 to vector<16xf32>
      %mul3A_580 = arith.mulf %mul3A_579, %get3A_578 : vector<16xf32>
      %add3A_581 = arith.addf %scan3A_564, %mul3A_580 : vector<16xf32>
      %mul3A_582 = arith.constant 16 : i32
      %mul3A_583 = arith.muli %scan3A_563, %mul3A_582 : i32
      %add3A_584 = arith.constant 1 : i32
      %add3A_585 = arith.addi %mul3A_583, %add3A_584 : i32
      %get3A_586 = arith.index_cast %add3A_585 : i32 to index
      %get3A_587 = arith.constant 0 : index
      %get3A_588 = tpu.vector_load %arg6[%get3A_586, %get3A_587] {strides = array<i32>} : memref<2048x16xf32, #tpu.memory_space<vmem>>, vector<16xf32>,
      %slice3A_589 = vector.extract_strided_slice %get3A_571 {offsets = [1], sizes = [1], strides = [1]} : vector<16xf32> to vector<1xf32>
      %squeeze3A_590 = vector.extract %slice3A_589[0] : f32 from vector<1xf32>
      %mul3A_591 = vector.broadcast %squeeze3A_590 : f32 to vector<16xf32>
      %mul3A_592 = arith.mulf %mul3A_591, %get3A_588 : vector<16xf32>
      %add3A_593 = arith.addf %scan3A_565, %mul3A_592 : vector<16xf32>
      %mul3A_594 = arith.constant 16 : i32
      %mul3A_595 = arith.muli %scan3A_563, %mul3A_594 : i32
      %add3A_596 = arith.constant 2 : i32
      %add3A_597 = arith.addi %mul3A_595, %add3A_596 : i32
      %get3A_598 = arith.index_cast %add3A_597 : i32 to index
      %get3A_599 = arith.constant 0 : index
      %get3A_600 = tpu.vector_load %arg6[%get3A_598, %get3A_599] {strides = array<i32>} : memref<2048x16xf32, #tpu.memory_space<vmem>>, vector<16xf32>,
      %slice3A_601 = vector.extract_strided_slice %get3A_571 {offsets = [2], sizes = [1], strides = [1]} : vector<16xf32> to vector<1xf32>
      %squeeze3A_602 = vector.extract %slice3A_601[0] : f32 from vector<1xf32>
      %mul3A_603 = vector.broadcast %squeeze3A_602 : f32 to vector<16xf32>
      %mul3A_604 = arith.mulf %mul3A_603, %get3A_600 : vector<16xf32>
      %add3A_605 = arith.addf %add3A_581, %mul3A_604 : vector<16xf32>
      %mul3A_606 = arith.constant 16 : i32
      %mul3A_607 = arith.muli %scan3A_563, %mul3A_606 : i32
      %add3A_608 = arith.constant 3 : i32
      %add3A_609 = arith.addi %mul3A_607, %add3A_608 : i32
      %get3A_610 = arith.index_cast %add3A_609 : i32 to index
      %get3A_611 = arith.constant 0 : index
      %get3A_612 = tpu.vector_load %arg6[%get3A_610, %get3A_611] {strides = array<i32>} : memref<2048x16xf32, #tpu.memory_space<vmem>>, vector<16xf32>,
      %slice3A_613 = vector.extract_strided_slice %get3A_571 {offsets = [3], sizes = [1], strides = [1]} : vector<16xf32> to vector<1xf32>
      %squeeze3A_614 = vector.extract %slice3A_613[0] : f32 from vector<1xf32>
      %mul3A_615 = vector.broadcast %squeeze3A_614 : f32 to vector<16xf32>
      %mul3A_616 = arith.mulf %mul3A_615, %get3A_612 : vector<16xf32>
      %add3A_617 = arith.addf %add3A_593, %mul3A_616 : vector<16xf32>
      %mul3A_618 = arith.constant 16 : i32
      %mul3A_619 = arith.muli %scan3A_563, %mul3A_618 : i32
      %add3A_620 = arith.constant 4 : i32
      %add3A_621 = arith.addi %mul3A_619, %add3A_620 : i32
      %get3A_622 = arith.index_cast %add3A_621 : i32 to index
      %get3A_623 = arith.constant 0 : index
      %get3A_624 = tpu.vector_load %arg6[%get3A_622, %get3A_623] {strides = array<i32>} : memref<2048x16xf32, #tpu.memory_space<vmem>>, vector<16xf32>,
      %slice3A_625 = vector.extract_strided_slice %get3A_571 {offsets = [4], sizes = [1], strides = [1]} : vector<16xf32> to vector<1xf32>
      %squeeze3A_626 = vector.extract %slice3A_625[0] : f32 from vector<1xf32>
      %mul3A_627 = vector.broadcast %squeeze3A_626 : f32 to vector<16xf32>
      %mul3A_628 = arith.mulf %mul3A_627, %get3A_624 : vector<16xf32>
      %add3A_629 = arith.addf %add3A_605, %mul3A_628 : vector<16xf32>
      %mul3A_630 = arith.constant 16 : i32
      %mul3A_631 = arith.muli %scan3A_563, %mul3A_630 : i32
      %add3A_632 = arith.constant 5 : i32
      %add3A_633 = arith.addi %mul3A_631, %add3A_632 : i32
      %get3A_634 = arith.index_cast %add3A_633 : i32 to index
      %get3A_635 = arith.constant 0 : index
      %get3A_636 = tpu.vector_load %arg6[%get3A_634, %get3A_635] {strides = array<i32>} : memref<2048x16xf32, #tpu.memory_space<vmem>>, vector<16xf32>,
      %slice3A_637 = vector.extract_strided_slice %get3A_571 {offsets = [5], sizes = [1], strides = [1]} : vector<16xf32> to vector<1xf32>
      %squeeze3A_638 = vector.extract %slice3A_637[0] : f32 from vector<1xf32>
      %mul3A_639 = vector.broadcast %squeeze3A_638 : f32 to vector<16xf32>
      %mul3A_640 = arith.mulf %mul3A_639, %get3A_636 : vector<16xf32>
      %add3A_641 = arith.addf %add3A_617, %mul3A_640 : vector<16xf32>
      %mul3A_642 = arith.constant 16 : i32
      %mul3A_643 = arith.muli %scan3A_563, %mul3A_642 : i32
      %add3A_644 = arith.constant 6 : i32
      %add3A_645 = arith.addi %mul3A_643, %add3A_644 : i32
      %get3A_646 = arith.index_cast %add3A_645 : i32 to index
      %get3A_647 = arith.constant 0 : index
      %get3A_648 = tpu.vector_load %arg6[%get3A_646, %get3A_647] {strides = array<i32>} : memref<2048x16xf32, #tpu.memory_space<vmem>>, vector<16xf32>,
      %slice3A_649 = vector.extract_strided_slice %get3A_571 {offsets = [6], sizes = [1], strides = [1]} : vector<16xf32> to vector<1xf32>
      %squeeze3A_650 = vector.extract %slice3A_649[0] : f32 from vector<1xf32>
      %mul3A_651 = vector.broadcast %squeeze3A_650 : f32 to vector<16xf32>
      %mul3A_652 = arith.mulf %mul3A_651, %get3A_648 : vector<16xf32>
      %add3A_653 = arith.addf %add3A_629, %mul3A_652 : vector<16xf32>
      %mul3A_654 = arith.constant 16 : i32
      %mul3A_655 = arith.muli %scan3A_563, %mul3A_654 : i32
      %add3A_656 = arith.constant 7 : i32
      %add3A_657 = arith.addi %mul3A_655, %add3A_656 : i32
      %get3A_658 = arith.index_cast %add3A_657 : i32 to index
      %get3A_659 = arith.constant 0 : index
      %get3A_660 = tpu.vector_load %arg6[%get3A_658, %get3A_659] {strides = array<i32>} : memref<2048x16xf32, #tpu.memory_space<vmem>>, vector<16xf32>,
      %slice3A_661 = vector.extract_strided_slice %get3A_571 {offsets = [7], sizes = [1], strides = [1]} : vector<16xf32> to vector<1xf32>
      %squeeze3A_662 = vector.extract %slice3A_661[0] : f32 from vector<1xf32>
      %mul3A_663 = vector.broadcast %squeeze3A_662 : f32 to vector<16xf32>
      %mul3A_664 = arith.mulf %mul3A_663, %get3A_660 : vector<16xf32>
      %add3A_665 = arith.addf %add3A_641, %mul3A_664 : vector<16xf32>
      %mul3A_666 = arith.constant 16 : i32
      %mul3A_667 = arith.muli %scan3A_563, %mul3A_666 : i32
      %add3A_668 = arith.constant 8 : i32
      %add3A_669 = arith.addi %mul3A_667, %add3A_668 : i32
      %get3A_670 = arith.index_cast %add3A_669 : i32 to index
      %get3A_671 = arith.constant 0 : index
      %get3A_672 = tpu.vector_load %arg6[%get3A_670, %get3A_671] {strides = array<i32>} : memref<2048x16xf32, #tpu.memory_space<vmem>>, vector<16xf32>,
      %slice3A_673 = vector.extract_strided_slice %get3A_571 {offsets = [8], sizes = [1], strides = [1]} : vector<16xf32> to vector<1xf32>
      %squeeze3A_674 = vector.extract %slice3A_673[0] : f32 from vector<1xf32>
      %mul3A_675 = vector.broadcast %squeeze3A_674 : f32 to vector<16xf32>
      %mul3A_676 = arith.mulf %mul3A_675, %get3A_672 : vector<16xf32>
      %add3A_677 = arith.addf %add3A_653, %mul3A_676 : vector<16xf32>
      %mul3A_678 = arith.constant 16 : i32
      %mul3A_679 = arith.muli %scan3A_563, %mul3A_678 : i32
      %add3A_680 = arith.constant 9 : i32
      %add3A_681 = arith.addi %mul3A_679, %add3A_680 : i32
      %get3A_682 = arith.index_cast %add3A_681 : i32 to index
      %get3A_683 = arith.constant 0 : index
      %get3A_684 = tpu.vector_load %arg6[%get3A_682, %get3A_683] {strides = array<i32>} : memref<2048x16xf32, #tpu.memory_space<vmem>>, vector<16xf32>,
      %slice3A_685 = vector.extract_strided_slice %get3A_571 {offsets = [9], sizes = [1], strides = [1]} : vector<16xf32> to vector<1xf32>
      %squeeze3A_686 = vector.extract %slice3A_685[0] : f32 from vector<1xf32>
      %mul3A_687 = vector.broadcast %squeeze3A_686 : f32 to vector<16xf32>
      %mul3A_688 = arith.mulf %mul3A_687, %get3A_684 : vector<16xf32>
      %add3A_689 = arith.addf %add3A_665, %mul3A_688 : vector<16xf32>
      %mul3A_690 = arith.constant 16 : i32
      %mul3A_691 = arith.muli %scan3A_563, %mul3A_690 : i32
      %add3A_692 = arith.constant 10 : i32
      %add3A_693 = arith.addi %mul3A_691, %add3A_692 : i32
      %get3A_694 = arith.index_cast %add3A_693 : i32 to index
      %get3A_695 = arith.constant 0 : index
      %get3A_696 = tpu.vector_load %arg6[%get3A_694, %get3A_695] {strides = array<i32>} : memref<2048x16xf32, #tpu.memory_space<vmem>>, vector<16xf32>,
      %slice3A_697 = vector.extract_strided_slice %get3A_571 {offsets = [10], sizes = [1], strides = [1]} : vector<16xf32> to vector<1xf32>
      %squeeze3A_698 = vector.extract %slice3A_697[0] : f32 from vector<1xf32>
      %mul3A_699 = vector.broadcast %squeeze3A_698 : f32 to vector<16xf32>
      %mul3A_700 = arith.mulf %mul3A_699, %get3A_696 : vector<16xf32>
      %add3A_701 = arith.addf %add3A_677, %mul3A_700 : vector<16xf32>
      %mul3A_702 = arith.constant 16 : i32
      %mul3A_703 = arith.muli %scan3A_563, %mul3A_702 : i32
      %add3A_704 = arith.constant 11 : i32
      %add3A_705 = arith.addi %mul3A_703, %add3A_704 : i32
      %get3A_706 = arith.index_cast %add3A_705 : i32 to index
      %get3A_707 = arith.constant 0 : index
      %get3A_708 = tpu.vector_load %arg6[%get3A_706, %get3A_707] {strides = array<i32>} : memref<2048x16xf32, #tpu.memory_space<vmem>>, vector<16xf32>,
      %slice3A_709 = vector.extract_strided_slice %get3A_571 {offsets = [11], sizes = [1], strides = [1]} : vector<16xf32> to vector<1xf32>
      %squeeze3A_710 = vector.extract %slice3A_709[0] : f32 from vector<1xf32>
      %mul3A_711 = vector.broadcast %squeeze3A_710 : f32 to vector<16xf32>
      %mul3A_712 = arith.mulf %mul3A_711, %get3A_708 : vector<16xf32>
      %add3A_713 = arith.addf %add3A_689, %mul3A_712 : vector<16xf32>
      %mul3A_714 = arith.constant 16 : i32
      %mul3A_715 = arith.muli %scan3A_563, %mul3A_714 : i32
      %add3A_716 = arith.constant 12 : i32
      %add3A_717 = arith.addi %mul3A_715, %add3A_716 : i32
      %get3A_718 = arith.index_cast %add3A_717 : i32 to index
      %get3A_719 = arith.constant 0 : index
      %get3A_720 = tpu.vector_load %arg6[%get3A_718, %get3A_719] {strides = array<i32>} : memref<2048x16xf32, #tpu.memory_space<vmem>>, vector<16xf32>,
      %slice3A_721 = vector.extract_strided_slice %get3A_571 {offsets = [12], sizes = [1], strides = [1]} : vector<16xf32> to vector<1xf32>
      %squeeze3A_722 = vector.extract %slice3A_721[0] : f32 from vector<1xf32>
      %mul3A_723 = vector.broadcast %squeeze3A_722 : f32 to vector<16xf32>
      %mul3A_724 = arith.mulf %mul3A_723, %get3A_720 : vector<16xf32>
      %add3A_725 = arith.addf %add3A_701, %mul3A_724 : vector<16xf32>
      %mul3A_726 = arith.constant 16 : i32
      %mul3A_727 = arith.muli %scan3A_563, %mul3A_726 : i32
      %add3A_728 = arith.constant 13 : i32
      %add3A_729 = arith.addi %mul3A_727, %add3A_728 : i32
      %get3A_730 = arith.index_cast %add3A_729 : i32 to index
      %get3A_731 = arith.constant 0 : index
      %get3A_732 = tpu.vector_load %arg6[%get3A_730, %get3A_731] {strides = array<i32>} : memref<2048x16xf32, #tpu.memory_space<vmem>>, vector<16xf32>,
      %slice3A_733 = vector.extract_strided_slice %get3A_571 {offsets = [13], sizes = [1], strides = [1]} : vector<16xf32> to vector<1xf32>
      %squeeze3A_734 = vector.extract %slice3A_733[0] : f32 from vector<1xf32>
      %mul3A_735 = vector.broadcast %squeeze3A_734 : f32 to vector<16xf32>
      %mul3A_736 = arith.mulf %mul3A_735, %get3A_732 : vector<16xf32>
      %add3A_737 = arith.addf %add3A_713, %mul3A_736 : vector<16xf32>
      %mul3A_738 = arith.constant 16 : i32
      %mul3A_739 = arith.muli %scan3A_563, %mul3A_738 : i32
      %add3A_740 = arith.constant 14 : i32
      %add3A_741 = arith.addi %mul3A_739, %add3A_740 : i32
      %get3A_742 = arith.index_cast %add3A_741 : i32 to index
      %get3A_743 = arith.constant 0 : index
      %get3A_744 = tpu.vector_load %arg6[%get3A_742, %get3A_743] {strides = array<i32>} : memref<2048x16xf32, #tpu.memory_space<vmem>>, vector<16xf32>,
      %slice3A_745 = vector.extract_strided_slice %get3A_571 {offsets = [14], sizes = [1], strides = [1]} : vector<16xf32> to vector<1xf32>
      %squeeze3A_746 = vector.extract %slice3A_745[0] : f32 from vector<1xf32>
      %mul3A_747 = vector.broadcast %squeeze3A_746 : f32 to vector<16xf32>
      %mul3A_748 = arith.mulf %mul3A_747, %get3A_744 : vector<16xf32>
      %add3A_749 = arith.addf %add3A_725, %mul3A_748 : vector<16xf32>
      %mul3A_750 = arith.constant 16 : i32
      %mul3A_751 = arith.muli %scan3A_563, %mul3A_750 : i32
      %add3A_752 = arith.constant 15 : i32
      %add3A_753 = arith.addi %mul3A_751, %add3A_752 : i32
      %get3A_754 = arith.index_cast %add3A_753 : i32 to index
      %get3A_755 = arith.constant 0 : index
      %get3A_756 = tpu.vector_load %arg6[%get3A_754, %get3A_755] {strides = array<i32>} : memref<2048x16xf32, #tpu.memory_space<vmem>>, vector<16xf32>,
      %slice3A_757 = vector.extract_strided_slice %get3A_571 {offsets = [15], sizes = [1], strides = [1]} : vector<16xf32> to vector<1xf32>
      %squeeze3A_758 = vector.extract %slice3A_757[0] : f32 from vector<1xf32>
      %mul3A_759 = vector.broadcast %squeeze3A_758 : f32 to vector<16xf32>
      %mul3A_760 = arith.mulf %mul3A_759, %get3A_756 : vector<16xf32>
      %add3A_761 = arith.addf %add3A_737, %mul3A_760 : vector<16xf32>
      scf.yield %add3A_749, %add3A_761 : vector<16xf32>, vector<16xf32>
    }
    %scan3A_498 = arith.constant 128 : i32
    %add3A_499 = arith.addf %scan3A_497#0, %scan3A_497#1 : vector<16xf32>
    %xor3A_500 = arith.constant 1 : i32
    %xor3A_501 = vector.broadcast %xor3A_500 : i32 to vector<16xi32>
    %xor3A_502 = arith.xori %iota3A, %xor3A_501 : vector<16xi32>
    %broadcast_in_dim3A_503 = vector.shape_cast %xor3A_502 : vector<16xi32> to vector<16x1xi32>
    %gather3A_504 = vector.shape_cast %broadcast_in_dim3A_503 : vector<16x1xi32> to vector<16xi32>
    %gather3A_505 = tpu.dynamic_gather %add3A_499[%gather3A_504] in [0] : vector<16xf32>, vector<16xi32> -> vector<16xf32>
    %max3A_506 = arith.maximumf %add3A_499, %gather3A_505 : vector<16xf32>
    %xor3A_507 = arith.constant 2 : i32
    %xor3A_508 = vector.broadcast %xor3A_507 : i32 to vector<16xi32>
    %xor3A_509 = arith.xori %iota3A, %xor3A_508 : vector<16xi32>
    %broadcast_in_dim3A_510 = vector.shape_cast %xor3A_509 : vector<16xi32> to vector<16x1xi32>
    %gather3A_511 = vector.shape_cast %broadcast_in_dim3A_510 : vector<16x1xi32> to vector<16xi32>
    %gather3A_512 = tpu.dynamic_gather %max3A_506[%gather3A_511] in [0] : vector<16xf32>, vector<16xi32> -> vector<16xf32>
    %max3A_513 = arith.maximumf %max3A_506, %gather3A_512 : vector<16xf32>
    %xor3A_514 = arith.constant 4 : i32
    %xor3A_515 = vector.broadcast %xor3A_514 : i32 to vector<16xi32>
    %xor3A_516 = arith.xori %iota3A, %xor3A_515 : vector<16xi32>
    %broadcast_in_dim3A_517 = vector.shape_cast %xor3A_516 : vector<16xi32> to vector<16x1xi32>
    %gather3A_518 = vector.shape_cast %broadcast_in_dim3A_517 : vector<16x1xi32> to vector<16xi32>
    %gather3A_519 = tpu.dynamic_gather %max3A_513[%gather3A_518] in [0] : vector<16xf32>, vector<16xi32> -> vector<16xf32>
    %max3A_520 = arith.maximumf %max3A_513, %gather3A_519 : vector<16xf32>
    %xor3A_521 = arith.constant 8 : i32
    %xor3A_522 = vector.broadcast %xor3A_521 : i32 to vector<16xi32>
    %xor3A_523 = arith.xori %iota3A, %xor3A_522 : vector<16xi32>
    %broadcast_in_dim3A_524 = vector.shape_cast %xor3A_523 : vector<16xi32> to vector<16x1xi32>
    %gather3A_525 = vector.shape_cast %broadcast_in_dim3A_524 : vector<16x1xi32> to vector<16xi32>
    %gather3A_526 = tpu.dynamic_gather %max3A_520[%gather3A_525] in [0] : vector<16xf32>, vector<16xi32> -> vector<16xf32>
    %max3A_527 = arith.maximumf %max3A_520, %gather3A_526 : vector<16xf32>
    %sub3A_528 = arith.subf %add3A_499, %max3A_527 : vector<16xf32>
    %exp3A_529 = math.exp %sub3A_528 : vector<16xf32>
    %xor3A_530 = arith.constant 1 : i32
    %xor3A_531 = vector.broadcast %xor3A_530 : i32 to vector<16xi32>
    %xor3A_532 = arith.xori %iota3A, %xor3A_531 : vector<16xi32>
    %broadcast_in_dim3A_533 = vector.shape_cast %xor3A_532 : vector<16xi32> to vector<16x1xi32>
    %gather3A_534 = vector.shape_cast %broadcast_in_dim3A_533 : vector<16x1xi32> to vector<16xi32>
    %gather3A_535 = tpu.dynamic_gather %exp3A_529[%gather3A_534] in [0] : vector<16xf32>, vector<16xi32> -> vector<16xf32>
    %add3A_536 = arith.addf %exp3A_529, %gather3A_535 : vector<16xf32>
    %xor3A_537 = arith.constant 2 : i32
    %xor3A_538 = vector.broadcast %xor3A_537 : i32 to vector<16xi32>
    %xor3A_539 = arith.xori %iota3A, %xor3A_538 : vector<16xi32>
    %broadcast_in_dim3A_540 = vector.shape_cast %xor3A_539 : vector<16xi32> to vector<16x1xi32>
    %gather3A_541 = vector.shape_cast %broadcast_in_dim3A_540 : vector<16x1xi32> to vector<16xi32>
    %gather3A_542 = tpu.dynamic_gather %add3A_536[%gather3A_541] in [0] : vector<16xf32>, vector<16xi32> -> vector<16xf32>
    %add3A_543 = arith.addf %add3A_536, %gather3A_542 : vector<16xf32>
    %xor3A_544 = arith.constant 4 : i32
    %xor3A_545 = vector.broadcast %xor3A_544 : i32 to vector<16xi32>
    %xor3A_546 = arith.xori %iota3A, %xor3A_545 : vector<16xi32>
    %broadcast_in_dim3A_547 = vector.shape_cast %xor3A_546 : vector<16xi32> to vector<16x1xi32>
    %gather3A_548 = vector.shape_cast %broadcast_in_dim3A_547 : vector<16x1xi32> to vector<16xi32>
    %gather3A_549 = tpu.dynamic_gather %add3A_543[%gather3A_548] in [0] : vector<16xf32>, vector<16xi32> -> vector<16xf32>
    %add3A_550 = arith.addf %add3A_543, %gather3A_549 : vector<16xf32>
    %xor3A_551 = arith.constant 8 : i32
    %xor3A_552 = vector.broadcast %xor3A_551 : i32 to vector<16xi32>
    %xor3A_553 = arith.xori %iota3A, %xor3A_552 : vector<16xi32>
    %broadcast_in_dim3A_554 = vector.shape_cast %xor3A_553 : vector<16xi32> to vector<16x1xi32>
    %gather3A_555 = vector.shape_cast %broadcast_in_dim3A_554 : vector<16x1xi32> to vector<16xi32>
    %gather3A_556 = tpu.dynamic_gather %add3A_550[%gather3A_555] in [0] : vector<16xf32>, vector<16xi32> -> vector<16xf32>
    %add3A_557 = arith.addf %add3A_550, %gather3A_556 : vector<16xf32>
    %div3A_558 = arith.divf %exp3A_529, %add3A_557 : vector<16xf32>
    %swap3A_559 = arith.constant 7 : i32
    %swap3A_560 = arith.index_cast %swap3A_559 : i32 to index
    %swap3A_561 = arith.constant 0 : index
    %swap3A_562 = tpu.vector_load %arg9[%swap3A_560, %swap3A_561] {strides = array<i32>} : memref<8x16xf32, #tpu.memory_space<vmem>>, vector<16xf32>,
    tpu.vector_store %arg9[%swap3A_560, %swap3A_561], %div3A_558 {strides = array<i32>} : memref<8x16xf32, #tpu.memory_space<vmem>>, vector<16xf32>,
    "tpu.region"() ({
      %run_scoped3A = tpu.sem_alloc : memref<!tpu.dma_semaphore, #tpu.memory_space<semaphore_mem>>
      %dma_start3A_563 = arith.constant 0 : i32
      %dma_start3A_564 = tpu.memref_slice %arg5[%mul3A_2, %dma_start3A_563] : memref<256x16xf32, #tpu.memory_space<hbm>> -> memref<8x16xf32, #tpu.memory_space<hbm>>
      %dma_start3A_565 = arith.constant 0 : i32
      %dma_start3A_566 = tpu.memref_slice %arg5[%mul3A_2, %dma_start3A_565] : memref<256x16xf32, #tpu.memory_space<hbm>> -> memref<8x16xf32, #tpu.memory_space<hbm>>
      tpu.enqueue_dma source(%arg9 : memref<8x16xf32, #tpu.memory_space<vmem>>) target(%dma_start3A_566 : memref<8x16xf32, #tpu.memory_space<hbm>>) target_semaphore(%run_scoped3A : memref<!tpu.dma_semaphore, #tpu.memory_space<semaphore_mem>>)
      %dma_wait3A_567 = arith.constant 0 : i32
      %dma_wait3A_568 = tpu.memref_slice %arg5[%mul3A_2, %dma_wait3A_567] : memref<256x16xf32, #tpu.memory_space<hbm>> -> memref<8x16xf32, #tpu.memory_space<hbm>>
      %dma_wait3A_569 = arith.constant 0 : i32
      %dma_wait3A_570 = tpu.memref_slice %arg5[%mul3A_2, %dma_wait3A_569] : memref<256x16xf32, #tpu.memory_space<hbm>> -> memref<8x16xf32, #tpu.memory_space<hbm>>
      tpu.wait_dma2 semaphore(%run_scoped3A : memref<!tpu.dma_semaphore, #tpu.memory_space<semaphore_mem>>) src(%arg9 : memref<8x16xf32, #tpu.memory_space<vmem>>) dst(%dma_wait3A_570 : memref<8x16xf32, #tpu.memory_space<hbm>>)
      tpu.yield
    }) : () -> ()
    return
  }
}

module attributes {stable_mosaic.version = 14 : i64} {
  func.func @_tc_body(%arg0: i32, %arg1: memref<992x2048xf32, #tpu.memory_space<vmem>>, %arg2: memref<16x2048xf32, #tpu.memory_space<vmem>>, %arg3: memref<1x16xf32, #tpu.memory_space<vmem>>, %arg4: memref<992x16xf32, #tpu.memory_space<vmem>>) attributes {dimension_semantics = [#tpu.dimension_semantics<arbitrary>], iteration_bounds = array<i64: 8>, scalar_prefetch = 0 : i64, scratch_operands = 0 : i64, tpu.core_type = #tpu.core_type<tc>, window_params = [{transform_indices = @transform_0, window_bounds = array<i64: 992, 2048>}, {pipeline_mode = #tpu.pipeline_mode<synchronous>, transform_indices = @transform_1, window_bounds = array<i64: 16, 2048>}, {pipeline_mode = #tpu.pipeline_mode<synchronous>, transform_indices = @transform_2, window_bounds = array<i64: 1, 16>}, {transform_indices = @transform_3, window_bounds = array<i64: 992, 16>}]} {
    %get3A = arith.constant 0 : index
    %get3A_0 = arith.constant 0 : index
    %get3A_1 = vector.load %arg1[%get3A, %get3A_0] : memref<992x2048xf32, #tpu.memory_space<vmem>>, vector<992x2048xf32>
    %get3A_2 = arith.constant 0 : index
    %get3A_3 = arith.constant 0 : index
    %get3A_4 = vector.load %arg2[%get3A_2, %get3A_3] : memref<16x2048xf32, #tpu.memory_space<vmem>>, vector<16x2048xf32>
    %dot_general3A = arith.constant dense<0.000000e+00> : vector<992x16xf32>
    %dot_general3A_5 = tpu.matmul %get3A_1, %get3A_4, %dot_general3A {dimension_numbers = #tpu.dot_dimension_numbers<[1], [1], [0], [0], [0, 0, 1, 0], [], []>, transpose_lhs_hint = false} : vector<992x2048xf32>, vector<16x2048xf32>, vector<992x16xf32> -> vector<992x16xf32>
    %get3A_6 = arith.constant 0 : index
    %get3A_7 = arith.constant 0 : index
    %get3A_8 = vector.load %arg3[%get3A_6, %get3A_7] : memref<1x16xf32, #tpu.memory_space<vmem>>, vector<1x16xf32>
    %add3A = vector.broadcast %get3A_8 : vector<1x16xf32> to vector<992x16xf32>
    %add3A_9 = arith.addf %dot_general3A_5, %add3A : vector<992x16xf32>
    %reduce_max3A = arith.constant dense<0xFF800000> : vector<992xf32>
    %reduce_max3A_10 = vector.multi_reduction <maximumf>, %add3A_9, %reduce_max3A [1] : vector<992x16xf32> to vector<992xf32>
    %broadcast_in_dim3A = vector.shape_cast %reduce_max3A_10 : vector<992xf32> to vector<992x1xf32>
    %sub3A = vector.broadcast %broadcast_in_dim3A : vector<992x1xf32> to vector<992x16xf32>
    %sub3A_11 = arith.subf %add3A_9, %sub3A : vector<992x16xf32>
    %exp3A = math.exp %sub3A_11 : vector<992x16xf32>
    %reduce_sum3A = arith.constant dense<0.000000e+00> : vector<992xf32>
    %reduce_sum3A_12 = vector.multi_reduction <add>, %exp3A, %reduce_sum3A [1] : vector<992x16xf32> to vector<992xf32>
    %broadcast_in_dim3A_13 = vector.shape_cast %reduce_sum3A_12 : vector<992xf32> to vector<992x1xf32>
    %div3A = vector.broadcast %broadcast_in_dim3A_13 : vector<992x1xf32> to vector<992x16xf32>
    %div3A_14 = arith.divf %exp3A, %div3A : vector<992x16xf32>
    %swap3A = arith.constant 0 : index
    %swap3A_15 = arith.constant 0 : index
    %swap3A_16 = vector.load %arg4[%swap3A, %swap3A_15] : memref<992x16xf32, #tpu.memory_space<vmem>>, vector<992x16xf32>
    tpu.vector_store %arg4[%swap3A, %swap3A_15], %div3A_14 {strides = array<i32>} : memref<992x16xf32, #tpu.memory_space<vmem>>, vector<992x16xf32>,
    return
  }
  func.func @transform_0(%arg0: i32) -> (i32, i32) {
    %c0_i32 = arith.constant 0 : i32
    %c0_i32_0 = arith.constant 0 : i32
    return %arg0, %c0_i32 : i32, i32
  }
  func.func @transform_1(%arg0: i32) -> (i32, i32) {
    %c0_i32 = arith.constant 0 : i32
    %c0_i32_0 = arith.constant 0 : i32
    %c0_i32_1 = arith.constant 0 : i32
    return %c0_i32, %c0_i32_0 : i32, i32
  }
  func.func @transform_2(%arg0: i32) -> (i32, i32) {
    %c0_i32 = arith.constant 0 : i32
    %c0_i32_0 = arith.constant 0 : i32
    %c0_i32_1 = arith.constant 0 : i32
    return %c0_i32, %c0_i32_0 : i32, i32
  }
  func.func @transform_3(%arg0: i32) -> (i32, i32) {
    %c0_i32 = arith.constant 0 : i32
    %c0_i32_0 = arith.constant 0 : i32
    return %arg0, %c0_i32 : i32, i32
  }
}

</mosaic_0001>

<sc_bundles>
// kernel: kernel.4.cloned.1.call-start
scs
__scs_entry_jumppad:
0x0: {  	(pc) =	sbr.rel $0x88, $3  }
0x1: {  	(tag) =	ssettag $0x0;
	lr =	simm.s32 $0x1  }
0x2: {  	[smem:$0x3F9E] =	sst lr;
	_ =	strace $0xD0000000  }
0x3: {  	_ = 	snop  }
0x4: {  	_ = 	snop  }
0x5: {  	_ = 	snop  }
0x6: {  	_ = 	snop  }
0x7: {  	_ = 	snop  }
__scs_overlays_trampoline_lowered:
0x8: {  	[smem:$0x3FAD] =	sst s0  }
0x9: {  	[smem:$0x3FAE] =	sst s1  }
0xa: {  	[smem:$0x3FAF] =	sst s2  }
0xb: {  	[smem:$0x3FB0] =	sst s3  }
0xc: {  	[smem:$0x3FB1] =	sst s4  }
0xd: {  	[smem:$0x3FB2] =	sst s5  }
0xe: {  	[smem:$0x3FB3] =	sst s6  }
0xf: {  	[smem:$0x3FB4] =	sst s7  }
0x10: {  	[smem:$0x3FB5] =	sst s8  }
0x11: {  	[smem:$0x3FB6] =	sst s9;
	s0 =	simm.s32 @!p0 $0x0  }
0x12: {  	s1 =	sld [smem:$0x3F9C];
	s0 =	simm.s32 @p0 $0x1  }
0x13: {  	[smem:$0x3FB7] =	sst s0;
	s0 =	simm.s32 @!p1 $0x0  }
0x14: {  	s2 =	sld [smem:$0x3F9B];
	s0 =	simm.s32 @p1 $0x1  }
0x15: {  	[smem:$0x3FB8] =	sst s0;
	s0 =	simm.s32 @!p2 $0x0  }
0x16: {  	s3 =	sld [smem:$0x3FDB];
	s0 =	simm.s32 @p2 $0x1  }
0x17: {  	s4 =	simm.s32 $0x1BF5;
	[smem:$0x3FBA] =	sst s0  }
0x18: {  	s0 =	sld [smem:$0x3F9D];
	_ =	swait.ge [sflag:s4], $0x0  }
0x19: {  	s7 =	sld [smem:$0x3F9E]  }
0x1a: {  	s8 =	sadd.s32 $0xFFFFE003, lr  }
0x1b: {  	s9 =	sadd.s32 $0xFFFFFEF7, lr;
	s5 =	simm.s32 $0xFFFFFFFF;
	p2 =	slt.u32 s8, $0xFFFFF086  }
0x1c: {  	p1 =	slt.u32 s9, $0xF7A;
	s5 =	simm.s32 @!p2 $0x0  }
0x1d: {  	s5 =	simm.s32 @p1 $0x1;
	p0 =	seq.s32 s7, s2  }
0x1e: {  	s7 =	smul.u32 @!p0 $0xF7A, s2;
	p2 =	seq.s32 @!p0 s5, $0x0  }
0x1f: {  	s9 =	smul.u32 $0xF7A, s1;
	s8 =	simm.s32 @!p0 $0x1BF5;
	p2 =	por !p2, p0  }
0x20: {  	[sflag:s8] =	ssyncset.s32 @!p0 $0xFFFFF086;
	s6 =	sadd.s32 @!p0 s3, s7;
	s7 =	simm.s32 @!p0 $0x108  }
0x21: {  	s3 =	sadd.s32 s3, s9;
	s6 =	sadd.s32 @!p0 $0x88, s6;
	s7 =	simm.s32 @p2 $0x1082  }
0x22: {  	[simem:s7], [sflag:s8] =	dma.local @!p0 [hbm:s6], $0xF7A  }
0x23: {  	s9 =	sor.u32 $0xD0000000, s2;
	s6 =	simm.s32 $0x108;
	_ =	swait.ge @!p0 [sflag:s8], $0x0  }
0x24: {  	s3 =	sadd.s32 $0x88, s3;
	s6 =	simm.s32 @!p1 $0x1082;
	[sflag:s4] =	ssyncset.s32 $0xFFFFF086  }
0x25: {  	[simem:s6], [sflag:s4] =	dma.local [hbm:s3], $0xF7A  }
0x26: {  	[smem:$0x3F9E] =	sst s1;
	(tag) =	ssettag s2;
	_ =	strace s9  }
0x27: {  	s1 =	sld [smem:$0x3FAE]  }
0x28: {  	s2 =	sld [smem:$0x3FAF]  }
0x29: {  	s4 =	sld [smem:$0x3FB1]  }
0x2a: {  	p0 =	seq.s32 s5, $0x0;
	s5 =	sld [smem:$0x3FB2]  }
0x2b: {  	s6 =	sld [smem:$0x3FB3]  }
0x2c: {  	s7 =	sld [smem:$0x3FB4]  }
0x2d: {  	s3 =	simm.s32 $0x108;
	s8 =	sld [smem:$0x3FB5]  }
0x2e: {  	s3 =	simm.s32 @!p0 $0x1082;
	s9 =	sld [smem:$0x3FB6]  }
0x2f: {  	lr =	sadd.s32 s0, s3;
	s0 =	sld [smem:$0x3FAD]  }
0x30: {  	s3 =	sld [smem:$0x3FB0]  }
0x31: {  	[smem:$0x3FB9] =	sst s10  }
0x32: {  	s10 =	sld [smem:$0x3FB7];
	_ =	sdelay $0x3  }
0x33: {  	p0 =	seq.s32 s10, $0x1;
	s10 =	sld [smem:$0x3FB9];
	_ =	sdelay $0x3  }
0x34: {  	[smem:$0x3FB9] =	sst s10  }
0x35: {  	s10 =	sld [smem:$0x3FB8];
	_ =	sdelay $0x3  }
0x36: {  	p1 =	seq.s32 s10, $0x1;
	s10 =	sld [smem:$0x3FB9];
	_ =	sdelay $0x3  }
0x37: {  	[smem:$0x3FB9] =	sst s10  }
0x38: {  	s10 =	sld [smem:$0x3FBA]  }
0x39: {  	_ = 	snop;
	(pc) =	sbr.ind lr, $3  }
0x3a: {  	_ = 	snop  }
0x3b: {  	_ = 	snop  }
0x3c: {  	p2 =	seq.s32 s10, $0x1;
	s10 =	sld [smem:$0x3FB9]  }
0x3d: {  	_ =	shalt  }
0x3e: {  	_ =	shalt  }
0x3f: {  	_ =	shalt  }
0x40: {  	_ =	shalt  }
0x41: {  	_ =	shalt  }
0x42: {  	_ =	shalt  }
0x43: {  	_ =	shalt  }
0x44: {  	_ =	shalt  }
0x45: {  	_ =	shalt  }
0x46: {  	_ =	shalt  }
0x47: {  	_ =	shalt  }
0x48: {  	_ =	shalt  }
0x49: {  	_ =	shalt  }
0x4a: {  	_ =	shalt  }
0x4b: {  	_ =	shalt  }
0x4c: {  	_ =	shalt  }
0x4d: {  	_ =	shalt  }
0x4e: {  	_ =	shalt  }
0x4f: {  	_ =	shalt  }
0x50: {  	_ =	shalt  }
0x51: {  	_ =	shalt  }
0x52: {  	_ =	shalt  }
0x53: {  	_ =	shalt  }
0x54: {  	_ =	shalt  }
0x55: {  	_ =	shalt  }
0x56: {  	_ =	shalt  }
0x57: {  	_ =	shalt  }
0x58: {  	_ =	shalt  }
0x59: {  	_ =	shalt  }
0x5a: {  	_ =	shalt  }
0x5b: {  	_ =	shalt  }
0x5c: {  	_ =	shalt  }
0x5d: {  	_ =	shalt  }
0x5e: {  	_ =	shalt  }
0x5f: {  	_ =	shalt  }
0x60: {  	_ =	shalt  }
0x61: {  	_ =	shalt  }
0x62: {  	_ =	shalt  }
0x63: {  	_ =	shalt  }
0x64: {  	_ =	shalt  }
0x65: {  	_ =	shalt  }
0x66: {  	_ =	shalt  }
0x67: {  	_ =	shalt  }
0x68: {  	_ =	shalt  }
0x69: {  	_ =	shalt  }
0x6a: {  	_ =	shalt  }
0x6b: {  	_ =	shalt  }
0x6c: {  	_ =	shalt  }
0x6d: {  	_ =	shalt  }
0x6e: {  	_ =	shalt  }
0x6f: {  	_ =	shalt  }
0x70: {  	_ =	shalt  }
0x71: {  	_ =	shalt  }
0x72: {  	_ =	shalt  }
0x73: {  	_ =	shalt  }
0x74: {  	_ =	shalt  }
0x75: {  	_ =	shalt  }
0x76: {  	_ =	shalt  }
0x77: {  	_ =	shalt  }
0x78: {  	_ =	shalt  }
0x79: {  	_ =	shalt  }
0x7a: {  	_ =	shalt  }
0x7b: {  	_ =	shalt  }
0x7c: {  	_ =	shalt  }
0x7d: {  	_ =	shalt  }
0x7e: {  	_ =	shalt  }
0x7f: {  	_ =	shalt  }
0x80: {  	_ =	shalt  }
0x81: {  	_ =	shalt  }
0x82: {  	_ =	shalt  }
0x83: {  	_ =	shalt  }
0x84: {  	_ =	shalt  }
0x85: {  	_ =	shalt  }
0x86: {  	_ =	shalt  }
0x87: {  	_ =	shalt  }
.Lfunc_end0:
.L_simem_size_0:
called_computation_lowered:
.L_overlay_start_0:
0x88: {  	s2 =	sld [smem:$0x3FD9]  }
0x89: {  	s3 =	sld [smem:$0x3FFE];
	_ =	sdelay $0x1  }
0x8a: {  	s1 =	srdreg.scid  }
0x8b: {  	s0 =	sand.u32 $0x1, s1  }
0x8c: {  	s17 =	sshll.u32 s0, $0xA;
	s2 =	sadd.s32 s3, s2  }
0x8d: {  	s2 =	sadd.s32 s2, s17  }
0x8e: {  	[smem:$0x3FC5] =	sst s2  }
0x8f: {  	_ = 	snop  }
0x90: {  	s2 =	sld [smem:$0x3FC7]  }
0x91: {  	s18 =	sld [smem:$0x3FD0];
	(tm) =	ssettm $0x1  }
0x92: {  	s4 =	sld [smem:$0x3FFB];
	_ =	sdelay $0x3  }
0x93: {  	_ =	strace s4  }
0x94: {  	s4 =	sld [smem:$0x3FFC];
	_ =	sdelay $0x3  }
0x95: {  	_ =	strace s4  }
0x96: {  	s4 =	sld [smem:$0x3FFD];
	_ =	sdelay $0x3  }
0x97: {  	_ =	strace s4  }
0x98: {  	_ =	strace $0x8FFFFFFF  }
0x99: {  	s19 =	sld [smem:$0x3FDB];
	_ =	sdelay $0x1  }
0x9a: {  	s5 =	simm.s32 $_scs_section_size  }
0x9b: {  	s6 =	simm.s32 $_size__tile_overlayer_lowered;
	s7 =	simm.s32 $_tile_overlayer_lowered  }
0x9c: {  	s22 =	simm.s32 $0x1BFF;
	s21 =	sshll.u32 s7, $0x1;
	s4 =	sadd.s32 s5, s19  }
0x9d: {  	s8 =	simm.s32 $0x0;
	s20 =	sshll.u32 s6, $0x1;
	s6 =	sadd.s32 s21, s4  }
0x9e: {  	[timem:s8], [sflag:s22] =	dma.local [hbm:s6], s20  }
0x9f: {  	_ =	swait.ge [sflag:s22], s20  }
0xa0: {  	s5 =	ssub.s32 $0x0, s20;
	[sflag:s22] =	ssyncset.done $0x0  }
0xa1: {  	[sflag:s22] =	ssyncadd.s32 s5;
	_ =	sdelay $0x1  }
0xa2: {  	s23 =	simm.s32 $0x1B8B  }
0xa3: {  	_ =	swait.ge [sflag:s23], $0x1  }
0xa4: {  	[sflag:s23] =	ssyncset.done $0x0  }
0xa5: {  	s25 =	simm.s32 $0x1B8E;
	s24 =	sld [smem:$0x3FFE];
	[sflag:s23] =	ssyncadd.s32 $0xFFFFFFFF  }
0xa6: {  	s26 =	simm.s32 $execute0_lowered;
	[smem:$0x3FD2] =	sst s25  }
0xa7: {  	s6 =	sshll.u32 s26, $0x1;
	_ =	strace $0x80000046;
	[dreg:$0x1] =	wrdreg $0xFFFFFFFF  }
0xa8: {  	s28 =	simm.s32 $_size_execute0_lowered;
	s4 =	sadd.s32 s4, s6;
	[dreg:$0x0] =	wrdreg $0x0  }
0xa9: {  	s6 =	sshll.u32 s28, $0x1;
	[dreg:$0x2] =	wrdreg s4  }
0xaa: {  	[dreg:$0x3] =	wrdreg s6  }
0xab: {  	[dreg:$0x4] =	wrdreg $0xC0  }
0xac: {  	_ =	task [dreg:s8], $0x5FFFF  }
0xad: {  	[dreg:$0x1] =	wrdreg $0xFFFFFFFF  }
0xae: {  	[dreg:$0x0] =	wrdreg $0x60  }
0xaf: {  	[dreg:$0x2] =	wrdreg s24  }
0xb0: {  	[dreg:$0x3] =	wrdreg s18  }
0xb1: {  	[dreg:$0x4] =	wrdreg s2  }
0xb2: {  	[dreg:$0x5] =	wrdreg $0x9  }
0xb3: {  	_ =	task.clear_ibuf [dreg:s8], $0x6FFFF;
	_ =	strace $0x90000046  }
0xb4: {  	s29 =	simm.s32 $0x9;
	_ =	strace $0x80000048  }
0xb5: {  	_ =	swait.ge [sflag:s29], $0x1  }
0xb6: {  	[sflag:s29] =	ssyncadd.s32 $0xFFFFFFFF  }
0xb7: {  	_ =	strace $0x90000048  }
0xb8: {  	_ =	sfence  }
0xb9: {  	s30 =	sld [smem:$0x0];
	_ =	sdelay $0x2  }
0xba: {  	s31 =	sshll.u32 s1, $0xD;
	s1 =	sshrl.u32 s1, $0x2  }
0xbb: {  	s3 =	sand.u32 $0x4000, s31;
	s1 =	sadd.s32 s1, s30  }
0xbc: {  	s0 =	sor.u32 s3, s0;
	s1 =	sshll.u32 s1, $0x11  }
0xbd: {  	s0 =	sor.u32 s1, s0  }
0xbe: {  	s0 =	sadd.s32 $0x8F2B, s0  }
0xbf: {  	[sflag:s0] =	ssyncadd.remote.s32 $0x1  }
0xc0: {  	_ =	sfence.sel $0xFFFF  }
0xc1: {  	[dreg:$0x0] =	wrdreg $0xFFFFFFFF;
	(pc) =	sbr.abs _section_cstart, $3  }
0xc2: {  	[dreg:$0x1] =	wrdreg $0xFFFFFFFF  }
0xc3: {  	_ =	task.clear_ibuf [dreg:s8], $0x2FFFF;
	_ =	strace $0x9FFFFFFF  }
0xc4: {  	(tm) =	ssettm $0x7FFFFFFF  }
0xc5: {  	_ =	shalt  }
tec
execute0_lowered:
.L_overlay_start_1:
0x0: {  	(tag) =	ssettag $0x1  }
0x1: {  	v0 =	vimm.s32 $0xEFCDAB89;
	s5 =	rddreg [dreg:$0x0]  }
0x2: {  	v1 =	vimm.s32 $0x67452301;
	v2 =	vimm.s32 $0xDCFE98BA;
	s1 =	rddreg [dreg:$0x1];
	v3 =	vimm.s32 $0x54761032  }
0x3: {  	s3 =	rddreg [dreg:$0x2];
	s4 =	srdreg.scid;
	v4 =	vimm.s32 $0xBA98FEDC;
	v5 =	vimm.s32 $0x32107654;
	v6 =	vimm.s32 $0xFEDCBA98  }
0x4: {  	s0 =	rddreg [dreg:$0x3];
	s2 =	stileid.u32;
	v7 =	vimm.s32 $0x76543210;
	v0 =	vunpack.c.l.s4.s8 v0;
	v1 =	vunpack.c.l.s4.s8 v1  }
0x5: {  	s10 =	simm.s32 $0x3;
	s11 =	simm.s32 $0x2;
	s12 =	simm.s32 $0x1;
	v2 =	vunpack.c.l.s4.s8 v2;
	v3 =	vunpack.c.l.s4.s8 v3;
	v4 =	vunpack.c.l.s4.s8 v4  }
0x6: {  	s13 =	simm.s32 $0xC010;
	s14 =	simm.s32 $0x0;
	s6 =	sand.u32 $0x1, s4;
	v5 =	vunpack.c.l.s4.s8 v5;
	v6 =	vunpack.c.l.s4.s8 v6;
	v7 =	vunpack.c.l.s4.s8 v7  }
0x7: {  	s4 =	simm.s32 $0x0;
	s7 =	sshll.u32 s2, $0x4;
	s8 =	sshll.u32 s6, $0x3;
	v0 =	vunpack.c.0.s8.s32 v0;
	v1 =	vunpack.c.0.s8.s32 v1;
	v2 =	vunpack.c.0.s8.s32 v2  }
0x8: {  	[smem:$0x7FF] =	sst s4;
	s6 =	ssub.s32 $0x2, s6;
	s7 =	sor.u32 s8, s7;
	v3 =	vunpack.c.0.s8.s32 v3;
	v4 =	vunpack.c.0.s8.s32 v4;
	v5 =	vunpack.c.0.s8.s32 v5  }
0x9: {  	_ =	strace $0x80000047;
	s8 =	sshll.u32 s7, $0x8;
	s7 =	sshll.u32 s7, $0x1;
	v0 =	vcombine.low v1, v0;
	v1 =	vunpack.c.0.s8.s32 v6  }
0xa: {  	s9 =	sshrl.u32 s6, $0x1;
	s8 =	sadd.s32 s8, s5;
	s7 =	sadd.s32 s7, s5;
	v2 =	vcombine.low v3, v2;
	v3 =	vcombine.low v5, v4;
	v4 =	vunpack.c.0.s8.s32 v7  }
0xb: {  	s9 =	ssub.s32 s6, s9;
	s5 =	sadd.s32 $0x800, s8;
	s6 =	sadd.s32 $0x10800, s7;
	v0 =	vand.u32 $0xF, v0;
	v5 =	vand.u32 $0xF, v1  }
0xc: {  	s7 =	smax.u32 s9, $0x1;
	s8 =	simm.s32 $0x8010;
	s9 =	simm.s32 $0x8000;
	v1 =	vand.u32 $0xF, v2;
	v2 =	vand.u32 $0xF, v3;
	v3 =	vcombine.low v5, v4  }
.LBB2_1:
0xd: {  	[tilespmem:s8], [sflag:$0x1] =	stream.linear.gather [hbm4b:s5+s4], $0x4000, $0x38;
	[tilespmem:$0xC090] =	vst v63  }
0xe: {  	_ = 	snop  }
0xf: {  	[tilespmem:s4], [sflag:$0x2] =	stream.linear.gather [hbm4b:s1+s4], $0x8000, $0x38;
	[tilespmem:$0xC090] =	vst v63  }
0x10: {  	_ = 	snop  }
0x11: {  	[tilespmem:s9], [sflag:$0x3] =	stream.linear.gather [hbm4b:s3+s4], $0x10, $0x38;
	[tilespmem:$0xC090] =	vst v63  }
0x12: {  	_ =	swait.ge [sflag:s10], $0x10  }
0x13: {  	[sflag:s10] =	ssyncset.done $0x0  }
0x14: {  	[sflag:s10] =	ssyncadd.s32 $0xFFFFFFF0  }
0x15: {  	v4 =	vld [tilespmem:$0x8000];
	_ =	swait.ge [sflag:s11], $0x8000  }
0x16: {  	[sflag:s11] =	ssyncset.done $0x0  }
0x17: {  	[sflag:s11] =	ssyncadd.s32 $0xFFFF8000  }
0x18: {  	_ =	swait.ge [sflag:s12], $0x4000  }
0x19: {  	[sflag:s12] =	ssyncset.done $0x0  }
0x1a: {  	s15 =	simm.s32 $0x80;
	[sflag:s12] =	ssyncadd.s32 $0xFFFFC000  }
0x1b: {  	s16 =	simm.s32 $0x0;
	v8 =	vld [tilespmem:s15+$0x30]  }
0x1c: {  	v6 =	vld [tilespmem:s16+$0x8010]  }
0x1d: {  	v7 =	vld [tilespmem:s15+$0xFFFFFF90]  }
0x1e: {  	v5 =	vld [tilespmem:s15+$0xFFFFFF80]  }
0x1f: {  	v9 =	vld [tilespmem:s15+$0xFFFFFFB0]  }
0x20: {  	v10 =	vld [tilespmem:s15+$0xFFFFFFA0]  }
0x21: {  	v11 =	vld [tilespmem:s15+$0x70]  }
0x22: {  	v14 =	vld [tilespmem:s15+$0xFFFFFFC0];
	v12 =	vbroadcast v6, $0x0;
	v13 =	vbroadcast v6, $0xC  }
0x23: {  	v18 =	vld [tilespmem:s15+$0xFFFFFFE0];
	v15 =	vbroadcast v6, $0x2;
	v16 =	vbroadcast v6, $0x9  }
0x24: {  	v22 =	vld [tilespmem:s15+$0xFFFFFFD0];
	v19 =	vbroadcast v6, $0x4;
	v5 =	vmul.f32 v5, v12  }
0x25: {  	v21 =	vld [tilespmem:s15+$0x0];
	v20 =	vbroadcast v6, $0x6;
	v23 =	vbroadcast v6, $0x5  }
0x26: {  	v17 =	vld [tilespmem:s15+$0x50];
	v24 =	vbroadcast v6, $0x8;
	v10 =	vmul.f32 v10, v15;
	v5 =	vadd.f32 v5, v4  }
0x27: {  	v25 =	vld [tilespmem:s15+$0x20];
	v26 =	vbroadcast v6, $0x1;
	v27 =	vbroadcast v6, $0xA  }
0x28: {  	v28 =	vld [tilespmem:s15+$0x40];
	v12 =	vbroadcast v6, $0x7;
	v5 =	vadd.f32 v10, v5;
	v10 =	vmul.f32 v14, v19  }
0x29: {  	v29 =	vld [tilespmem:s15+$0x60];
	v15 =	vbroadcast v6, $0xF;
	v22 =	vmul.f32 v22, v23  }
0x2a: {  	v21 =	vmul.f32 v21, v24;
	v14 =	vld [tilespmem:s15+$0xFFFFFFF0];
	v5 =	vadd.f32 v10, v5;
	v10 =	vmul.f32 v18, v20  }
0x2b: {  	s30 =	simm.s32 $0x180;
	v24 =	vbroadcast v6, $0xD;
	v19 =	vbroadcast v6, $0x3;
	v20 =	vld [tilespmem:s15+$0x10]  }
0x2c: {  	s31 =	simm.s32 $0x10;
	v26 =	vmul.f32 v7, v26;
	v7 =	vld [tilespmem:s30+$0xFFFFFF90];
	v18 =	vbroadcast v6, $0xE;
	v10 =	vadd.f32 v10, v5  }
0x2d: {  	v23 =	vimm.f32 $0.0e+00;
	v9 =	vmul.f32 v9, v19;
	v19 =	vbroadcast v6, $0xB;
	v6 =	vld [tilespmem:s31+$0x8010]  }
0x2e: {  	v25 =	vmul.f32 v25, v27;
	v24 =	vmul.f32 v17, v24;
	v5 =	vld [tilespmem:s30+$0x30];
	v10 =	vadd.f32 v21, v10  }
0x2f: {  	v27 =	vmul.f32 v14, v12;
	v12 =	vmul.f32 v28, v13;
	v13 =	vld [tilespmem:s30+$0xFFFFFF80];
	v14 =	vadd.f32 v26, v23  }
0x30: {  	v18 =	vmul.f32 v29, v18;
	v29 =	vld [tilespmem:s30+$0xFFFFFFD0];
	v16 =	vmul.f32 v20, v16;
	v17 =	vadd.f32 v25, v10  }
0x31: {  	v14 =	vadd.f32 v9, v14;
	v20 =	vmul.f32 v8, v19;
	v10 =	vmul.f32 v11, v15;
	v15 =	vld [tilespmem:s30+$0xFFFFFFA0]  }
0x32: {  	v26 =	vld [tilespmem:s30+$0xFFFFFFE0];
	v9 =	vbroadcast v6, $0xC;
	v17 =	vadd.f32 v12, v17;
	v12 =	vbroadcast v6, $0x0  }
0x33: {  	v21 =	vld [tilespmem:s30+$0xFFFFFFC0];
	v19 =	vbroadcast v6, $0x2;
	v28 =	vbroadcast v6, $0x6;
	v22 =	vadd.f32 v22, v14  }
0x34: {  	v8 =	vld [tilespmem:s30+$0x70];
	v30 =	vbroadcast v6, $0x5;
	v13 =	vmul.f32 v13, v12;
	v17 =	vadd.f32 v18, v17  }
0x35: {  	v31 =	vbroadcast v6, $0x8;
	v23 =	vbroadcast v6, $0xA;
	v22 =	vadd.f32 v27, v22;
	v27 =	vld [tilespmem:s30+$0x0]  }
0x36: {  	v25 =	vld [tilespmem:s30+$0xFFFFFFB0];
	v18 =	vbroadcast v6, $0x4;
	v15 =	vmul.f32 v15, v19;
	v17 =	vadd.f32 v13, v17  }
0x37: {  	v11 =	vbroadcast v6, $0x9;
	v14 =	vbroadcast v6, $0x7;
	v12 =	vld [tilespmem:s30+$0x50];
	v22 =	vadd.f32 v16, v22  }
0x38: {  	v26 =	vmul.f32 v26, v28;
	v19 =	vld [tilespmem:s30+$0x20];
	v15 =	vadd.f32 v15, v17;
	v17 =	vmul.f32 v21, v18  }
0x39: {  	v16 =	vbroadcast v6, $0x1;
	v32 =	vadd.f32 v20, v22;
	v18 =	vbroadcast v6, $0x3;
	v21 =	vld [tilespmem:s30+$0xFFFFFFF0]  }
0x3a: {  	v13 =	vbroadcast v6, $0xF;
	v20 =	vld [tilespmem:s30+$0x40];
	v27 =	vmul.f32 v27, v31;
	v33 =	vadd.f32 v17, v15  }
0x3b: {  	v28 =	vadd.f32 v24, v32;
	v15 =	vbroadcast v6, $0xE;
	v22 =	vmul.f32 v25, v18;
	v25 =	vld [tilespmem:s30+$0x10]  }
0x3c: {  	s16 =	simm.s32 $0x280;
	s15 =	simm.s32 $0x80;
	v24 =	vld [tilespmem:s30+$0x60];
	v17 =	vbroadcast v6, $0xB;
	v18 =	vmul.f32 v29, v30;
	v26 =	vadd.f32 v26, v33  }
.LBB2_2:
0x3d: {  	s17 =	sshra.s32 s15, $0x2;
	v29 =	vld [tilespmem:s16+$0x30];
	p0 =	sne.s32 s15, $0x1FC0;
	s15 =	sadd.s32 $0x40, s15;
	v19 =	vmul.f32 v19, v23;
	v23 =	vbroadcast v6, $0xD;
	v10 =	vadd.f32 v10, v28  }
0x3e: {  	v16 =	vmul.f32 v7, v16;
	v6 =	vld [tilespmem:s17+$0x8010];
	v21 =	vmul.f32 v21, v14;
	v14 =	vadd.f32 v27, v26  }
0x3f: {  	v7 =	vld [tilespmem:s16+$0xFFFFFF90];
	v9 =	vmul.f32 v20, v9;
	v26 =	vmul.f32 v12, v23  }
0x40: {  	v16 =	vadd.f32 v16, v10;
	v12 =	vld [tilespmem:s16+$0xFFFFFF80];
	v20 =	vmul.f32 v25, v11;
	v11 =	vadd.f32 v19, v14  }
0x41: {  	v10 =	vmul.f32 v8, v13;
	v25 =	vld [tilespmem:s16+$0xFFFFFFB0];
	v15 =	vmul.f32 v24, v15  }
0x42: {  	v17 =	vmul.f32 v5, v17;
	v14 =	vadd.f32 v22, v16;
	v13 =	vld [tilespmem:s16+$0xFFFFFFA0];
	v16 =	vadd.f32 v9, v11;
	v5 =	vmovc v29  }
0x43: {  	v19 =	vbroadcast v6, $0x0;
	v9 =	vbroadcast v6, $0xC;
	v8 =	vld [tilespmem:s16+$0x70]  }
0x44: {  	v22 =	vbroadcast v6, $0x2;
	v11 =	vbroadcast v6, $0x9;
	v18 =	vadd.f32 v18, v14;
	v23 =	vld [tilespmem:s16+$0xFFFFFFC0]  }
0x45: {  	v14 =	vbroadcast v6, $0x7;
	v15 =	vadd.f32 v15, v16;
	v19 =	vmul.f32 v12, v19;
	v12 =	vld [tilespmem:s16+$0x50]  }
0x46: {  	v24 =	vbroadcast v6, $0x4;
	v28 =	vbroadcast v6, $0x6;
	v16 =	vadd.f32 v21, v18;
	v27 =	vld [tilespmem:s16+$0xFFFFFFE0]  }
0x47: {  	v15 =	vadd.f32 v19, v15;
	v18 =	vmul.f32 v13, v22;
	v29 =	vld [tilespmem:s16+$0x0];
	v13 =	vbroadcast v6, $0xF  }
0x48: {  	v31 =	vbroadcast v6, $0x5;
	v32 =	vbroadcast v6, $0x8;
	v20 =	vadd.f32 v20, v16;
	v30 =	vld [tilespmem:s16+$0xFFFFFFD0]  }
.Ltmp0:
0x49: {  	v16 =	vbroadcast v6, $0x1;
	v15 =	vadd.f32 v18, v15;
	v18 =	vmul.f32 v23, v24;
	v19 =	vld [tilespmem:s16+$0x20];
	(pc) =	sbr.rel @p0 .LBB2_2-.Ltmp0, $4  }
0x4a: {  	v22 =	vbroadcast v6, $0x3;
	v23 =	vbroadcast v6, $0xA;
	v24 =	vadd.f32 v17, v20;
	v21 =	vld [tilespmem:s16+$0xFFFFFFF0]  }
0x4b: {  	v33 =	vadd.f32 v18, v15;
	v27 =	vmul.f32 v27, v28;
	v20 =	vld [tilespmem:s16+$0x40];
	v15 =	vbroadcast v6, $0xE  }
0x4c: {  	v22 =	vmul.f32 v25, v22;
	v17 =	vbroadcast v6, $0xB;
	v28 =	vadd.f32 v26, v24;
	v25 =	vld [tilespmem:s16+$0x10]  }
0x4d: {  	v18 =	vmul.f32 v30, v31;
	v26 =	vadd.f32 v27, v33;
	v27 =	vmul.f32 v29, v32;
	v24 =	vld [tilespmem:s16+$0x60];
	s16 =	sadd.s32 $0x100, s16  }
0x4e: {  	v10 =	vadd.f32 v10, v28;
	v7 =	vmul.f32 v7, v16;
	_ =	sdelay $0x1  }
0x4f: {  	v7 =	vadd.f32 v7, v10;
	_ =	sdelay $0x1  }
0x50: {  	v7 =	vadd.f32 v22, v7;
	_ =	sdelay $0x1  }
0x51: {  	v10 =	vmul.f32 v21, v14;
	v7 =	vadd.f32 v18, v7;
	_ =	sdelay $0x1  }
0x52: {  	v11 =	vmul.f32 v25, v11;
	v7 =	vadd.f32 v10, v7  }
0x53: {  	v6 =	vbroadcast v6, $0xD;
	v5 =	vmul.f32 v5, v17  }
0x54: {  	v14 =	vadd.f32 v27, v26;
	v10 =	vmul.f32 v19, v23;
	v7 =	vadd.f32 v11, v7  }
0x55: {  	v9 =	vmul.f32 v20, v9  }
0x56: {  	v6 =	vmul.f32 v12, v6;
	v10 =	vadd.f32 v10, v14;
	v5 =	vadd.f32 v5, v7  }
0x57: {  	v8 =	vmul.f32 v8, v13  }
0x58: {  	v7 =	vmul.f32 v24, v15;
	v9 =	vadd.f32 v9, v10;
	v5 =	vadd.f32 v6, v5;
	_ =	sdelay $0x1  }
0x59: {  	v6 =	vadd.f32 v7, v9;
	v5 =	vadd.f32 v8, v5;
	_ =	sdelay $0x1  }
0x5a: {  	v5 =	vadd.f32 v5, v6;
	_ =	sdelay $0x1  }
0x5b: {  	v6 =	vperm.xlane v5, v0;
	_ =	sdelay $0x1  }
0x5c: {  	v6 =	vmax.f32 v5, v6  }
0x5d: {  	v7 =	vperm.xlane v6, v1;
	_ =	sdelay $0x1  }
0x5e: {  	v6 =	vmax.f32 v6, v7  }
0x5f: {  	v7 =	vperm.xlane v6, v2;
	_ =	sdelay $0x1  }
0x60: {  	v6 =	vmax.f32 v6, v7  }
0x61: {  	v7 =	vperm.xlane v6, v3;
	_ =	sdelay $0x1  }
0x62: {  	v6 =	vmax.f32 v6, v7  }
0x63: {  	v5 =	vsub.f32 v5, v6;
	_ =	sdelay $0x1  }
0x64: {  	v5 =	vmul.f32 $1.442695020e+00, v5;
	_ =	sdelay $0x1  }
0x65: {  	(erf) = vpow2.f32 v5;
	_ =	sdelay $0x8  }
0x66: {  	v5 =	vpop (erf)  }
0x67: {  	v6 =	vperm.xlane v5, v0;
	_ =	sdelay $0x1  }
0x68: {  	v6 =	vadd.f32 v5, v6;
	_ =	sdelay $0x1  }
0x69: {  	v7 =	vperm.xlane v6, v1;
	_ =	sdelay $0x1  }
0x6a: {  	v6 =	vadd.f32 v6, v7;
	_ =	sdelay $0x1  }
0x6b: {  	v7 =	vperm.xlane v6, v2;
	_ =	sdelay $0x1  }
0x6c: {  	v6 =	vadd.f32 v6, v7;
	_ =	sdelay $0x1  }
0x6d: {  	v7 =	vperm.xlane v6, v3;
	_ =	sdelay $0x1  }
0x6e: {  	v6 =	vadd.f32 v6, v7;
	_ =	sdelay $0x1  }
0x6f: {  	(erf) = vrcp.f32 v6;
	_ =	sdelay $0x8  }
0x70: {  	v6 =	vpop (erf)  }
0x71: {  	v5 =	vmul.f32 v6, v5;
	_ =	sdelay $0x1  }
0x72: {  	s15 =	simm.s32 $0x80;
	[tilespmem:$0xC010] =	vst v5  }
0x73: {  	s16 =	simm.s32 $0x0;
	v8 =	vld [tilespmem:s15+$0x30]  }
0x74: {  	v6 =	vld [tilespmem:s16+$0x8810]  }
0x75: {  	v7 =	vld [tilespmem:s15+$0xFFFFFF90]  }
0x76: {  	v5 =	vld [tilespmem:s15+$0xFFFFFF80]  }
0x77: {  	v9 =	vld [tilespmem:s15+$0xFFFFFFB0]  }
0x78: {  	v10 =	vld [tilespmem:s15+$0xFFFFFFA0]  }
0x79: {  	v11 =	vld [tilespmem:s15+$0x70]  }
0x7a: {  	v14 =	vld [tilespmem:s15+$0xFFFFFFC0];
	v12 =	vbroadcast v6, $0x0;
	v13 =	vbroadcast v6, $0xC  }
0x7b: {  	v18 =	vld [tilespmem:s15+$0xFFFFFFE0];
	v15 =	vbroadcast v6, $0x2;
	v16 =	vbroadcast v6, $0x9  }
0x7c: {  	v22 =	vld [tilespmem:s15+$0xFFFFFFD0];
	v19 =	vbroadcast v6, $0x4;
	v5 =	vmul.f32 v5, v12  }
0x7d: {  	v21 =	vld [tilespmem:s15+$0x0];
	v20 =	vbroadcast v6, $0x6;
	v23 =	vbroadcast v6, $0x5  }
0x7e: {  	v17 =	vld [tilespmem:s15+$0x50];
	v24 =	vbroadcast v6, $0x8;
	v10 =	vmul.f32 v10, v15;
	v5 =	vadd.f32 v5, v4  }
0x7f: {  	v25 =	vld [tilespmem:s15+$0x20];
	v26 =	vbroadcast v6, $0x1;
	v27 =	vbroadcast v6, $0xA  }
0x80: {  	v28 =	vld [tilespmem:s15+$0x40];
	v12 =	vbroadcast v6, $0x7;
	v5 =	vadd.f32 v10, v5;
	v10 =	vmul.f32 v14, v19  }
0x81: {  	v29 =	vld [tilespmem:s15+$0x60];
	v15 =	vbroadcast v6, $0xF;
	v22 =	vmul.f32 v22, v23  }
0x82: {  	v21 =	vmul.f32 v21, v24;
	v14 =	vld [tilespmem:s15+$0xFFFFFFF0];
	v5 =	vadd.f32 v10, v5;
	v10 =	vmul.f32 v18, v20  }
0x83: {  	s30 =	simm.s32 $0x180;
	v24 =	vbroadcast v6, $0xD;
	v19 =	vbroadcast v6, $0x3;
	v20 =	vld [tilespmem:s15+$0x10]  }
0x84: {  	s31 =	simm.s32 $0x10;
	v26 =	vmul.f32 v7, v26;
	v7 =	vld [tilespmem:s30+$0xFFFFFF90];
	v18 =	vbroadcast v6, $0xE;
	v10 =	vadd.f32 v10, v5  }
0x85: {  	v23 =	vimm.f32 $0.0e+00;
	v9 =	vmul.f32 v9, v19;
	v19 =	vbroadcast v6, $0xB;
	v6 =	vld [tilespmem:s31+$0x8810]  }
0x86: {  	v25 =	vmul.f32 v25, v27;
	v24 =	vmul.f32 v17, v24;
	v5 =	vld [tilespmem:s30+$0x30];
	v10 =	vadd.f32 v21, v10  }
0x87: {  	v27 =	vmul.f32 v14, v12;
	v12 =	vmul.f32 v28, v13;
	v13 =	vld [tilespmem:s30+$0xFFFFFF80];
	v14 =	vadd.f32 v26, v23  }
0x88: {  	v18 =	vmul.f32 v29, v18;
	v29 =	vld [tilespmem:s30+$0xFFFFFFD0];
	v16 =	vmul.f32 v20, v16;
	v17 =	vadd.f32 v25, v10  }
0x89: {  	v14 =	vadd.f32 v9, v14;
	v20 =	vmul.f32 v8, v19;
	v10 =	vmul.f32 v11, v15;
	v15 =	vld [tilespmem:s30+$0xFFFFFFA0]  }
0x8a: {  	v26 =	vld [tilespmem:s30+$0xFFFFFFE0];
	v9 =	vbroadcast v6, $0xC;
	v17 =	vadd.f32 v12, v17;
	v12 =	vbroadcast v6, $0x0  }
0x8b: {  	v21 =	vld [tilespmem:s30+$0xFFFFFFC0];
	v19 =	vbroadcast v6, $0x2;
	v28 =	vbroadcast v6, $0x6;
	v22 =	vadd.f32 v22, v14  }
0x8c: {  	v8 =	vld [tilespmem:s30+$0x70];
	v30 =	vbroadcast v6, $0x5;
	v13 =	vmul.f32 v13, v12;
	v17 =	vadd.f32 v18, v17  }
0x8d: {  	v31 =	vbroadcast v6, $0x8;
	v23 =	vbroadcast v6, $0xA;
	v22 =	vadd.f32 v27, v22;
	v27 =	vld [tilespmem:s30+$0x0]  }
0x8e: {  	v25 =	vld [tilespmem:s30+$0xFFFFFFB0];
	v18 =	vbroadcast v6, $0x4;
	v15 =	vmul.f32 v15, v19;
	v17 =	vadd.f32 v13, v17  }
0x8f: {  	v11 =	vbroadcast v6, $0x9;
	v14 =	vbroadcast v6, $0x7;
	v12 =	vld [tilespmem:s30+$0x50];
	v22 =	vadd.f32 v16, v22  }
0x90: {  	v26 =	vmul.f32 v26, v28;
	v19 =	vld [tilespmem:s30+$0x20];
	v15 =	vadd.f32 v15, v17;
	v17 =	vmul.f32 v21, v18  }
0x91: {  	v16 =	vbroadcast v6, $0x1;
	v32 =	vadd.f32 v20, v22;
	v18 =	vbroadcast v6, $0x3;
	v21 =	vld [tilespmem:s30+$0xFFFFFFF0]  }
0x92: {  	v13 =	vbroadcast v6, $0xF;
	v20 =	vld [tilespmem:s30+$0x40];
	v27 =	vmul.f32 v27, v31;
	v33 =	vadd.f32 v17, v15  }
0x93: {  	v28 =	vadd.f32 v24, v32;
	v15 =	vbroadcast v6, $0xE;
	v22 =	vmul.f32 v25, v18;
	v25 =	vld [tilespmem:s30+$0x10]  }
0x94: {  	s16 =	simm.s32 $0x280;
	s15 =	simm.s32 $0x80;
	v24 =	vld [tilespmem:s30+$0x60];
	v17 =	vbroadcast v6, $0xB;
	v18 =	vmul.f32 v29, v30;
	v26 =	vadd.f32 v26, v33  }
.LBB2_4:
0x95: {  	s17 =	sshra.s32 s15, $0x2;
	v29 =	vld [tilespmem:s16+$0x30];
	p0 =	sne.s32 s15, $0x1FC0;
	s15 =	sadd.s32 $0x40, s15;
	v19 =	vmul.f32 v19, v23;
	v23 =	vbroadcast v6, $0xD;
	v10 =	vadd.f32 v10, v28  }
0x96: {  	v16 =	vmul.f32 v7, v16;
	v6 =	vld [tilespmem:s17+$0x8810];
	v21 =	vmul.f32 v21, v14;
	v14 =	vadd.f32 v27, v26  }
0x97: {  	v7 =	vld [tilespmem:s16+$0xFFFFFF90];
	v9 =	vmul.f32 v20, v9;
	v26 =	vmul.f32 v12, v23  }
0x98: {  	v16 =	vadd.f32 v16, v10;
	v12 =	vld [tilespmem:s16+$0xFFFFFF80];
	v20 =	vmul.f32 v25, v11;
	v11 =	vadd.f32 v19, v14  }
0x99: {  	v10 =	vmul.f32 v8, v13;
	v25 =	vld [tilespmem:s16+$0xFFFFFFB0];
	v15 =	vmul.f32 v24, v15  }
0x9a: {  	v17 =	vmul.f32 v5, v17;
	v14 =	vadd.f32 v22, v16;
	v13 =	vld [tilespmem:s16+$0xFFFFFFA0];
	v16 =	vadd.f32 v9, v11;
	v5 =	vmovc v29  }
0x9b: {  	v19 =	vbroadcast v6, $0x0;
	v9 =	vbroadcast v6, $0xC;
	v8 =	vld [tilespmem:s16+$0x70]  }
0x9c: {  	v22 =	vbroadcast v6, $0x2;
	v11 =	vbroadcast v6, $0x9;
	v18 =	vadd.f32 v18, v14;
	v23 =	vld [tilespmem:s16+$0xFFFFFFC0]  }
0x9d: {  	v14 =	vbroadcast v6, $0x7;
	v15 =	vadd.f32 v15, v16;
	v19 =	vmul.f32 v12, v19;
	v12 =	vld [tilespmem:s16+$0x50]  }
0x9e: {  	v24 =	vbroadcast v6, $0x4;
	v28 =	vbroadcast v6, $0x6;
	v16 =	vadd.f32 v21, v18;
	v27 =	vld [tilespmem:s16+$0xFFFFFFE0]  }
0x9f: {  	v15 =	vadd.f32 v19, v15;
	v18 =	vmul.f32 v13, v22;
	v29 =	vld [tilespmem:s16+$0x0];
	v13 =	vbroadcast v6, $0xF  }
0xa0: {  	v31 =	vbroadcast v6, $0x5;
	v32 =	vbroadcast v6, $0x8;
	v20 =	vadd.f32 v20, v16;
	v30 =	vld [tilespmem:s16+$0xFFFFFFD0]  }
.Ltmp1:
0xa1: {  	v16 =	vbroadcast v6, $0x1;
	v15 =	vadd.f32 v18, v15;
	v18 =	vmul.f32 v23, v24;
	v19 =	vld [tilespmem:s16+$0x20];
	(pc) =	sbr.rel @p0 .LBB2_4-.Ltmp1, $4  }
0xa2: {  	v22 =	vbroadcast v6, $0x3;
	v23 =	vbroadcast v6, $0xA;
	v24 =	vadd.f32 v17, v20;
	v21 =	vld [tilespmem:s16+$0xFFFFFFF0]  }
0xa3: {  	v33 =	vadd.f32 v18, v15;
	v27 =	vmul.f32 v27, v28;
	v20 =	vld [tilespmem:s16+$0x40];
	v15 =	vbroadcast v6, $0xE  }
0xa4: {  	v22 =	vmul.f32 v25, v22;
	v17 =	vbroadcast v6, $0xB;
	v28 =	vadd.f32 v26, v24;
	v25 =	vld [tilespmem:s16+$0x10]  }
0xa5: {  	v18 =	vmul.f32 v30, v31;
	v26 =	vadd.f32 v27, v33;
	v27 =	vmul.f32 v29, v32;
	v24 =	vld [tilespmem:s16+$0x60];
	s16 =	sadd.s32 $0x100, s16  }
0xa6: {  	v10 =	vadd.f32 v10, v28;
	v7 =	vmul.f32 v7, v16;
	_ =	sdelay $0x1  }
0xa7: {  	v7 =	vadd.f32 v7, v10;
	_ =	sdelay $0x1  }
0xa8: {  	v7 =	vadd.f32 v22, v7;
	_ =	sdelay $0x1  }
0xa9: {  	v10 =	vmul.f32 v21, v14;
	v7 =	vadd.f32 v18, v7;
	_ =	sdelay $0x1  }
0xaa: {  	v11 =	vmul.f32 v25, v11;
	v7 =	vadd.f32 v10, v7  }
0xab: {  	v6 =	vbroadcast v6, $0xD;
	v5 =	vmul.f32 v5, v17  }
0xac: {  	v14 =	vadd.f32 v27, v26;
	v10 =	vmul.f32 v19, v23;
	v7 =	vadd.f32 v11, v7  }
0xad: {  	v9 =	vmul.f32 v20, v9  }
0xae: {  	v6 =	vmul.f32 v12, v6;
	v10 =	vadd.f32 v10, v14;
	v5 =	vadd.f32 v5, v7  }
0xaf: {  	v8 =	vmul.f32 v8, v13  }
0xb0: {  	v7 =	vmul.f32 v24, v15;
	v9 =	vadd.f32 v9, v10;
	v5 =	vadd.f32 v6, v5;
	_ =	sdelay $0x1  }
0xb1: {  	v6 =	vadd.f32 v7, v9;
	v5 =	vadd.f32 v8, v5;
	_ =	sdelay $0x1  }
0xb2: {  	v5 =	vadd.f32 v5, v6;
	_ =	sdelay $0x1  }
0xb3: {  	v6 =	vperm.xlane v5, v0;
	_ =	sdelay $0x1  }
0xb4: {  	v6 =	vmax.f32 v5, v6  }
0xb5: {  	v7 =	vperm.xlane v6, v1;
	_ =	sdelay $0x1  }
0xb6: {  	v6 =	vmax.f32 v6, v7  }
0xb7: {  	v7 =	vperm.xlane v6, v2;
	_ =	sdelay $0x1  }
0xb8: {  	v6 =	vmax.f32 v6, v7  }
0xb9: {  	v7 =	vperm.xlane v6, v3;
	_ =	sdelay $0x1  }
0xba: {  	v6 =	vmax.f32 v6, v7  }
0xbb: {  	v5 =	vsub.f32 v5, v6;
	_ =	sdelay $0x1  }
0xbc: {  	v5 =	vmul.f32 $1.442695020e+00, v5;
	_ =	sdelay $0x1  }
0xbd: {  	(erf) = vpow2.f32 v5;
	_ =	sdelay $0x8  }
0xbe: {  	v5 =	vpop (erf)  }
0xbf: {  	v6 =	vperm.xlane v5, v0;
	_ =	sdelay $0x1  }
0xc0: {  	v6 =	vadd.f32 v5, v6;
	_ =	sdelay $0x1  }
0xc1: {  	v7 =	vperm.xlane v6, v1;
	_ =	sdelay $0x1  }
0xc2: {  	v6 =	vadd.f32 v6, v7;
	_ =	sdelay $0x1  }
0xc3: {  	v7 =	vperm.xlane v6, v2;
	_ =	sdelay $0x1  }
0xc4: {  	v6 =	vadd.f32 v6, v7;
	_ =	sdelay $0x1  }
0xc5: {  	v7 =	vperm.xlane v6, v3;
	_ =	sdelay $0x1  }
0xc6: {  	v6 =	vadd.f32 v6, v7;
	_ =	sdelay $0x1  }
0xc7: {  	(erf) = vrcp.f32 v6;
	_ =	sdelay $0x8  }
0xc8: {  	v6 =	vpop (erf)  }
0xc9: {  	v5 =	vmul.f32 v6, v5;
	_ =	sdelay $0x1  }
0xca: {  	s15 =	simm.s32 $0x80;
	[tilespmem:$0xC020] =	vst v5  }
0xcb: {  	s16 =	simm.s32 $0x0;
	v8 =	vld [tilespmem:s15+$0x30]  }
0xcc: {  	v6 =	vld [tilespmem:s16+$0x9010]  }
0xcd: {  	v7 =	vld [tilespmem:s15+$0xFFFFFF90]  }
0xce: {  	v5 =	vld [tilespmem:s15+$0xFFFFFF80]  }
0xcf: {  	v9 =	vld [tilespmem:s15+$0xFFFFFFB0]  }
0xd0: {  	v10 =	vld [tilespmem:s15+$0xFFFFFFA0]  }
0xd1: {  	v11 =	vld [tilespmem:s15+$0x70]  }
0xd2: {  	v14 =	vld [tilespmem:s15+$0xFFFFFFC0];
	v12 =	vbroadcast v6, $0x0;
	v13 =	vbroadcast v6, $0xC  }
0xd3: {  	v18 =	vld [tilespmem:s15+$0xFFFFFFE0];
	v15 =	vbroadcast v6, $0x2;
	v16 =	vbroadcast v6, $0x9  }
0xd4: {  	v22 =	vld [tilespmem:s15+$0xFFFFFFD0];
	v19 =	vbroadcast v6, $0x4;
	v5 =	vmul.f32 v5, v12  }
0xd5: {  	v21 =	vld [tilespmem:s15+$0x0];
	v20 =	vbroadcast v6, $0x6;
	v23 =	vbroadcast v6, $0x5  }
0xd6: {  	v17 =	vld [tilespmem:s15+$0x50];
	v24 =	vbroadcast v6, $0x8;
	v10 =	vmul.f32 v10, v15;
	v5 =	vadd.f32 v5, v4  }
0xd7: {  	v25 =	vld [tilespmem:s15+$0x20];
	v26 =	vbroadcast v6, $0x1;
	v27 =	vbroadcast v6, $0xA  }
0xd8: {  	v28 =	vld [tilespmem:s15+$0x40];
	v12 =	vbroadcast v6, $0x7;
	v5 =	vadd.f32 v10, v5;
	v10 =	vmul.f32 v14, v19  }
0xd9: {  	v29 =	vld [tilespmem:s15+$0x60];
	v15 =	vbroadcast v6, $0xF;
	v22 =	vmul.f32 v22, v23  }
0xda: {  	v21 =	vmul.f32 v21, v24;
	v14 =	vld [tilespmem:s15+$0xFFFFFFF0];
	v5 =	vadd.f32 v10, v5;
	v10 =	vmul.f32 v18, v20  }
0xdb: {  	s30 =	simm.s32 $0x180;
	v24 =	vbroadcast v6, $0xD;
	v19 =	vbroadcast v6, $0x3;
	v20 =	vld [tilespmem:s15+$0x10]  }
0xdc: {  	s31 =	simm.s32 $0x10;
	v26 =	vmul.f32 v7, v26;
	v7 =	vld [tilespmem:s30+$0xFFFFFF90];
	v18 =	vbroadcast v6, $0xE;
	v10 =	vadd.f32 v10, v5  }
0xdd: {  	v23 =	vimm.f32 $0.0e+00;
	v9 =	vmul.f32 v9, v19;
	v19 =	vbroadcast v6, $0xB;
	v6 =	vld [tilespmem:s31+$0x9010]  }
0xde: {  	v25 =	vmul.f32 v25, v27;
	v24 =	vmul.f32 v17, v24;
	v5 =	vld [tilespmem:s30+$0x30];
	v10 =	vadd.f32 v21, v10  }
0xdf: {  	v27 =	vmul.f32 v14, v12;
	v12 =	vmul.f32 v28, v13;
	v13 =	vld [tilespmem:s30+$0xFFFFFF80];
	v14 =	vadd.f32 v26, v23  }
0xe0: {  	v18 =	vmul.f32 v29, v18;
	v29 =	vld [tilespmem:s30+$0xFFFFFFD0];
	v16 =	vmul.f32 v20, v16;
	v17 =	vadd.f32 v25, v10  }
0xe1: {  	v14 =	vadd.f32 v9, v14;
	v20 =	vmul.f32 v8, v19;
	v10 =	vmul.f32 v11, v15;
	v15 =	vld [tilespmem:s30+$0xFFFFFFA0]  }
0xe2: {  	v26 =	vld [tilespmem:s30+$0xFFFFFFE0];
	v9 =	vbroadcast v6, $0xC;
	v17 =	vadd.f32 v12, v17;
	v12 =	vbroadcast v6, $0x0  }
0xe3: {  	v21 =	vld [tilespmem:s30+$0xFFFFFFC0];
	v19 =	vbroadcast v6, $0x2;
	v28 =	vbroadcast v6, $0x6;
	v22 =	vadd.f32 v22, v14  }
0xe4: {  	v8 =	vld [tilespmem:s30+$0x70];
	v30 =	vbroadcast v6, $0x5;
	v13 =	vmul.f32 v13, v12;
	v17 =	vadd.f32 v18, v17  }
0xe5: {  	v31 =	vbroadcast v6, $0x8;
	v23 =	vbroadcast v6, $0xA;
	v22 =	vadd.f32 v27, v22;
	v27 =	vld [tilespmem:s30+$0x0]  }
0xe6: {  	v25 =	vld [tilespmem:s30+$0xFFFFFFB0];
	v18 =	vbroadcast v6, $0x4;
	v15 =	vmul.f32 v15, v19;
	v17 =	vadd.f32 v13, v17  }
0xe7: {  	v11 =	vbroadcast v6, $0x9;
	v14 =	vbroadcast v6, $0x7;
	v12 =	vld [tilespmem:s30+$0x50];
	v22 =	vadd.f32 v16, v22  }
0xe8: {  	v26 =	vmul.f32 v26, v28;
	v19 =	vld [tilespmem:s30+$0x20];
	v15 =	vadd.f32 v15, v17;
	v17 =	vmul.f32 v21, v18  }
0xe9: {  	v16 =	vbroadcast v6, $0x1;
	v32 =	vadd.f32 v20, v22;
	v18 =	vbroadcast v6, $0x3;
	v21 =	vld [tilespmem:s30+$0xFFFFFFF0]  }
0xea: {  	v13 =	vbroadcast v6, $0xF;
	v20 =	vld [tilespmem:s30+$0x40];
	v27 =	vmul.f32 v27, v31;
	v33 =	vadd.f32 v17, v15  }
0xeb: {  	v28 =	vadd.f32 v24, v32;
	v15 =	vbroadcast v6, $0xE;
	v22 =	vmul.f32 v25, v18;
	v25 =	vld [tilespmem:s30+$0x10]  }
0xec: {  	s16 =	simm.s32 $0x280;
	s15 =	simm.s32 $0x80;
	v24 =	vld [tilespmem:s30+$0x60];
	v17 =	vbroadcast v6, $0xB;
	v18 =	vmul.f32 v29, v30;
	v26 =	vadd.f32 v26, v33  }
.LBB2_6:
0xed: {  	s17 =	sshra.s32 s15, $0x2;
	v29 =	vld [tilespmem:s16+$0x30];
	p0 =	sne.s32 s15, $0x1FC0;
	s15 =	sadd.s32 $0x40, s15;
	v19 =	vmul.f32 v19, v23;
	v23 =	vbroadcast v6, $0xD;
	v10 =	vadd.f32 v10, v28  }
0xee: {  	v16 =	vmul.f32 v7, v16;
	v6 =	vld [tilespmem:s17+$0x9010];
	v21 =	vmul.f32 v21, v14;
	v14 =	vadd.f32 v27, v26  }
0xef: {  	v7 =	vld [tilespmem:s16+$0xFFFFFF90];
	v9 =	vmul.f32 v20, v9;
	v26 =	vmul.f32 v12, v23  }
0xf0: {  	v16 =	vadd.f32 v16, v10;
	v12 =	vld [tilespmem:s16+$0xFFFFFF80];
	v20 =	vmul.f32 v25, v11;
	v11 =	vadd.f32 v19, v14  }
0xf1: {  	v10 =	vmul.f32 v8, v13;
	v25 =	vld [tilespmem:s16+$0xFFFFFFB0];
	v15 =	vmul.f32 v24, v15  }
0xf2: {  	v17 =	vmul.f32 v5, v17;
	v14 =	vadd.f32 v22, v16;
	v13 =	vld [tilespmem:s16+$0xFFFFFFA0];
	v16 =	vadd.f32 v9, v11;
	v5 =	vmovc v29  }
0xf3: {  	v19 =	vbroadcast v6, $0x0;
	v9 =	vbroadcast v6, $0xC;
	v8 =	vld [tilespmem:s16+$0x70]  }
0xf4: {  	v22 =	vbroadcast v6, $0x2;
	v11 =	vbroadcast v6, $0x9;
	v18 =	vadd.f32 v18, v14;
	v23 =	vld [tilespmem:s16+$0xFFFFFFC0]  }
0xf5: {  	v14 =	vbroadcast v6, $0x7;
	v15 =	vadd.f32 v15, v16;
	v19 =	vmul.f32 v12, v19;
	v12 =	vld [tilespmem:s16+$0x50]  }
0xf6: {  	v24 =	vbroadcast v6, $0x4;
	v28 =	vbroadcast v6, $0x6;
	v16 =	vadd.f32 v21, v18;
	v27 =	vld [tilespmem:s16+$0xFFFFFFE0]  }
0xf7: {  	v15 =	vadd.f32 v19, v15;
	v18 =	vmul.f32 v13, v22;
	v29 =	vld [tilespmem:s16+$0x0];
	v13 =	vbroadcast v6, $0xF  }
0xf8: {  	v31 =	vbroadcast v6, $0x5;
	v32 =	vbroadcast v6, $0x8;
	v20 =	vadd.f32 v20, v16;
	v30 =	vld [tilespmem:s16+$0xFFFFFFD0]  }
.Ltmp2:
0xf9: {  	v16 =	vbroadcast v6, $0x1;
	v15 =	vadd.f32 v18, v15;
	v18 =	vmul.f32 v23, v24;
	v19 =	vld [tilespmem:s16+$0x20];
	(pc) =	sbr.rel @p0 .LBB2_6-.Ltmp2, $4  }
0xfa: {  	v22 =	vbroadcast v6, $0x3;
	v23 =	vbroadcast v6, $0xA;
	v24 =	vadd.f32 v17, v20;
	v21 =	vld [tilespmem:s16+$0xFFFFFFF0]  }
0xfb: {  	v33 =	vadd.f32 v18, v15;
	v27 =	vmul.f32 v27, v28;
	v20 =	vld [tilespmem:s16+$0x40];
	v15 =	vbroadcast v6, $0xE  }
0xfc: {  	v22 =	vmul.f32 v25, v22;
	v17 =	vbroadcast v6, $0xB;
	v28 =	vadd.f32 v26, v24;
	v25 =	vld [tilespmem:s16+$0x10]  }
0xfd: {  	v18 =	vmul.f32 v30, v31;
	v26 =	vadd.f32 v27, v33;
	v27 =	vmul.f32 v29, v32;
	v24 =	vld [tilespmem:s16+$0x60];
	s16 =	sadd.s32 $0x100, s16  }
0xfe: {  	v10 =	vadd.f32 v10, v28;
	v7 =	vmul.f32 v7, v16;
	_ =	sdelay $0x1  }
0xff: {  	v7 =	vadd.f32 v7, v10;
	_ =	sdelay $0x1  }
0x100: {  	v7 =	vadd.f32 v22, v7;
	_ =	sdelay $0x1  }
0x101: {  	v10 =	vmul.f32 v21, v14;
	v7 =	vadd.f32 v18, v7;
	_ =	sdelay $0x1  }
0x102: {  	v11 =	vmul.f32 v25, v11;
	v7 =	vadd.f32 v10, v7  }
0x103: {  	v6 =	vbroadcast v6, $0xD;
	v5 =	vmul.f32 v5, v17  }
0x104: {  	v14 =	vadd.f32 v27, v26;
	v10 =	vmul.f32 v19, v23;
	v7 =	vadd.f32 v11, v7  }
0x105: {  	v9 =	vmul.f32 v20, v9  }
0x106: {  	v6 =	vmul.f32 v12, v6;
	v10 =	vadd.f32 v10, v14;
	v5 =	vadd.f32 v5, v7  }
0x107: {  	v8 =	vmul.f32 v8, v13  }
0x108: {  	v7 =	vmul.f32 v24, v15;
	v9 =	vadd.f32 v9, v10;
	v5 =	vadd.f32 v6, v5;
	_ =	sdelay $0x1  }
0x109: {  	v6 =	vadd.f32 v7, v9;
	v5 =	vadd.f32 v8, v5;
	_ =	sdelay $0x1  }
0x10a: {  	v5 =	vadd.f32 v5, v6;
	_ =	sdelay $0x1  }
0x10b: {  	v6 =	vperm.xlane v5, v0;
	_ =	sdelay $0x1  }
0x10c: {  	v6 =	vmax.f32 v5, v6  }
0x10d: {  	v7 =	vperm.xlane v6, v1;
	_ =	sdelay $0x1  }
0x10e: {  	v6 =	vmax.f32 v6, v7  }
0x10f: {  	v7 =	vperm.xlane v6, v2;
	_ =	sdelay $0x1  }
0x110: {  	v6 =	vmax.f32 v6, v7  }
0x111: {  	v7 =	vperm.xlane v6, v3;
	_ =	sdelay $0x1  }
0x112: {  	v6 =	vmax.f32 v6, v7  }
0x113: {  	v5 =	vsub.f32 v5, v6;
	_ =	sdelay $0x1  }
0x114: {  	v5 =	vmul.f32 $1.442695020e+00, v5;
	_ =	sdelay $0x1  }
0x115: {  	(erf) = vpow2.f32 v5;
	_ =	sdelay $0x8  }
0x116: {  	v5 =	vpop (erf)  }
0x117: {  	v6 =	vperm.xlane v5, v0;
	_ =	sdelay $0x1  }
0x118: {  	v6 =	vadd.f32 v5, v6;
	_ =	sdelay $0x1  }
0x119: {  	v7 =	vperm.xlane v6, v1;
	_ =	sdelay $0x1  }
0x11a: {  	v6 =	vadd.f32 v6, v7;
	_ =	sdelay $0x1  }
0x11b: {  	v7 =	vperm.xlane v6, v2;
	_ =	sdelay $0x1  }
0x11c: {  	v6 =	vadd.f32 v6, v7;
	_ =	sdelay $0x1  }
0x11d: {  	v7 =	vperm.xlane v6, v3;
	_ =	sdelay $0x1  }
0x11e: {  	v6 =	vadd.f32 v6, v7;
	_ =	sdelay $0x1  }
0x11f: {  	(erf) = vrcp.f32 v6;
	_ =	sdelay $0x8  }
0x120: {  	v6 =	vpop (erf)  }
0x121: {  	v5 =	vmul.f32 v6, v5;
	_ =	sdelay $0x1  }
0x122: {  	s15 =	simm.s32 $0x80;
	[tilespmem:$0xC030] =	vst v5  }
0x123: {  	s16 =	simm.s32 $0x0;
	v8 =	vld [tilespmem:s15+$0x30]  }
0x124: {  	v6 =	vld [tilespmem:s16+$0x9810]  }
0x125: {  	v7 =	vld [tilespmem:s15+$0xFFFFFF90]  }
0x126: {  	v5 =	vld [tilespmem:s15+$0xFFFFFF80]  }
0x127: {  	v9 =	vld [tilespmem:s15+$0xFFFFFFB0]  }
0x128: {  	v10 =	vld [tilespmem:s15+$0xFFFFFFA0]  }
0x129: {  	v11 =	vld [tilespmem:s15+$0x70]  }
0x12a: {  	v14 =	vld [tilespmem:s15+$0xFFFFFFC0];
	v12 =	vbroadcast v6, $0x0;
	v13 =	vbroadcast v6, $0xC  }
0x12b: {  	v18 =	vld [tilespmem:s15+$0xFFFFFFE0];
	v15 =	vbroadcast v6, $0x2;
	v16 =	vbroadcast v6, $0x9  }
0x12c: {  	v22 =	vld [tilespmem:s15+$0xFFFFFFD0];
	v19 =	vbroadcast v6, $0x4;
	v5 =	vmul.f32 v5, v12  }
0x12d: {  	v21 =	vld [tilespmem:s15+$0x0];
	v20 =	vbroadcast v6, $0x6;
	v23 =	vbroadcast v6, $0x5  }
0x12e: {  	v17 =	vld [tilespmem:s15+$0x50];
	v24 =	vbroadcast v6, $0x8;
	v10 =	vmul.f32 v10, v15;
	v5 =	vadd.f32 v5, v4  }
0x12f: {  	v25 =	vld [tilespmem:s15+$0x20];
	v26 =	vbroadcast v6, $0x1;
	v27 =	vbroadcast v6, $0xA  }
0x130: {  	v28 =	vld [tilespmem:s15+$0x40];
	v12 =	vbroadcast v6, $0x7;
	v5 =	vadd.f32 v10, v5;
	v10 =	vmul.f32 v14, v19  }
0x131: {  	v29 =	vld [tilespmem:s15+$0x60];
	v15 =	vbroadcast v6, $0xF;
	v22 =	vmul.f32 v22, v23  }
0x132: {  	v21 =	vmul.f32 v21, v24;
	v14 =	vld [tilespmem:s15+$0xFFFFFFF0];
	v5 =	vadd.f32 v10, v5;
	v10 =	vmul.f32 v18, v20  }
0x133: {  	s30 =	simm.s32 $0x180;
	v24 =	vbroadcast v6, $0xD;
	v19 =	vbroadcast v6, $0x3;
	v20 =	vld [tilespmem:s15+$0x10]  }
0x134: {  	s31 =	simm.s32 $0x10;
	v26 =	vmul.f32 v7, v26;
	v7 =	vld [tilespmem:s30+$0xFFFFFF90];
	v18 =	vbroadcast v6, $0xE;
	v10 =	vadd.f32 v10, v5  }
0x135: {  	v23 =	vimm.f32 $0.0e+00;
	v9 =	vmul.f32 v9, v19;
	v19 =	vbroadcast v6, $0xB;
	v6 =	vld [tilespmem:s31+$0x9810]  }
0x136: {  	v25 =	vmul.f32 v25, v27;
	v24 =	vmul.f32 v17, v24;
	v5 =	vld [tilespmem:s30+$0x30];
	v10 =	vadd.f32 v21, v10  }
0x137: {  	v27 =	vmul.f32 v14, v12;
	v12 =	vmul.f32 v28, v13;
	v13 =	vld [tilespmem:s30+$0xFFFFFF80];
	v14 =	vadd.f32 v26, v23  }
0x138: {  	v18 =	vmul.f32 v29, v18;
	v29 =	vld [tilespmem:s30+$0xFFFFFFD0];
	v16 =	vmul.f32 v20, v16;
	v17 =	vadd.f32 v25, v10  }
0x139: {  	v14 =	vadd.f32 v9, v14;
	v20 =	vmul.f32 v8, v19;
	v10 =	vmul.f32 v11, v15;
	v15 =	vld [tilespmem:s30+$0xFFFFFFA0]  }
0x13a: {  	v26 =	vld [tilespmem:s30+$0xFFFFFFE0];
	v9 =	vbroadcast v6, $0xC;
	v17 =	vadd.f32 v12, v17;
	v12 =	vbroadcast v6, $0x0  }
0x13b: {  	v21 =	vld [tilespmem:s30+$0xFFFFFFC0];
	v19 =	vbroadcast v6, $0x2;
	v28 =	vbroadcast v6, $0x6;
	v22 =	vadd.f32 v22, v14  }
0x13c: {  	v8 =	vld [tilespmem:s30+$0x70];
	v30 =	vbroadcast v6, $0x5;
	v13 =	vmul.f32 v13, v12;
	v17 =	vadd.f32 v18, v17  }
0x13d: {  	v31 =	vbroadcast v6, $0x8;
	v23 =	vbroadcast v6, $0xA;
	v22 =	vadd.f32 v27, v22;
	v27 =	vld [tilespmem:s30+$0x0]  }
0x13e: {  	v25 =	vld [tilespmem:s30+$0xFFFFFFB0];
	v18 =	vbroadcast v6, $0x4;
	v15 =	vmul.f32 v15, v19;
	v17 =	vadd.f32 v13, v17  }
0x13f: {  	v11 =	vbroadcast v6, $0x9;
	v14 =	vbroadcast v6, $0x7;
	v12 =	vld [tilespmem:s30+$0x50];
	v22 =	vadd.f32 v16, v22  }
0x140: {  	v26 =	vmul.f32 v26, v28;
	v19 =	vld [tilespmem:s30+$0x20];
	v15 =	vadd.f32 v15, v17;
	v17 =	vmul.f32 v21, v18  }
0x141: {  	v16 =	vbroadcast v6, $0x1;
	v32 =	vadd.f32 v20, v22;
	v18 =	vbroadcast v6, $0x3;
	v21 =	vld [tilespmem:s30+$0xFFFFFFF0]  }
0x142: {  	v13 =	vbroadcast v6, $0xF;
	v20 =	vld [tilespmem:s30+$0x40];
	v27 =	vmul.f32 v27, v31;
	v33 =	vadd.f32 v17, v15  }
0x143: {  	v28 =	vadd.f32 v24, v32;
	v15 =	vbroadcast v6, $0xE;
	v22 =	vmul.f32 v25, v18;
	v25 =	vld [tilespmem:s30+$0x10]  }
0x144: {  	s16 =	simm.s32 $0x280;
	s15 =	simm.s32 $0x80;
	v24 =	vld [tilespmem:s30+$0x60];
	v17 =	vbroadcast v6, $0xB;
	v18 =	vmul.f32 v29, v30;
	v26 =	vadd.f32 v26, v33  }
.LBB2_8:
0x145: {  	s17 =	sshra.s32 s15, $0x2;
	v29 =	vld [tilespmem:s16+$0x30];
	p0 =	sne.s32 s15, $0x1FC0;
	s15 =	sadd.s32 $0x40, s15;
	v19 =	vmul.f32 v19, v23;
	v23 =	vbroadcast v6, $0xD;
	v10 =	vadd.f32 v10, v28  }
0x146: {  	v16 =	vmul.f32 v7, v16;
	v6 =	vld [tilespmem:s17+$0x9810];
	v21 =	vmul.f32 v21, v14;
	v14 =	vadd.f32 v27, v26  }
0x147: {  	v7 =	vld [tilespmem:s16+$0xFFFFFF90];
	v9 =	vmul.f32 v20, v9;
	v26 =	vmul.f32 v12, v23  }
0x148: {  	v16 =	vadd.f32 v16, v10;
	v12 =	vld [tilespmem:s16+$0xFFFFFF80];
	v20 =	vmul.f32 v25, v11;
	v11 =	vadd.f32 v19, v14  }
0x149: {  	v10 =	vmul.f32 v8, v13;
	v25 =	vld [tilespmem:s16+$0xFFFFFFB0];
	v15 =	vmul.f32 v24, v15  }
0x14a: {  	v17 =	vmul.f32 v5, v17;
	v14 =	vadd.f32 v22, v16;
	v13 =	vld [tilespmem:s16+$0xFFFFFFA0];
	v16 =	vadd.f32 v9, v11;
	v5 =	vmovc v29  }
0x14b: {  	v19 =	vbroadcast v6, $0x0;
	v9 =	vbroadcast v6, $0xC;
	v8 =	vld [tilespmem:s16+$0x70]  }
0x14c: {  	v22 =	vbroadcast v6, $0x2;
	v11 =	vbroadcast v6, $0x9;
	v18 =	vadd.f32 v18, v14;
	v23 =	vld [tilespmem:s16+$0xFFFFFFC0]  }
0x14d: {  	v14 =	vbroadcast v6, $0x7;
	v15 =	vadd.f32 v15, v16;
	v19 =	vmul.f32 v12, v19;
	v12 =	vld [tilespmem:s16+$0x50]  }
0x14e: {  	v24 =	vbroadcast v6, $0x4;
	v28 =	vbroadcast v6, $0x6;
	v16 =	vadd.f32 v21, v18;
	v27 =	vld [tilespmem:s16+$0xFFFFFFE0]  }
0x14f: {  	v15 =	vadd.f32 v19, v15;
	v18 =	vmul.f32 v13, v22;
	v29 =	vld [tilespmem:s16+$0x0];
	v13 =	vbroadcast v6, $0xF  }
0x150: {  	v31 =	vbroadcast v6, $0x5;
	v32 =	vbroadcast v6, $0x8;
	v20 =	vadd.f32 v20, v16;
	v30 =	vld [tilespmem:s16+$0xFFFFFFD0]  }
.Ltmp3:
0x151: {  	v16 =	vbroadcast v6, $0x1;
	v15 =	vadd.f32 v18, v15;
	v18 =	vmul.f32 v23, v24;
	v19 =	vld [tilespmem:s16+$0x20];
	(pc) =	sbr.rel @p0 .LBB2_8-.Ltmp3, $4  }
0x152: {  	v22 =	vbroadcast v6, $0x3;
	v23 =	vbroadcast v6, $0xA;
	v24 =	vadd.f32 v17, v20;
	v21 =	vld [tilespmem:s16+$0xFFFFFFF0]  }
0x153: {  	v33 =	vadd.f32 v18, v15;
	v27 =	vmul.f32 v27, v28;
	v20 =	vld [tilespmem:s16+$0x40];
	v15 =	vbroadcast v6, $0xE  }
0x154: {  	v22 =	vmul.f32 v25, v22;
	v17 =	vbroadcast v6, $0xB;
	v28 =	vadd.f32 v26, v24;
	v25 =	vld [tilespmem:s16+$0x10]  }
0x155: {  	v18 =	vmul.f32 v30, v31;
	v26 =	vadd.f32 v27, v33;
	v27 =	vmul.f32 v29, v32;
	v24 =	vld [tilespmem:s16+$0x60];
	s16 =	sadd.s32 $0x100, s16  }
0x156: {  	v10 =	vadd.f32 v10, v28;
	v7 =	vmul.f32 v7, v16;
	_ =	sdelay $0x1  }
0x157: {  	v7 =	vadd.f32 v7, v10;
	_ =	sdelay $0x1  }
0x158: {  	v7 =	vadd.f32 v22, v7;
	_ =	sdelay $0x1  }
0x159: {  	v10 =	vmul.f32 v21, v14;
	v7 =	vadd.f32 v18, v7;
	_ =	sdelay $0x1  }
0x15a: {  	v11 =	vmul.f32 v25, v11;
	v7 =	vadd.f32 v10, v7  }
0x15b: {  	v6 =	vbroadcast v6, $0xD;
	v5 =	vmul.f32 v5, v17  }
0x15c: {  	v14 =	vadd.f32 v27, v26;
	v10 =	vmul.f32 v19, v23;
	v7 =	vadd.f32 v11, v7  }
0x15d: {  	v9 =	vmul.f32 v20, v9  }
0x15e: {  	v6 =	vmul.f32 v12, v6;
	v10 =	vadd.f32 v10, v14;
	v5 =	vadd.f32 v5, v7  }
0x15f: {  	v8 =	vmul.f32 v8, v13  }
0x160: {  	v7 =	vmul.f32 v24, v15;
	v9 =	vadd.f32 v9, v10;
	v5 =	vadd.f32 v6, v5;
	_ =	sdelay $0x1  }
0x161: {  	v6 =	vadd.f32 v7, v9;
	v5 =	vadd.f32 v8, v5;
	_ =	sdelay $0x1  }
0x162: {  	v5 =	vadd.f32 v5, v6;
	_ =	sdelay $0x1  }
0x163: {  	v6 =	vperm.xlane v5, v0;
	_ =	sdelay $0x1  }
0x164: {  	v6 =	vmax.f32 v5, v6  }
0x165: {  	v7 =	vperm.xlane v6, v1;
	_ =	sdelay $0x1  }
0x166: {  	v6 =	vmax.f32 v6, v7  }
0x167: {  	v7 =	vperm.xlane v6, v2;
	_ =	sdelay $0x1  }
0x168: {  	v6 =	vmax.f32 v6, v7  }
0x169: {  	v7 =	vperm.xlane v6, v3;
	_ =	sdelay $0x1  }
0x16a: {  	v6 =	vmax.f32 v6, v7  }
0x16b: {  	v5 =	vsub.f32 v5, v6;
	_ =	sdelay $0x1  }
0x16c: {  	v5 =	vmul.f32 $1.442695020e+00, v5;
	_ =	sdelay $0x1  }
0x16d: {  	(erf) = vpow2.f32 v5;
	_ =	sdelay $0x8  }
0x16e: {  	v5 =	vpop (erf)  }
0x16f: {  	v6 =	vperm.xlane v5, v0;
	_ =	sdelay $0x1  }
0x170: {  	v6 =	vadd.f32 v5, v6;
	_ =	sdelay $0x1  }
0x171: {  	v7 =	vperm.xlane v6, v1;
	_ =	sdelay $0x1  }
0x172: {  	v6 =	vadd.f32 v6, v7;
	_ =	sdelay $0x1  }
0x173: {  	v7 =	vperm.xlane v6, v2;
	_ =	sdelay $0x1  }
0x174: {  	v6 =	vadd.f32 v6, v7;
	_ =	sdelay $0x1  }
0x175: {  	v7 =	vperm.xlane v6, v3;
	_ =	sdelay $0x1  }
0x176: {  	v6 =	vadd.f32 v6, v7;
	_ =	sdelay $0x1  }
0x177: {  	(erf) = vrcp.f32 v6;
	_ =	sdelay $0x8  }
0x178: {  	v6 =	vpop (erf)  }
0x179: {  	v5 =	vmul.f32 v6, v5;
	_ =	sdelay $0x1  }
0x17a: {  	s15 =	simm.s32 $0x80;
	[tilespmem:$0xC040] =	vst v5  }
0x17b: {  	s16 =	simm.s32 $0x0;
	v8 =	vld [tilespmem:s15+$0x30]  }
0x17c: {  	v6 =	vld [tilespmem:s16+$0xA010]  }
0x17d: {  	v7 =	vld [tilespmem:s15+$0xFFFFFF90]  }
0x17e: {  	v5 =	vld [tilespmem:s15+$0xFFFFFF80]  }
0x17f: {  	v9 =	vld [tilespmem:s15+$0xFFFFFFB0]  }
0x180: {  	v10 =	vld [tilespmem:s15+$0xFFFFFFA0]  }
0x181: {  	v11 =	vld [tilespmem:s15+$0x70]  }
0x182: {  	v14 =	vld [tilespmem:s15+$0xFFFFFFC0];
	v12 =	vbroadcast v6, $0x0;
	v13 =	vbroadcast v6, $0xC  }
0x183: {  	v18 =	vld [tilespmem:s15+$0xFFFFFFE0];
	v15 =	vbroadcast v6, $0x2;
	v16 =	vbroadcast v6, $0x9  }
0x184: {  	v22 =	vld [tilespmem:s15+$0xFFFFFFD0];
	v19 =	vbroadcast v6, $0x4;
	v5 =	vmul.f32 v5, v12  }
0x185: {  	v21 =	vld [tilespmem:s15+$0x0];
	v20 =	vbroadcast v6, $0x6;
	v23 =	vbroadcast v6, $0x5  }
0x186: {  	v17 =	vld [tilespmem:s15+$0x50];
	v24 =	vbroadcast v6, $0x8;
	v10 =	vmul.f32 v10, v15;
	v5 =	vadd.f32 v5, v4  }
0x187: {  	v25 =	vld [tilespmem:s15+$0x20];
	v26 =	vbroadcast v6, $0x1;
	v27 =	vbroadcast v6, $0xA  }
0x188: {  	v28 =	vld [tilespmem:s15+$0x40];
	v12 =	vbroadcast v6, $0x7;
	v5 =	vadd.f32 v10, v5;
	v10 =	vmul.f32 v14, v19  }
0x189: {  	v29 =	vld [tilespmem:s15+$0x60];
	v15 =	vbroadcast v6, $0xF;
	v22 =	vmul.f32 v22, v23  }
0x18a: {  	v21 =	vmul.f32 v21, v24;
	v14 =	vld [tilespmem:s15+$0xFFFFFFF0];
	v5 =	vadd.f32 v10, v5;
	v10 =	vmul.f32 v18, v20  }
0x18b: {  	s30 =	simm.s32 $0x180;
	v24 =	vbroadcast v6, $0xD;
	v19 =	vbroadcast v6, $0x3;
	v20 =	vld [tilespmem:s15+$0x10]  }
0x18c: {  	s31 =	simm.s32 $0x10;
	v26 =	vmul.f32 v7, v26;
	v7 =	vld [tilespmem:s30+$0xFFFFFF90];
	v18 =	vbroadcast v6, $0xE;
	v10 =	vadd.f32 v10, v5  }
0x18d: {  	v23 =	vimm.f32 $0.0e+00;
	v9 =	vmul.f32 v9, v19;
	v19 =	vbroadcast v6, $0xB;
	v6 =	vld [tilespmem:s31+$0xA010]  }
0x18e: {  	v25 =	vmul.f32 v25, v27;
	v24 =	vmul.f32 v17, v24;
	v5 =	vld [tilespmem:s30+$0x30];
	v10 =	vadd.f32 v21, v10  }
0x18f: {  	v27 =	vmul.f32 v14, v12;
	v12 =	vmul.f32 v28, v13;
	v13 =	vld [tilespmem:s30+$0xFFFFFF80];
	v14 =	vadd.f32 v26, v23  }
0x190: {  	v18 =	vmul.f32 v29, v18;
	v29 =	vld [tilespmem:s30+$0xFFFFFFD0];
	v16 =	vmul.f32 v20, v16;
	v17 =	vadd.f32 v25, v10  }
0x191: {  	v14 =	vadd.f32 v9, v14;
	v20 =	vmul.f32 v8, v19;
	v10 =	vmul.f32 v11, v15;
	v15 =	vld [tilespmem:s30+$0xFFFFFFA0]  }
0x192: {  	v26 =	vld [tilespmem:s30+$0xFFFFFFE0];
	v9 =	vbroadcast v6, $0xC;
	v17 =	vadd.f32 v12, v17;
	v12 =	vbroadcast v6, $0x0  }
0x193: {  	v21 =	vld [tilespmem:s30+$0xFFFFFFC0];
	v19 =	vbroadcast v6, $0x2;
	v28 =	vbroadcast v6, $0x6;
	v22 =	vadd.f32 v22, v14  }
0x194: {  	v8 =	vld [tilespmem:s30+$0x70];
	v30 =	vbroadcast v6, $0x5;
	v13 =	vmul.f32 v13, v12;
	v17 =	vadd.f32 v18, v17  }
0x195: {  	v31 =	vbroadcast v6, $0x8;
	v23 =	vbroadcast v6, $0xA;
	v22 =	vadd.f32 v27, v22;
	v27 =	vld [tilespmem:s30+$0x0]  }
0x196: {  	v25 =	vld [tilespmem:s30+$0xFFFFFFB0];
	v18 =	vbroadcast v6, $0x4;
	v15 =	vmul.f32 v15, v19;
	v17 =	vadd.f32 v13, v17  }
0x197: {  	v11 =	vbroadcast v6, $0x9;
	v14 =	vbroadcast v6, $0x7;
	v12 =	vld [tilespmem:s30+$0x50];
	v22 =	vadd.f32 v16, v22  }
0x198: {  	v26 =	vmul.f32 v26, v28;
	v19 =	vld [tilespmem:s30+$0x20];
	v15 =	vadd.f32 v15, v17;
	v17 =	vmul.f32 v21, v18  }
0x199: {  	v16 =	vbroadcast v6, $0x1;
	v32 =	vadd.f32 v20, v22;
	v18 =	vbroadcast v6, $0x3;
	v21 =	vld [tilespmem:s30+$0xFFFFFFF0]  }
0x19a: {  	v13 =	vbroadcast v6, $0xF;
	v20 =	vld [tilespmem:s30+$0x40];
	v27 =	vmul.f32 v27, v31;
	v33 =	vadd.f32 v17, v15  }
0x19b: {  	v28 =	vadd.f32 v24, v32;
	v15 =	vbroadcast v6, $0xE;
	v22 =	vmul.f32 v25, v18;
	v25 =	vld [tilespmem:s30+$0x10]  }
0x19c: {  	s16 =	simm.s32 $0x280;
	s15 =	simm.s32 $0x80;
	v24 =	vld [tilespmem:s30+$0x60];
	v17 =	vbroadcast v6, $0xB;
	v18 =	vmul.f32 v29, v30;
	v26 =	vadd.f32 v26, v33  }
.LBB2_10:
0x19d: {  	s17 =	sshra.s32 s15, $0x2;
	v29 =	vld [tilespmem:s16+$0x30];
	p0 =	sne.s32 s15, $0x1FC0;
	s15 =	sadd.s32 $0x40, s15;
	v19 =	vmul.f32 v19, v23;
	v23 =	vbroadcast v6, $0xD;
	v10 =	vadd.f32 v10, v28  }
0x19e: {  	v16 =	vmul.f32 v7, v16;
	v6 =	vld [tilespmem:s17+$0xA010];
	v21 =	vmul.f32 v21, v14;
	v14 =	vadd.f32 v27, v26  }
0x19f: {  	v7 =	vld [tilespmem:s16+$0xFFFFFF90];
	v9 =	vmul.f32 v20, v9;
	v26 =	vmul.f32 v12, v23  }
0x1a0: {  	v16 =	vadd.f32 v16, v10;
	v12 =	vld [tilespmem:s16+$0xFFFFFF80];
	v20 =	vmul.f32 v25, v11;
	v11 =	vadd.f32 v19, v14  }
0x1a1: {  	v10 =	vmul.f32 v8, v13;
	v25 =	vld [tilespmem:s16+$0xFFFFFFB0];
	v15 =	vmul.f32 v24, v15  }
0x1a2: {  	v17 =	vmul.f32 v5, v17;
	v14 =	vadd.f32 v22, v16;
	v13 =	vld [tilespmem:s16+$0xFFFFFFA0];
	v16 =	vadd.f32 v9, v11;
	v5 =	vmovc v29  }
0x1a3: {  	v19 =	vbroadcast v6, $0x0;
	v9 =	vbroadcast v6, $0xC;
	v8 =	vld [tilespmem:s16+$0x70]  }
0x1a4: {  	v22 =	vbroadcast v6, $0x2;
	v11 =	vbroadcast v6, $0x9;
	v18 =	vadd.f32 v18, v14;
	v23 =	vld [tilespmem:s16+$0xFFFFFFC0]  }
0x1a5: {  	v14 =	vbroadcast v6, $0x7;
	v15 =	vadd.f32 v15, v16;
	v19 =	vmul.f32 v12, v19;
	v12 =	vld [tilespmem:s16+$0x50]  }
0x1a6: {  	v24 =	vbroadcast v6, $0x4;
	v28 =	vbroadcast v6, $0x6;
	v16 =	vadd.f32 v21, v18;
	v27 =	vld [tilespmem:s16+$0xFFFFFFE0]  }
0x1a7: {  	v15 =	vadd.f32 v19, v15;
	v18 =	vmul.f32 v13, v22;
	v29 =	vld [tilespmem:s16+$0x0];
	v13 =	vbroadcast v6, $0xF  }
0x1a8: {  	v31 =	vbroadcast v6, $0x5;
	v32 =	vbroadcast v6, $0x8;
	v20 =	vadd.f32 v20, v16;
	v30 =	vld [tilespmem:s16+$0xFFFFFFD0]  }
.Ltmp4:
0x1a9: {  	v16 =	vbroadcast v6, $0x1;
	v15 =	vadd.f32 v18, v15;
	v18 =	vmul.f32 v23, v24;
	v19 =	vld [tilespmem:s16+$0x20];
	(pc) =	sbr.rel @p0 .LBB2_10-.Ltmp4, $4  }
0x1aa: {  	v22 =	vbroadcast v6, $0x3;
	v23 =	vbroadcast v6, $0xA;
	v24 =	vadd.f32 v17, v20;
	v21 =	vld [tilespmem:s16+$0xFFFFFFF0]  }
0x1ab: {  	v33 =	vadd.f32 v18, v15;
	v27 =	vmul.f32 v27, v28;
	v20 =	vld [tilespmem:s16+$0x40];
	v15 =	vbroadcast v6, $0xE  }
0x1ac: {  	v22 =	vmul.f32 v25, v22;
	v17 =	vbroadcast v6, $0xB;
	v28 =	vadd.f32 v26, v24;
	v25 =	vld [tilespmem:s16+$0x10]  }
0x1ad: {  	v18 =	vmul.f32 v30, v31;
	v26 =	vadd.f32 v27, v33;
	v27 =	vmul.f32 v29, v32;
	v24 =	vld [tilespmem:s16+$0x60];
	s16 =	sadd.s32 $0x100, s16  }
0x1ae: {  	v10 =	vadd.f32 v10, v28;
	v7 =	vmul.f32 v7, v16;
	_ =	sdelay $0x1  }
0x1af: {  	v7 =	vadd.f32 v7, v10;
	_ =	sdelay $0x1  }
0x1b0: {  	v7 =	vadd.f32 v22, v7;
	_ =	sdelay $0x1  }
0x1b1: {  	v10 =	vmul.f32 v21, v14;
	v7 =	vadd.f32 v18, v7;
	_ =	sdelay $0x1  }
0x1b2: {  	v11 =	vmul.f32 v25, v11;
	v7 =	vadd.f32 v10, v7  }
0x1b3: {  	v6 =	vbroadcast v6, $0xD;
	v5 =	vmul.f32 v5, v17  }
0x1b4: {  	v14 =	vadd.f32 v27, v26;
	v10 =	vmul.f32 v19, v23;
	v7 =	vadd.f32 v11, v7  }
0x1b5: {  	v9 =	vmul.f32 v20, v9  }
0x1b6: {  	v6 =	vmul.f32 v12, v6;
	v10 =	vadd.f32 v10, v14;
	v5 =	vadd.f32 v5, v7  }
0x1b7: {  	v8 =	vmul.f32 v8, v13  }
0x1b8: {  	v7 =	vmul.f32 v24, v15;
	v9 =	vadd.f32 v9, v10;
	v5 =	vadd.f32 v6, v5;
	_ =	sdelay $0x1  }
0x1b9: {  	v6 =	vadd.f32 v7, v9;
	v5 =	vadd.f32 v8, v5;
	_ =	sdelay $0x1  }
0x1ba: {  	v5 =	vadd.f32 v5, v6;
	_ =	sdelay $0x1  }
0x1bb: {  	v6 =	vperm.xlane v5, v0;
	_ =	sdelay $0x1  }
0x1bc: {  	v6 =	vmax.f32 v5, v6  }
0x1bd: {  	v7 =	vperm.xlane v6, v1;
	_ =	sdelay $0x1  }
0x1be: {  	v6 =	vmax.f32 v6, v7  }
0x1bf: {  	v7 =	vperm.xlane v6, v2;
	_ =	sdelay $0x1  }
0x1c0: {  	v6 =	vmax.f32 v6, v7  }
0x1c1: {  	v7 =	vperm.xlane v6, v3;
	_ =	sdelay $0x1  }
0x1c2: {  	v6 =	vmax.f32 v6, v7  }
0x1c3: {  	v5 =	vsub.f32 v5, v6;
	_ =	sdelay $0x1  }
0x1c4: {  	v5 =	vmul.f32 $1.442695020e+00, v5;
	_ =	sdelay $0x1  }
0x1c5: {  	(erf) = vpow2.f32 v5;
	_ =	sdelay $0x8  }
0x1c6: {  	v5 =	vpop (erf)  }
0x1c7: {  	v6 =	vperm.xlane v5, v0;
	_ =	sdelay $0x1  }
0x1c8: {  	v6 =	vadd.f32 v5, v6;
	_ =	sdelay $0x1  }
0x1c9: {  	v7 =	vperm.xlane v6, v1;
	_ =	sdelay $0x1  }
0x1ca: {  	v6 =	vadd.f32 v6, v7;
	_ =	sdelay $0x1  }
0x1cb: {  	v7 =	vperm.xlane v6, v2;
	_ =	sdelay $0x1  }
0x1cc: {  	v6 =	vadd.f32 v6, v7;
	_ =	sdelay $0x1  }
0x1cd: {  	v7 =	vperm.xlane v6, v3;
	_ =	sdelay $0x1  }
0x1ce: {  	v6 =	vadd.f32 v6, v7;
	_ =	sdelay $0x1  }
0x1cf: {  	(erf) = vrcp.f32 v6;
	_ =	sdelay $0x8  }
0x1d0: {  	v6 =	vpop (erf)  }
0x1d1: {  	v5 =	vmul.f32 v6, v5;
	_ =	sdelay $0x1  }
0x1d2: {  	s15 =	simm.s32 $0x80;
	[tilespmem:$0xC050] =	vst v5  }
0x1d3: {  	s16 =	simm.s32 $0x0;
	v8 =	vld [tilespmem:s15+$0x30]  }
0x1d4: {  	v6 =	vld [tilespmem:s16+$0xA810]  }
0x1d5: {  	v7 =	vld [tilespmem:s15+$0xFFFFFF90]  }
0x1d6: {  	v5 =	vld [tilespmem:s15+$0xFFFFFF80]  }
0x1d7: {  	v9 =	vld [tilespmem:s15+$0xFFFFFFB0]  }
0x1d8: {  	v10 =	vld [tilespmem:s15+$0xFFFFFFA0]  }
0x1d9: {  	v11 =	vld [tilespmem:s15+$0x70]  }
0x1da: {  	v14 =	vld [tilespmem:s15+$0xFFFFFFC0];
	v12 =	vbroadcast v6, $0x0;
	v13 =	vbroadcast v6, $0xC  }
0x1db: {  	v18 =	vld [tilespmem:s15+$0xFFFFFFE0];
	v15 =	vbroadcast v6, $0x2;
	v16 =	vbroadcast v6, $0x9  }
0x1dc: {  	v22 =	vld [tilespmem:s15+$0xFFFFFFD0];
	v19 =	vbroadcast v6, $0x4;
	v5 =	vmul.f32 v5, v12  }
0x1dd: {  	v21 =	vld [tilespmem:s15+$0x0];
	v20 =	vbroadcast v6, $0x6;
	v23 =	vbroadcast v6, $0x5  }
0x1de: {  	v17 =	vld [tilespmem:s15+$0x50];
	v24 =	vbroadcast v6, $0x8;
	v10 =	vmul.f32 v10, v15;
	v5 =	vadd.f32 v5, v4  }
0x1df: {  	v25 =	vld [tilespmem:s15+$0x20];
	v26 =	vbroadcast v6, $0x1;
	v27 =	vbroadcast v6, $0xA  }
0x1e0: {  	v28 =	vld [tilespmem:s15+$0x40];
	v12 =	vbroadcast v6, $0x7;
	v5 =	vadd.f32 v10, v5;
	v10 =	vmul.f32 v14, v19  }
0x1e1: {  	v29 =	vld [tilespmem:s15+$0x60];
	v15 =	vbroadcast v6, $0xF;
	v22 =	vmul.f32 v22, v23  }
0x1e2: {  	v21 =	vmul.f32 v21, v24;
	v14 =	vld [tilespmem:s15+$0xFFFFFFF0];
	v5 =	vadd.f32 v10, v5;
	v10 =	vmul.f32 v18, v20  }
0x1e3: {  	s30 =	simm.s32 $0x180;
	v24 =	vbroadcast v6, $0xD;
	v19 =	vbroadcast v6, $0x3;
	v20 =	vld [tilespmem:s15+$0x10]  }
0x1e4: {  	s31 =	simm.s32 $0x10;
	v26 =	vmul.f32 v7, v26;
	v7 =	vld [tilespmem:s30+$0xFFFFFF90];
	v18 =	vbroadcast v6, $0xE;
	v10 =	vadd.f32 v10, v5  }
0x1e5: {  	v23 =	vimm.f32 $0.0e+00;
	v9 =	vmul.f32 v9, v19;
	v19 =	vbroadcast v6, $0xB;
	v6 =	vld [tilespmem:s31+$0xA810]  }
0x1e6: {  	v25 =	vmul.f32 v25, v27;
	v24 =	vmul.f32 v17, v24;
	v5 =	vld [tilespmem:s30+$0x30];
	v10 =	vadd.f32 v21, v10  }
0x1e7: {  	v27 =	vmul.f32 v14, v12;
	v12 =	vmul.f32 v28, v13;
	v13 =	vld [tilespmem:s30+$0xFFFFFF80];
	v14 =	vadd.f32 v26, v23  }
0x1e8: {  	v18 =	vmul.f32 v29, v18;
	v29 =	vld [tilespmem:s30+$0xFFFFFFD0];
	v16 =	vmul.f32 v20, v16;
	v17 =	vadd.f32 v25, v10  }
0x1e9: {  	v14 =	vadd.f32 v9, v14;
	v20 =	vmul.f32 v8, v19;
	v10 =	vmul.f32 v11, v15;
	v15 =	vld [tilespmem:s30+$0xFFFFFFA0]  }
0x1ea: {  	v26 =	vld [tilespmem:s30+$0xFFFFFFE0];
	v9 =	vbroadcast v6, $0xC;
	v17 =	vadd.f32 v12, v17;
	v12 =	vbroadcast v6, $0x0  }
0x1eb: {  	v21 =	vld [tilespmem:s30+$0xFFFFFFC0];
	v19 =	vbroadcast v6, $0x2;
	v28 =	vbroadcast v6, $0x6;
	v22 =	vadd.f32 v22, v14  }
0x1ec: {  	v8 =	vld [tilespmem:s30+$0x70];
	v30 =	vbroadcast v6, $0x5;
	v13 =	vmul.f32 v13, v12;
	v17 =	vadd.f32 v18, v17  }
0x1ed: {  	v31 =	vbroadcast v6, $0x8;
	v23 =	vbroadcast v6, $0xA;
	v22 =	vadd.f32 v27, v22;
	v27 =	vld [tilespmem:s30+$0x0]  }
0x1ee: {  	v25 =	vld [tilespmem:s30+$0xFFFFFFB0];
	v18 =	vbroadcast v6, $0x4;
	v15 =	vmul.f32 v15, v19;
	v17 =	vadd.f32 v13, v17  }
0x1ef: {  	v11 =	vbroadcast v6, $0x9;
	v14 =	vbroadcast v6, $0x7;
	v12 =	vld [tilespmem:s30+$0x50];
	v22 =	vadd.f32 v16, v22  }
0x1f0: {  	v26 =	vmul.f32 v26, v28;
	v19 =	vld [tilespmem:s30+$0x20];
	v15 =	vadd.f32 v15, v17;
	v17 =	vmul.f32 v21, v18  }
0x1f1: {  	v16 =	vbroadcast v6, $0x1;
	v32 =	vadd.f32 v20, v22;
	v18 =	vbroadcast v6, $0x3;
	v21 =	vld [tilespmem:s30+$0xFFFFFFF0]  }
0x1f2: {  	v13 =	vbroadcast v6, $0xF;
	v20 =	vld [tilespmem:s30+$0x40];
	v27 =	vmul.f32 v27, v31;
	v33 =	vadd.f32 v17, v15  }
0x1f3: {  	v28 =	vadd.f32 v24, v32;
	v15 =	vbroadcast v6, $0xE;
	v22 =	vmul.f32 v25, v18;
	v25 =	vld [tilespmem:s30+$0x10]  }
0x1f4: {  	s16 =	simm.s32 $0x280;
	s15 =	simm.s32 $0x80;
	v24 =	vld [tilespmem:s30+$0x60];
	v17 =	vbroadcast v6, $0xB;
	v18 =	vmul.f32 v29, v30;
	v26 =	vadd.f32 v26, v33  }
.LBB2_12:
0x1f5: {  	s17 =	sshra.s32 s15, $0x2;
	v29 =	vld [tilespmem:s16+$0x30];
	p0 =	sne.s32 s15, $0x1FC0;
	s15 =	sadd.s32 $0x40, s15;
	v19 =	vmul.f32 v19, v23;
	v23 =	vbroadcast v6, $0xD;
	v10 =	vadd.f32 v10, v28  }
0x1f6: {  	v16 =	vmul.f32 v7, v16;
	v6 =	vld [tilespmem:s17+$0xA810];
	v21 =	vmul.f32 v21, v14;
	v14 =	vadd.f32 v27, v26  }
0x1f7: {  	v7 =	vld [tilespmem:s16+$0xFFFFFF90];
	v9 =	vmul.f32 v20, v9;
	v26 =	vmul.f32 v12, v23  }
0x1f8: {  	v16 =	vadd.f32 v16, v10;
	v12 =	vld [tilespmem:s16+$0xFFFFFF80];
	v20 =	vmul.f32 v25, v11;
	v11 =	vadd.f32 v19, v14  }
0x1f9: {  	v10 =	vmul.f32 v8, v13;
	v25 =	vld [tilespmem:s16+$0xFFFFFFB0];
	v15 =	vmul.f32 v24, v15  }
0x1fa: {  	v17 =	vmul.f32 v5, v17;
	v14 =	vadd.f32 v22, v16;
	v13 =	vld [tilespmem:s16+$0xFFFFFFA0];
	v16 =	vadd.f32 v9, v11;
	v5 =	vmovc v29  }
0x1fb: {  	v19 =	vbroadcast v6, $0x0;
	v9 =	vbroadcast v6, $0xC;
	v8 =	vld [tilespmem:s16+$0x70]  }
0x1fc: {  	v22 =	vbroadcast v6, $0x2;
	v11 =	vbroadcast v6, $0x9;
	v18 =	vadd.f32 v18, v14;
	v23 =	vld [tilespmem:s16+$0xFFFFFFC0]  }
0x1fd: {  	v14 =	vbroadcast v6, $0x7;
	v15 =	vadd.f32 v15, v16;
	v19 =	vmul.f32 v12, v19;
	v12 =	vld [tilespmem:s16+$0x50]  }
0x1fe: {  	v24 =	vbroadcast v6, $0x4;
	v28 =	vbroadcast v6, $0x6;
	v16 =	vadd.f32 v21, v18;
	v27 =	vld [tilespmem:s16+$0xFFFFFFE0]  }
0x1ff: {  	v15 =	vadd.f32 v19, v15;
	v18 =	vmul.f32 v13, v22;
	v29 =	vld [tilespmem:s16+$0x0];
	v13 =	vbroadcast v6, $0xF  }
0x200: {  	v31 =	vbroadcast v6, $0x5;
	v32 =	vbroadcast v6, $0x8;
	v20 =	vadd.f32 v20, v16;
	v30 =	vld [tilespmem:s16+$0xFFFFFFD0]  }
.Ltmp5:
0x201: {  	v16 =	vbroadcast v6, $0x1;
	v15 =	vadd.f32 v18, v15;
	v18 =	vmul.f32 v23, v24;
	v19 =	vld [tilespmem:s16+$0x20];
	(pc) =	sbr.rel @p0 .LBB2_12-.Ltmp5, $4  }
0x202: {  	v22 =	vbroadcast v6, $0x3;
	v23 =	vbroadcast v6, $0xA;
	v24 =	vadd.f32 v17, v20;
	v21 =	vld [tilespmem:s16+$0xFFFFFFF0]  }
0x203: {  	v33 =	vadd.f32 v18, v15;
	v27 =	vmul.f32 v27, v28;
	v20 =	vld [tilespmem:s16+$0x40];
	v15 =	vbroadcast v6, $0xE  }
0x204: {  	v22 =	vmul.f32 v25, v22;
	v17 =	vbroadcast v6, $0xB;
	v28 =	vadd.f32 v26, v24;
	v25 =	vld [tilespmem:s16+$0x10]  }
0x205: {  	v18 =	vmul.f32 v30, v31;
	v26 =	vadd.f32 v27, v33;
	v27 =	vmul.f32 v29, v32;
	v24 =	vld [tilespmem:s16+$0x60];
	s16 =	sadd.s32 $0x100, s16  }
0x206: {  	v10 =	vadd.f32 v10, v28;
	v7 =	vmul.f32 v7, v16;
	_ =	sdelay $0x1  }
0x207: {  	v7 =	vadd.f32 v7, v10;
	_ =	sdelay $0x1  }
0x208: {  	v7 =	vadd.f32 v22, v7;
	_ =	sdelay $0x1  }
0x209: {  	v10 =	vmul.f32 v21, v14;
	v7 =	vadd.f32 v18, v7;
	_ =	sdelay $0x1  }
0x20a: {  	v11 =	vmul.f32 v25, v11;
	v7 =	vadd.f32 v10, v7  }
0x20b: {  	v6 =	vbroadcast v6, $0xD;
	v5 =	vmul.f32 v5, v17  }
0x20c: {  	v14 =	vadd.f32 v27, v26;
	v10 =	vmul.f32 v19, v23;
	v7 =	vadd.f32 v11, v7  }
0x20d: {  	v9 =	vmul.f32 v20, v9  }
0x20e: {  	v6 =	vmul.f32 v12, v6;
	v10 =	vadd.f32 v10, v14;
	v5 =	vadd.f32 v5, v7  }
0x20f: {  	v8 =	vmul.f32 v8, v13  }
0x210: {  	v7 =	vmul.f32 v24, v15;
	v9 =	vadd.f32 v9, v10;
	v5 =	vadd.f32 v6, v5;
	_ =	sdelay $0x1  }
0x211: {  	v6 =	vadd.f32 v7, v9;
	v5 =	vadd.f32 v8, v5;
	_ =	sdelay $0x1  }
0x212: {  	v5 =	vadd.f32 v5, v6;
	_ =	sdelay $0x1  }
0x213: {  	v6 =	vperm.xlane v5, v0;
	_ =	sdelay $0x1  }
0x214: {  	v6 =	vmax.f32 v5, v6  }
0x215: {  	v7 =	vperm.xlane v6, v1;
	_ =	sdelay $0x1  }
0x216: {  	v6 =	vmax.f32 v6, v7  }
0x217: {  	v7 =	vperm.xlane v6, v2;
	_ =	sdelay $0x1  }
0x218: {  	v6 =	vmax.f32 v6, v7  }
0x219: {  	v7 =	vperm.xlane v6, v3;
	_ =	sdelay $0x1  }
0x21a: {  	v6 =	vmax.f32 v6, v7  }
0x21b: {  	v5 =	vsub.f32 v5, v6;
	_ =	sdelay $0x1  }
0x21c: {  	v5 =	vmul.f32 $1.442695020e+00, v5;
	_ =	sdelay $0x1  }
0x21d: {  	(erf) = vpow2.f32 v5;
	_ =	sdelay $0x8  }
0x21e: {  	v5 =	vpop (erf)  }
0x21f: {  	v6 =	vperm.xlane v5, v0;
	_ =	sdelay $0x1  }
0x220: {  	v6 =	vadd.f32 v5, v6;
	_ =	sdelay $0x1  }
0x221: {  	v7 =	vperm.xlane v6, v1;
	_ =	sdelay $0x1  }
0x222: {  	v6 =	vadd.f32 v6, v7;
	_ =	sdelay $0x1  }
0x223: {  	v7 =	vperm.xlane v6, v2;
	_ =	sdelay $0x1  }
0x224: {  	v6 =	vadd.f32 v6, v7;
	_ =	sdelay $0x1  }
0x225: {  	v7 =	vperm.xlane v6, v3;
	_ =	sdelay $0x1  }
0x226: {  	v6 =	vadd.f32 v6, v7;
	_ =	sdelay $0x1  }
0x227: {  	(erf) = vrcp.f32 v6;
	_ =	sdelay $0x8  }
0x228: {  	v6 =	vpop (erf)  }
0x229: {  	v5 =	vmul.f32 v6, v5;
	_ =	sdelay $0x1  }
0x22a: {  	s15 =	simm.s32 $0x80;
	[tilespmem:$0xC060] =	vst v5  }
0x22b: {  	s16 =	simm.s32 $0x0;
	v8 =	vld [tilespmem:s15+$0x30]  }
0x22c: {  	v6 =	vld [tilespmem:s16+$0xB010]  }
0x22d: {  	v7 =	vld [tilespmem:s15+$0xFFFFFF90]  }
0x22e: {  	v5 =	vld [tilespmem:s15+$0xFFFFFF80]  }
0x22f: {  	v9 =	vld [tilespmem:s15+$0xFFFFFFB0]  }
0x230: {  	v10 =	vld [tilespmem:s15+$0xFFFFFFA0]  }
0x231: {  	v11 =	vld [tilespmem:s15+$0x70]  }
0x232: {  	v14 =	vld [tilespmem:s15+$0xFFFFFFC0];
	v12 =	vbroadcast v6, $0x0;
	v13 =	vbroadcast v6, $0xC  }
0x233: {  	v18 =	vld [tilespmem:s15+$0xFFFFFFE0];
	v15 =	vbroadcast v6, $0x2;
	v16 =	vbroadcast v6, $0x9  }
0x234: {  	v22 =	vld [tilespmem:s15+$0xFFFFFFD0];
	v19 =	vbroadcast v6, $0x4;
	v5 =	vmul.f32 v5, v12  }
0x235: {  	v21 =	vld [tilespmem:s15+$0x0];
	v20 =	vbroadcast v6, $0x6;
	v23 =	vbroadcast v6, $0x5  }
0x236: {  	v17 =	vld [tilespmem:s15+$0x50];
	v24 =	vbroadcast v6, $0x8;
	v10 =	vmul.f32 v10, v15;
	v5 =	vadd.f32 v5, v4  }
0x237: {  	v25 =	vld [tilespmem:s15+$0x20];
	v26 =	vbroadcast v6, $0x1;
	v27 =	vbroadcast v6, $0xA  }
0x238: {  	v28 =	vld [tilespmem:s15+$0x40];
	v12 =	vbroadcast v6, $0x7;
	v5 =	vadd.f32 v10, v5;
	v10 =	vmul.f32 v14, v19  }
0x239: {  	v29 =	vld [tilespmem:s15+$0x60];
	v15 =	vbroadcast v6, $0xF;
	v22 =	vmul.f32 v22, v23  }
0x23a: {  	v21 =	vmul.f32 v21, v24;
	v14 =	vld [tilespmem:s15+$0xFFFFFFF0];
	v5 =	vadd.f32 v10, v5;
	v10 =	vmul.f32 v18, v20  }
0x23b: {  	s30 =	simm.s32 $0x180;
	v24 =	vbroadcast v6, $0xD;
	v19 =	vbroadcast v6, $0x3;
	v20 =	vld [tilespmem:s15+$0x10]  }
0x23c: {  	s31 =	simm.s32 $0x10;
	v26 =	vmul.f32 v7, v26;
	v7 =	vld [tilespmem:s30+$0xFFFFFF90];
	v18 =	vbroadcast v6, $0xE;
	v10 =	vadd.f32 v10, v5  }
0x23d: {  	v23 =	vimm.f32 $0.0e+00;
	v9 =	vmul.f32 v9, v19;
	v19 =	vbroadcast v6, $0xB;
	v6 =	vld [tilespmem:s31+$0xB010]  }
0x23e: {  	v25 =	vmul.f32 v25, v27;
	v24 =	vmul.f32 v17, v24;
	v5 =	vld [tilespmem:s30+$0x30];
	v10 =	vadd.f32 v21, v10  }
0x23f: {  	v27 =	vmul.f32 v14, v12;
	v12 =	vmul.f32 v28, v13;
	v13 =	vld [tilespmem:s30+$0xFFFFFF80];
	v14 =	vadd.f32 v26, v23  }
0x240: {  	v18 =	vmul.f32 v29, v18;
	v29 =	vld [tilespmem:s30+$0xFFFFFFD0];
	v16 =	vmul.f32 v20, v16;
	v17 =	vadd.f32 v25, v10  }
0x241: {  	v14 =	vadd.f32 v9, v14;
	v20 =	vmul.f32 v8, v19;
	v10 =	vmul.f32 v11, v15;
	v15 =	vld [tilespmem:s30+$0xFFFFFFA0]  }
0x242: {  	v26 =	vld [tilespmem:s30+$0xFFFFFFE0];
	v9 =	vbroadcast v6, $0xC;
	v17 =	vadd.f32 v12, v17;
	v12 =	vbroadcast v6, $0x0  }
0x243: {  	v21 =	vld [tilespmem:s30+$0xFFFFFFC0];
	v19 =	vbroadcast v6, $0x2;
	v28 =	vbroadcast v6, $0x6;
	v22 =	vadd.f32 v22, v14  }
0x244: {  	v8 =	vld [tilespmem:s30+$0x70];
	v30 =	vbroadcast v6, $0x5;
	v13 =	vmul.f32 v13, v12;
	v17 =	vadd.f32 v18, v17  }
0x245: {  	v31 =	vbroadcast v6, $0x8;
	v23 =	vbroadcast v6, $0xA;
	v22 =	vadd.f32 v27, v22;
	v27 =	vld [tilespmem:s30+$0x0]  }
0x246: {  	v25 =	vld [tilespmem:s30+$0xFFFFFFB0];
	v18 =	vbroadcast v6, $0x4;
	v15 =	vmul.f32 v15, v19;
	v17 =	vadd.f32 v13, v17  }
0x247: {  	v11 =	vbroadcast v6, $0x9;
	v14 =	vbroadcast v6, $0x7;
	v12 =	vld [tilespmem:s30+$0x50];
	v22 =	vadd.f32 v16, v22  }
0x248: {  	v26 =	vmul.f32 v26, v28;
	v19 =	vld [tilespmem:s30+$0x20];
	v15 =	vadd.f32 v15, v17;
	v17 =	vmul.f32 v21, v18  }
0x249: {  	v16 =	vbroadcast v6, $0x1;
	v32 =	vadd.f32 v20, v22;
	v18 =	vbroadcast v6, $0x3;
	v21 =	vld [tilespmem:s30+$0xFFFFFFF0]  }
0x24a: {  	v13 =	vbroadcast v6, $0xF;
	v20 =	vld [tilespmem:s30+$0x40];
	v27 =	vmul.f32 v27, v31;
	v33 =	vadd.f32 v17, v15  }
0x24b: {  	v28 =	vadd.f32 v24, v32;
	v15 =	vbroadcast v6, $0xE;
	v22 =	vmul.f32 v25, v18;
	v25 =	vld [tilespmem:s30+$0x10]  }
0x24c: {  	s16 =	simm.s32 $0x280;
	s15 =	simm.s32 $0x80;
	v24 =	vld [tilespmem:s30+$0x60];
	v17 =	vbroadcast v6, $0xB;
	v18 =	vmul.f32 v29, v30;
	v26 =	vadd.f32 v26, v33  }
.LBB2_14:
0x24d: {  	s17 =	sshra.s32 s15, $0x2;
	v29 =	vld [tilespmem:s16+$0x30];
	p0 =	sne.s32 s15, $0x1FC0;
	s15 =	sadd.s32 $0x40, s15;
	v19 =	vmul.f32 v19, v23;
	v23 =	vbroadcast v6, $0xD;
	v10 =	vadd.f32 v10, v28  }
0x24e: {  	v16 =	vmul.f32 v7, v16;
	v6 =	vld [tilespmem:s17+$0xB010];
	v21 =	vmul.f32 v21, v14;
	v14 =	vadd.f32 v27, v26  }
0x24f: {  	v7 =	vld [tilespmem:s16+$0xFFFFFF90];
	v9 =	vmul.f32 v20, v9;
	v26 =	vmul.f32 v12, v23  }
0x250: {  	v16 =	vadd.f32 v16, v10;
	v12 =	vld [tilespmem:s16+$0xFFFFFF80];
	v20 =	vmul.f32 v25, v11;
	v11 =	vadd.f32 v19, v14  }
0x251: {  	v10 =	vmul.f32 v8, v13;
	v25 =	vld [tilespmem:s16+$0xFFFFFFB0];
	v15 =	vmul.f32 v24, v15  }
0x252: {  	v17 =	vmul.f32 v5, v17;
	v14 =	vadd.f32 v22, v16;
	v13 =	vld [tilespmem:s16+$0xFFFFFFA0];
	v16 =	vadd.f32 v9, v11;
	v5 =	vmovc v29  }
0x253: {  	v19 =	vbroadcast v6, $0x0;
	v9 =	vbroadcast v6, $0xC;
	v8 =	vld [tilespmem:s16+$0x70]  }
0x254: {  	v22 =	vbroadcast v6, $0x2;
	v11 =	vbroadcast v6, $0x9;
	v18 =	vadd.f32 v18, v14;
	v23 =	vld [tilespmem:s16+$0xFFFFFFC0]  }
0x255: {  	v14 =	vbroadcast v6, $0x7;
	v15 =	vadd.f32 v15, v16;
	v19 =	vmul.f32 v12, v19;
	v12 =	vld [tilespmem:s16+$0x50]  }
0x256: {  	v24 =	vbroadcast v6, $0x4;
	v28 =	vbroadcast v6, $0x6;
	v16 =	vadd.f32 v21, v18;
	v27 =	vld [tilespmem:s16+$0xFFFFFFE0]  }
0x257: {  	v15 =	vadd.f32 v19, v15;
	v18 =	vmul.f32 v13, v22;
	v29 =	vld [tilespmem:s16+$0x0];
	v13 =	vbroadcast v6, $0xF  }
0x258: {  	v31 =	vbroadcast v6, $0x5;
	v32 =	vbroadcast v6, $0x8;
	v20 =	vadd.f32 v20, v16;
	v30 =	vld [tilespmem:s16+$0xFFFFFFD0]  }
.Ltmp6:
0x259: {  	v16 =	vbroadcast v6, $0x1;
	v15 =	vadd.f32 v18, v15;
	v18 =	vmul.f32 v23, v24;
	v19 =	vld [tilespmem:s16+$0x20];
	(pc) =	sbr.rel @p0 .LBB2_14-.Ltmp6, $4  }
0x25a: {  	v22 =	vbroadcast v6, $0x3;
	v23 =	vbroadcast v6, $0xA;
	v24 =	vadd.f32 v17, v20;
	v21 =	vld [tilespmem:s16+$0xFFFFFFF0]  }
0x25b: {  	v33 =	vadd.f32 v18, v15;
	v27 =	vmul.f32 v27, v28;
	v20 =	vld [tilespmem:s16+$0x40];
	v15 =	vbroadcast v6, $0xE  }
0x25c: {  	v22 =	vmul.f32 v25, v22;
	v17 =	vbroadcast v6, $0xB;
	v28 =	vadd.f32 v26, v24;
	v25 =	vld [tilespmem:s16+$0x10]  }
0x25d: {  	v18 =	vmul.f32 v30, v31;
	v26 =	vadd.f32 v27, v33;
	v27 =	vmul.f32 v29, v32;
	v24 =	vld [tilespmem:s16+$0x60];
	s16 =	sadd.s32 $0x100, s16  }
0x25e: {  	v10 =	vadd.f32 v10, v28;
	v7 =	vmul.f32 v7, v16;
	_ =	sdelay $0x1  }
0x25f: {  	v7 =	vadd.f32 v7, v10;
	_ =	sdelay $0x1  }
0x260: {  	v7 =	vadd.f32 v22, v7;
	_ =	sdelay $0x1  }
0x261: {  	v10 =	vmul.f32 v21, v14;
	v7 =	vadd.f32 v18, v7;
	_ =	sdelay $0x1  }
0x262: {  	v11 =	vmul.f32 v25, v11;
	v7 =	vadd.f32 v10, v7  }
0x263: {  	v6 =	vbroadcast v6, $0xD;
	v5 =	vmul.f32 v5, v17  }
0x264: {  	v14 =	vadd.f32 v27, v26;
	v10 =	vmul.f32 v19, v23;
	v7 =	vadd.f32 v11, v7  }
0x265: {  	v9 =	vmul.f32 v20, v9  }
0x266: {  	v6 =	vmul.f32 v12, v6;
	v10 =	vadd.f32 v10, v14;
	v5 =	vadd.f32 v5, v7  }
0x267: {  	v8 =	vmul.f32 v8, v13  }
0x268: {  	v7 =	vmul.f32 v24, v15;
	v9 =	vadd.f32 v9, v10;
	v5 =	vadd.f32 v6, v5;
	_ =	sdelay $0x1  }
0x269: {  	v6 =	vadd.f32 v7, v9;
	v5 =	vadd.f32 v8, v5;
	_ =	sdelay $0x1  }
0x26a: {  	v5 =	vadd.f32 v5, v6;
	_ =	sdelay $0x1  }
0x26b: {  	v6 =	vperm.xlane v5, v0;
	_ =	sdelay $0x1  }
0x26c: {  	v6 =	vmax.f32 v5, v6  }
0x26d: {  	v7 =	vperm.xlane v6, v1;
	_ =	sdelay $0x1  }
0x26e: {  	v6 =	vmax.f32 v6, v7  }
0x26f: {  	v7 =	vperm.xlane v6, v2;
	_ =	sdelay $0x1  }
0x270: {  	v6 =	vmax.f32 v6, v7  }
0x271: {  	v7 =	vperm.xlane v6, v3;
	_ =	sdelay $0x1  }
0x272: {  	v6 =	vmax.f32 v6, v7  }
0x273: {  	v5 =	vsub.f32 v5, v6;
	_ =	sdelay $0x1  }
0x274: {  	v5 =	vmul.f32 $1.442695020e+00, v5;
	_ =	sdelay $0x1  }
0x275: {  	(erf) = vpow2.f32 v5;
	_ =	sdelay $0x8  }
0x276: {  	v5 =	vpop (erf)  }
0x277: {  	v6 =	vperm.xlane v5, v0;
	_ =	sdelay $0x1  }
0x278: {  	v6 =	vadd.f32 v5, v6;
	_ =	sdelay $0x1  }
0x279: {  	v7 =	vperm.xlane v6, v1;
	_ =	sdelay $0x1  }
0x27a: {  	v6 =	vadd.f32 v6, v7;
	_ =	sdelay $0x1  }
0x27b: {  	v7 =	vperm.xlane v6, v2;
	_ =	sdelay $0x1  }
0x27c: {  	v6 =	vadd.f32 v6, v7;
	_ =	sdelay $0x1  }
0x27d: {  	v7 =	vperm.xlane v6, v3;
	_ =	sdelay $0x1  }
0x27e: {  	v6 =	vadd.f32 v6, v7;
	_ =	sdelay $0x1  }
0x27f: {  	(erf) = vrcp.f32 v6;
	_ =	sdelay $0x8  }
0x280: {  	v6 =	vpop (erf)  }
0x281: {  	v5 =	vmul.f32 v6, v5;
	_ =	sdelay $0x1  }
0x282: {  	s15 =	simm.s32 $0x80;
	[tilespmem:$0xC070] =	vst v5  }
0x283: {  	s16 =	simm.s32 $0x0;
	v7 =	vld [tilespmem:s15+$0x30]  }
0x284: {  	v5 =	vld [tilespmem:s16+$0xB810]  }
0x285: {  	v6 =	vld [tilespmem:s15+$0xFFFFFF90]  }
0x286: {  	v8 =	vld [tilespmem:s15+$0xFFFFFF80]  }
0x287: {  	v9 =	vld [tilespmem:s15+$0xFFFFFFB0]  }
0x288: {  	v10 =	vld [tilespmem:s15+$0xFFFFFFA0]  }
0x289: {  	v11 =	vld [tilespmem:s15+$0x70];
	v12 =	vbroadcast v5, $0x0  }
0x28a: {  	v14 =	vld [tilespmem:s15+$0xFFFFFFC0];
	v13 =	vbroadcast v5, $0xC;
	v15 =	vbroadcast v5, $0x2  }
0x28b: {  	v17 =	vld [tilespmem:s15+$0x50];
	v16 =	vbroadcast v5, $0x9;
	v19 =	vbroadcast v5, $0x4  }
0x28c: {  	v21 =	vld [tilespmem:s15+$0x0];
	v20 =	vbroadcast v5, $0x6;
	v8 =	vmul.f32 v8, v12  }
0x28d: {  	v18 =	vld [tilespmem:s15+$0xFFFFFFE0];
	v22 =	vbroadcast v5, $0x5;
	v23 =	vbroadcast v5, $0x8  }
0x28e: {  	v24 =	vld [tilespmem:s15+$0x20];
	v25 =	vbroadcast v5, $0x1;
	v4 =	vadd.f32 v8, v4;
	v8 =	vmul.f32 v10, v15  }
0x28f: {  	v27 =	vld [tilespmem:s15+$0x40];
	v26 =	vbroadcast v5, $0xA;
	v28 =	vbroadcast v5, $0xB  }
0x290: {  	v12 =	vbroadcast v5, $0x7;
	v15 =	vld [tilespmem:s15+$0xFFFFFFD0];
	v4 =	vadd.f32 v8, v4;
	v8 =	vmul.f32 v14, v19  }
0x291: {  	v21 =	vmul.f32 v21, v23;
	v14 =	vld [tilespmem:s15+$0xFFFFFFF0];
	v19 =	vbroadcast v5, $0x3  }
0x292: {  	v23 =	vbroadcast v5, $0xD;
	v4 =	vadd.f32 v8, v4;
	v8 =	vmul.f32 v18, v20;
	v20 =	vld [tilespmem:s15+$0x10]  }
0x293: {  	s31 =	simm.s32 $0x10;
	v25 =	vmul.f32 v6, v25;
	v19 =	vmul.f32 v9, v19;
	v9 =	vld [tilespmem:s15+$0x60]  }
0x294: {  	s30 =	simm.s32 $0x180;
	v10 =	vbroadcast v5, $0xF;
	v18 =	vbroadcast v5, $0xE;
	v5 =	vld [tilespmem:s31+$0xB810];
	v8 =	vadd.f32 v8, v4  }
0x295: {  	v29 =	vld [tilespmem:s30+$0xFFFFFFD0];
	v24 =	vmul.f32 v24, v26;
	v13 =	vmul.f32 v27, v13  }
0x296: {  	v6 =	vld [tilespmem:s30+$0xFFFFFF90];
	v15 =	vmul.f32 v15, v22;
	v22 =	vimm.f32 $0.0e+00;
	v8 =	vadd.f32 v21, v8  }
0x297: {  	v17 =	vmul.f32 v17, v23;
	v12 =	vmul.f32 v14, v12;
	v14 =	vld [tilespmem:s30+$0xFFFFFF80];
	v21 =	vadd.f32 v25, v22  }
0x298: {  	v23 =	vld [tilespmem:s30+$0xFFFFFFB0];
	v16 =	vmul.f32 v20, v16;
	v18 =	vmul.f32 v9, v18;
	v8 =	vadd.f32 v24, v8  }
0x299: {  	v9 =	vmul.f32 v11, v10;
	v20 =	vld [tilespmem:s30+$0xFFFFFFA0];
	v22 =	vbroadcast v5, $0x2;
	v11 =	vadd.f32 v19, v21  }
0x29a: {  	v25 =	vld [tilespmem:s30+$0xFFFFFFE0];
	v10 =	vbroadcast v5, $0x9;
	v21 =	vadd.f32 v13, v8;
	v13 =	vbroadcast v5, $0x0  }
0x29b: {  	v26 =	vbroadcast v5, $0x6;
	v30 =	vbroadcast v5, $0x5;
	v24 =	vld [tilespmem:s30+$0xFFFFFFC0];
	v15 =	vadd.f32 v15, v11  }
0x29c: {  	v19 =	vmul.f32 v7, v28;
	v28 =	vld [tilespmem:s30+$0x0];
	v14 =	vmul.f32 v14, v13;
	v18 =	vadd.f32 v18, v21  }
0x29d: {  	v4 =	vld [tilespmem:s30+$0x30];
	v31 =	vbroadcast v5, $0x8;
	v8 =	vbroadcast v5, $0xC;
	v15 =	vadd.f32 v12, v15  }
0x29e: {  	v7 =	vld [tilespmem:s30+$0x70];
	v21 =	vbroadcast v5, $0x4;
	v14 =	vadd.f32 v14, v18;
	v18 =	vmul.f32 v20, v22  }
0x29f: {  	v11 =	vld [tilespmem:s30+$0x50];
	v25 =	vmul.f32 v25, v26;
	v13 =	vbroadcast v5, $0x7;
	v16 =	vadd.f32 v16, v15  }
0x2a0: {  	v12 =	vbroadcast v5, $0xF;
	v21 =	vmul.f32 v24, v21;
	v14 =	vadd.f32 v18, v14;
	v18 =	vld [tilespmem:s30+$0x20]  }
0x2a1: {  	v26 =	vmul.f32 v28, v31;
	v24 =	vbroadcast v5, $0x3;
	v20 =	vld [tilespmem:s30+$0xFFFFFFF0];
	v27 =	vadd.f32 v19, v16  }
0x2a2: {  	v15 =	vbroadcast v5, $0x1;
	v22 =	vbroadcast v5, $0xA;
	v19 =	vld [tilespmem:s30+$0x40];
	v32 =	vadd.f32 v21, v14  }
0x2a3: {  	v16 =	vbroadcast v5, $0xB;
	v21 =	vmul.f32 v23, v24;
	v24 =	vld [tilespmem:s30+$0x10];
	v27 =	vadd.f32 v17, v27  }
0x2a4: {  	s16 =	simm.s32 $0x280;
	s15 =	simm.s32 $0x80;
	v14 =	vbroadcast v5, $0xE;
	v17 =	vmul.f32 v29, v30;
	v23 =	vld [tilespmem:s30+$0x60];
	v25 =	vadd.f32 v25, v32  }
.LBB2_16:
0x2a5: {  	s17 =	sshra.s32 s15, $0x2;
	v28 =	vld [tilespmem:s16+$0x30];
	p0 =	sne.s32 s15, $0x1FC0;
	s15 =	sadd.s32 $0x40, s15;
	v18 =	vmul.f32 v18, v22;
	v22 =	vbroadcast v5, $0xD;
	v9 =	vadd.f32 v9, v27  }
0x2a6: {  	v15 =	vmul.f32 v6, v15;
	v5 =	vld [tilespmem:s17+$0xB810];
	v20 =	vmul.f32 v20, v13;
	v13 =	vadd.f32 v26, v25  }
0x2a7: {  	v6 =	vld [tilespmem:s16+$0xFFFFFF90];
	v8 =	vmul.f32 v19, v8;
	v25 =	vmul.f32 v11, v22  }
0x2a8: {  	v15 =	vadd.f32 v15, v9;
	v11 =	vld [tilespmem:s16+$0xFFFFFF80];
	v19 =	vmul.f32 v24, v10;
	v10 =	vadd.f32 v18, v13  }
0x2a9: {  	v9 =	vmul.f32 v7, v12;
	v24 =	vld [tilespmem:s16+$0xFFFFFFB0];
	v14 =	vmul.f32 v23, v14  }
0x2aa: {  	v16 =	vmul.f32 v4, v16;
	v13 =	vadd.f32 v21, v15;
	v12 =	vld [tilespmem:s16+$0xFFFFFFA0];
	v15 =	vadd.f32 v8, v10;
	v4 =	vmovc v28  }
0x2ab: {  	v18 =	vbroadcast v5, $0x0;
	v8 =	vbroadcast v5, $0xC;
	v7 =	vld [tilespmem:s16+$0x70]  }
0x2ac: {  	v21 =	vbroadcast v5, $0x2;
	v10 =	vbroadcast v5, $0x9;
	v17 =	vadd.f32 v17, v13;
	v22 =	vld [tilespmem:s16+$0xFFFFFFC0]  }
0x2ad: {  	v13 =	vbroadcast v5, $0x7;
	v14 =	vadd.f32 v14, v15;
	v18 =	vmul.f32 v11, v18;
	v11 =	vld [tilespmem:s16+$0x50]  }
0x2ae: {  	v23 =	vbroadcast v5, $0x4;
	v27 =	vbroadcast v5, $0x6;
	v15 =	vadd.f32 v20, v17;
	v26 =	vld [tilespmem:s16+$0xFFFFFFE0]  }
0x2af: {  	v14 =	vadd.f32 v18, v14;
	v17 =	vmul.f32 v12, v21;
	v28 =	vld [tilespmem:s16+$0x0];
	v12 =	vbroadcast v5, $0xF  }
0x2b0: {  	v30 =	vbroadcast v5, $0x5;
	v31 =	vbroadcast v5, $0x8;
	v19 =	vadd.f32 v19, v15;
	v29 =	vld [tilespmem:s16+$0xFFFFFFD0]  }
.Ltmp7:
0x2b1: {  	v15 =	vbroadcast v5, $0x1;
	v14 =	vadd.f32 v17, v14;
	v17 =	vmul.f32 v22, v23;
	v18 =	vld [tilespmem:s16+$0x20];
	(pc) =	sbr.rel @p0 .LBB2_16-.Ltmp7, $4  }
0x2b2: {  	v21 =	vbroadcast v5, $0x3;
	v22 =	vbroadcast v5, $0xA;
	v23 =	vadd.f32 v16, v19;
	v20 =	vld [tilespmem:s16+$0xFFFFFFF0]  }
0x2b3: {  	v32 =	vadd.f32 v17, v14;
	v26 =	vmul.f32 v26, v27;
	v19 =	vld [tilespmem:s16+$0x40];
	v14 =	vbroadcast v5, $0xE  }
0x2b4: {  	v21 =	vmul.f32 v24, v21;
	v16 =	vbroadcast v5, $0xB;
	v27 =	vadd.f32 v25, v23;
	v24 =	vld [tilespmem:s16+$0x10]  }
0x2b5: {  	v17 =	vmul.f32 v29, v30;
	v25 =	vadd.f32 v26, v32;
	v26 =	vmul.f32 v28, v31;
	v23 =	vld [tilespmem:s16+$0x60];
	s16 =	sadd.s32 $0x100, s16  }
0x2b6: {  	v9 =	vadd.f32 v9, v27;
	v6 =	vmul.f32 v6, v15;
	_ =	sdelay $0x1  }
0x2b7: {  	v6 =	vadd.f32 v6, v9;
	_ =	sdelay $0x1  }
0x2b8: {  	v6 =	vadd.f32 v21, v6;
	_ =	sdelay $0x1  }
0x2b9: {  	v58 =	vmul.f32 v20, v13;
	v6 =	vadd.f32 v17, v6;
	_ =	sdelay $0x1  }
0x2ba: {  	v10 =	vmul.f32 v24, v10;
	v6 =	vadd.f32 v58, v6  }
0x2bb: {  	v59 =	vmul.f32 v18, v22;
	v5 =	vbroadcast v5, $0xD  }
0x2bc: {  	v4 =	vmul.f32 v4, v16;
	v60 =	vadd.f32 v26, v25;
	v6 =	vadd.f32 v10, v6  }
0x2bd: {  	v8 =	vmul.f32 v19, v8  }
0x2be: {  	v5 =	vmul.f32 v11, v5;
	v9 =	vadd.f32 v59, v60;
	v4 =	vadd.f32 v4, v6  }
0x2bf: {  	v7 =	vmul.f32 v7, v12  }
0x2c0: {  	v61 =	vmul.f32 v23, v14;
	v8 =	vadd.f32 v8, v9;
	v4 =	vadd.f32 v5, v4;
	_ =	sdelay $0x1  }
0x2c1: {  	v5 =	vadd.f32 v61, v8;
	v4 =	vadd.f32 v7, v4;
	_ =	sdelay $0x1  }
0x2c2: {  	v4 =	vadd.f32 v4, v5;
	_ =	sdelay $0x1  }
0x2c3: {  	v5 =	vperm.xlane v4, v0;
	_ =	sdelay $0x1  }
0x2c4: {  	v5 =	vmax.f32 v4, v5  }
0x2c5: {  	v62 =	vperm.xlane v5, v1;
	_ =	sdelay $0x1  }
0x2c6: {  	v5 =	vmax.f32 v5, v62  }
0x2c7: {  	v6 =	vperm.xlane v5, v2;
	_ =	sdelay $0x1  }
0x2c8: {  	v5 =	vmax.f32 v5, v6  }
0x2c9: {  	v6 =	vperm.xlane v5, v3;
	_ =	sdelay $0x1  }
0x2ca: {  	v5 =	vmax.f32 v5, v6  }
0x2cb: {  	v4 =	vsub.f32 v4, v5;
	_ =	sdelay $0x1  }
0x2cc: {  	v4 =	vmul.f32 $1.442695020e+00, v4;
	_ =	sdelay $0x1  }
0x2cd: {  	(erf) = vpow2.f32 v4;
	_ =	sdelay $0x8  }
0x2ce: {  	v4 =	vpop (erf)  }
0x2cf: {  	v5 =	vperm.xlane v4, v0;
	_ =	sdelay $0x1  }
0x2d0: {  	v5 =	vadd.f32 v4, v5;
	_ =	sdelay $0x1  }
0x2d1: {  	v63 =	vperm.xlane v5, v1;
	_ =	sdelay $0x1  }
0x2d2: {  	v5 =	vadd.f32 v5, v63;
	_ =	sdelay $0x1  }
0x2d3: {  	v6 =	vperm.xlane v5, v2;
	_ =	sdelay $0x1  }
0x2d4: {  	v5 =	vadd.f32 v5, v6;
	_ =	sdelay $0x1  }
0x2d5: {  	v6 =	vperm.xlane v5, v3;
	_ =	sdelay $0x1  }
0x2d6: {  	v5 =	vadd.f32 v5, v6;
	_ =	sdelay $0x1  }
0x2d7: {  	(erf) = vrcp.f32 v5;
	_ =	sdelay $0x8  }
0x2d8: {  	v5 =	vpop (erf)  }
0x2d9: {  	s14 =	sadd.s32 $0x1, s14;
	v4 =	vmul.f32 v5, v4  }
0x2da: {  	p0 =	sne.s32 s14, s7  }
.Ltmp8:
0x2db: {  	[tilespmem:$0xC080] =	vst v4;
	(pc) =	sbr.rel @p0 .LBB2_1-.Ltmp8, $4  }
0x2dc: {  	[hbm4b:s6+s4] =	stream.linear.scatter [tilespmem:s13], [sflag:$0x3], $0x80, $0x38;
	[tilespmem:$0xC090] =	vst v63  }
0x2dd: {  	_ =	swait.ge [sflag:s10], $0x80  }
0x2de: {  	[sflag:s10] =	ssyncset.done $0x0  }
0x2df: {  	[sflag:s10] =	ssyncadd.s32 $0xFFFFFF80  }
0x2e0: {  	_ =	sfence.sel $0x180000  }
0x2e1: {  	[bflag:$0x0] =	sbarrier.arrive $0xFFFF  }
0x2e2: {  	p0 =	sne.s32 s2, $0x0;
	_ =	strace $0x90000047  }
0x2e3: {  	s0 =	sadd.s32 @!p0 $0x100000, s0;
	[bflag:$0x2] =	sbarrier.arrive $0xFFFF  }
0x2e4: {  	[sflag:s0] =	ssyncadd.tile.s32 @!p0 $0x1;
	_ =	shalt  }
.Lfunc_end2:
_tile_overlayer_lowered:
.L_overlay_start_2:
0x2e5: {  	(tag) =	ssettag $0x2  }
0x2e6: {  	s0 =	rddreg [dreg:$0x0];
	s2 =	stileid.u32  }
0x2e7: {  	s1 =	rddreg [dreg:$0x1];
	p0 =	sne.s32 s2, $0x0  }
0x2e8: {  	s3 =	rddreg [dreg:$0x2];
	[bflag:$0x3] =	sbarrier.arrive $0xFFFF;
	s2 =	simm.s32 @!p0 $0x1C03  }
0x2e9: {  	[timem:s3], [sflag:s2] =	dma.local @!p0 [hbm:s0], s1  }
0x2ea: {  	s0 =	simm.s32 @!p0 $0x3  }
0x2eb: {  	_ =	swait.ge @!p0 [sflag:s0], s1  }
0x2ec: {  	s1 =	ssub.s32 @!p0 $0x0, s1;
	[sflag:s0] =	ssyncset.done @!p0 $0x0  }
0x2ed: {  	[sflag:s0] =	ssyncadd.s32 @!p0 s1  }
0x2ee: {  	[bflag:$0x3] =	sbarrier.arrive $0xFFFF  }
0x2ef: {  	_ =	shalt  }

</sc_bundles>
